<compile_context>
chip_gen: v7x
topology: tpu7x:2x2x1
jax: 0.10.2.dev20260603
libtpu: 0.0.44.dev20260713+nightly
codegen_flags: <defaults>
</compile_context>

<pallas_src>
import jax
import jax.numpy as jnp
from jax import lax
from jax.experimental import pallas as pl
from jax.experimental.pallas import tpu as pltpu
from jax.experimental.pallas import tpu_sc as plsc

NUM_EMB = 1000000
D = 32
B_TOK = 16384
S_TOK = 50

NC = 2
NS = 16
NW = NC * NS
BATCH_PER_W = B_TOK // NW

NBATCH = 4
CHUNK = NBATCH * S_TOK
N_CHUNKS = BATCH_PER_W // NBATCH
NBUF = 8
LOOKAHEAD = 6


def _body(idx_hbm, table_hbm, out_hbm, idx_v, rows_v, *sems):
    gsem = sems[:NBUF]
    ssem = sems[NBUF:]
    wid = lax.axis_index("s") * NC + lax.axis_index("c")
    b0 = wid * BATCH_PER_W
    pltpu.sync_copy(idx_hbm.at[pl.ds(b0, BATCH_PER_W)], idx_v)

    def gather(c, b):
        for j in range(NBATCH):
            pltpu.async_copy(
                table_hbm.at[idx_v.at[c * NBATCH + j]],
                rows_v.at[b, j], gsem[b])

    def gather_wait(b):
        for j in range(NBATCH):
            pltpu.make_async_copy(
                table_hbm.at[idx_v.at[j]],
                rows_v.at[b, j], gsem[b]).wait()

    def scatter(c, b):
        pltpu.async_copy(
            rows_v.at[b],
            out_hbm.at[pl.ds(b0 + c * NBATCH, NBATCH), 0:S_TOK, 0:D],
            ssem[b])

    def scatter_wait(b):
        pltpu.make_async_copy(
            rows_v.at[b],
            out_hbm.at[pl.ds(b0, NBATCH), 0:S_TOK, 0:D], ssem[b]).wait()

    for c in range(LOOKAHEAD):
        gather(c, c)

    def group(i, carry):
        for b in range(NBUF):
            c = i * NBUF + b
            gather_wait(b)
            scatter(c, b)
            c2 = c + LOOKAHEAD
            b2 = (b + LOOKAHEAD) % NBUF

            @pl.when(c2 < N_CHUNKS)
            def _():
                @pl.when(c2 >= NBUF)
                def _():
                    scatter_wait(b2)
                gather(c2, b2)
        return carry

    lax.fori_loop(0, N_CHUNKS // NBUF, group, 0)

    for b in range(NBUF):
        scatter_wait(b)


S_PAD = 56
D_PAD = 128

def _mesh():
    return plsc.VectorSubcoreMesh(
        core_axis_name="c", subcore_axis_name="s", num_cores=NC,
        num_subcores=NS)


@jax.jit
def _gather(idx, weight):
    f = pl.kernel(
        _body,
        out_type=jax.ShapeDtypeStruct((B_TOK, S_PAD, D_PAD), jnp.float32),
        mesh=_mesh(),
        scratch_types=[
            pltpu.VMEM((BATCH_PER_W, S_TOK), jnp.int32),
            pltpu.VMEM((NBUF, NBATCH, S_TOK, D), jnp.float32),
        ] + [pltpu.SemaphoreType.DMA] * (2 * NBUF),
        compiler_params=pltpu.CompilerParams(use_tc_tiling_on_sc=False),
    )
    zpad = f(idx, weight)
    return lax.slice(zpad, (0, 0, 0), (B_TOK, S_TOK, D))


def kernel(token_ids, weight):
    return _gather(token_ids.astype(jnp.int32), weight)

# --- scband reference (transcript-rebuilt; emitter-appended) ---
"""Pipeline reference for scband-embedding-68083821576725 (READ-ONLY COPY).

The authoritative reference and input builder live on the scoring server;
editing this copy changes nothing except your own understanding.
"""

import jax, jax.numpy as jnp
import numpy as np

NUM_EMBEDDINGS = 1000000
EMBEDDING_DIM = 32

def setup_inputs(seed: int = 0) -> dict:
    key = jax.random.key(seed)
    k_idx, k_w = jax.random.split(key)
    token_ids = jax.random.randint(k_idx, (16384, 50), 0, NUM_EMBEDDINGS, dtype=jnp.int64 if jax.config.jax_enable_x64 else jnp.int32)
    # trunc_normal_(mean=0, std=1, a=-3, b=-3) approximation via truncated normal
    weight = jax.random.truncated_normal(k_w, -3.0, 3.0, (NUM_EMBEDDINGS, EMBEDDING_DIM), dtype=jnp.float32)
    return {"token_ids": token_ids, "weight": weight}

def reference(token_ids, weight):
    # Embedding lookup: weight[token_ids]
    return jnp.take(weight, token_ids, axis=0)

if __name__ == "__main__":
    import jax
    _d = setup_inputs()
    print(jax.jit(kernel)(*tuple(_d.values())))

</pallas_src>

<mosaic_0001>
#map = affine_map<(d0, d1) -> (0, 0)>
#map1 = affine_map<(d0, d1) -> (0, 0, 0)>
module attributes {stable_mosaic.version = 14 : i64} {
  func.func @_body(%arg0: i32, %arg1: i32, %arg2: memref<16384x50xi32, #tpu.memory_space<hbm>>, %arg3: memref<1000000x32xf32, #tpu.memory_space<hbm>>, %arg4: memref<16384x56x128xf32, #tpu.memory_space<hbm>>, %arg5: memref<512x50xi32, #tpu.memory_space<vmem>>, %arg6: memref<8x4x50x32xf32, #tpu.memory_space<vmem>>, %arg7: memref<!tpu.dma_semaphore, #tpu.memory_space<semaphore_mem>>, %arg8: memref<!tpu.dma_semaphore, #tpu.memory_space<semaphore_mem>>, %arg9: memref<!tpu.dma_semaphore, #tpu.memory_space<semaphore_mem>>, %arg10: memref<!tpu.dma_semaphore, #tpu.memory_space<semaphore_mem>>, %arg11: memref<!tpu.dma_semaphore, #tpu.memory_space<semaphore_mem>>, %arg12: memref<!tpu.dma_semaphore, #tpu.memory_space<semaphore_mem>>, %arg13: memref<!tpu.dma_semaphore, #tpu.memory_space<semaphore_mem>>, %arg14: memref<!tpu.dma_semaphore, #tpu.memory_space<semaphore_mem>>, %arg15: memref<!tpu.dma_semaphore, #tpu.memory_space<semaphore_mem>>, %arg16: memref<!tpu.dma_semaphore, #tpu.memory_space<semaphore_mem>>, %arg17: memref<!tpu.dma_semaphore, #tpu.memory_space<semaphore_mem>>, %arg18: memref<!tpu.dma_semaphore, #tpu.memory_space<semaphore_mem>>, %arg19: memref<!tpu.dma_semaphore, #tpu.memory_space<semaphore_mem>>, %arg20: memref<!tpu.dma_semaphore, #tpu.memory_space<semaphore_mem>>, %arg21: memref<!tpu.dma_semaphore, #tpu.memory_space<semaphore_mem>>, %arg22: memref<!tpu.dma_semaphore, #tpu.memory_space<semaphore_mem>>) attributes {dimension_semantics = [#tpu.dimension_semantics<core_parallel>, #tpu.dimension_semantics<subcore_parallel>], iteration_bounds = array<i64: 2, 16>, scalar_prefetch = 0 : i64, scratch_operands = 18 : i64, tpu.core_type = #tpu.core_type<sc_vector_subcore>, window_params = [{transform_indices = #map}, {transform_indices = #map}, {transform_indices = #map1}]} {
    %mul3A = arith.constant 2 : i32
    %mul3A_0 = arith.muli %arg1, %mul3A : i32
    %add3A = arith.addi %mul3A_0, %arg0 : i32
    %mul3A_1 = arith.constant 512 : i32
    %mul3A_2 = arith.muli %add3A, %mul3A_1 : i32
    "tpu.region"() ({
      %run_scoped3A = tpu.sem_alloc : memref<!tpu.dma_semaphore, #tpu.memory_space<semaphore_mem>>
      %dma_start3A_454 = arith.constant 0 : i32
      %dma_start3A_455 = tpu.memref_slice %arg2[%mul3A_2, %dma_start3A_454] : memref<16384x50xi32, #tpu.memory_space<hbm>> -> memref<512x50xi32, #tpu.memory_space<hbm>>
      %dma_start3A_456 = arith.constant 0 : i32
      %dma_start3A_457 = tpu.memref_slice %arg2[%mul3A_2, %dma_start3A_456] : memref<16384x50xi32, #tpu.memory_space<hbm>> -> memref<512x50xi32, #tpu.memory_space<hbm>>
      tpu.enqueue_dma source(%dma_start3A_457 : memref<512x50xi32, #tpu.memory_space<hbm>>) target(%arg5 : memref<512x50xi32, #tpu.memory_space<vmem>>) target_semaphore(%run_scoped3A : memref<!tpu.dma_semaphore, #tpu.memory_space<semaphore_mem>>)
      %dma_wait3A_458 = arith.constant 0 : i32
      %dma_wait3A_459 = tpu.memref_slice %arg2[%mul3A_2, %dma_wait3A_458] : memref<16384x50xi32, #tpu.memory_space<hbm>> -> memref<512x50xi32, #tpu.memory_space<hbm>>
      %dma_wait3A_460 = arith.constant 0 : i32
      %dma_wait3A_461 = tpu.memref_slice %arg2[%mul3A_2, %dma_wait3A_460] : memref<16384x50xi32, #tpu.memory_space<hbm>> -> memref<512x50xi32, #tpu.memory_space<hbm>>
      tpu.wait_dma2 semaphore(%run_scoped3A : memref<!tpu.dma_semaphore, #tpu.memory_space<semaphore_mem>>) src(%dma_wait3A_461 : memref<512x50xi32, #tpu.memory_space<hbm>>) dst(%arg5 : memref<512x50xi32, #tpu.memory_space<vmem>>)
      tpu.yield
    }) : () -> ()
    %dma_start3A = arith.constant 0 : i32
    %dma_start3A_3 = arith.constant 0 : i32
    %dma_start3A_4 = arith.constant 0 : i32
    %dma_start3A_5 = arith.constant 0 : i32
    %dma_start3A_6 = arith.constant 0 : i32
    %dma_start3A_7 = tpu.memref_slice %arg6[%dma_start3A_3, %dma_start3A_4, %dma_start3A_5, %dma_start3A_6] : memref<8x4x50x32xf32, #tpu.memory_space<vmem>> -> memref<1x1x50x32xf32, #tpu.memory_space<vmem>>
    %dma_start3A_8 = tpu.memref_squeeze %dma_start3A_7 : memref<1x1x50x32xf32, #tpu.memory_space<vmem>> -> memref<50x32xf32, #tpu.memory_space<vmem>>
    %dma_start3A_9 = arith.constant 0 : i32
    %dma_start3A_10 = tpu.memref_slice %arg5[%dma_start3A, %dma_start3A_9] : memref<512x50xi32, #tpu.memory_space<vmem>> -> memref<1x50xi32, #tpu.memory_space<vmem>>
    %dma_start3A_11 = tpu.memref_squeeze %dma_start3A_10 : memref<1x50xi32, #tpu.memory_space<vmem>> -> memref<50xi32, #tpu.memory_space<vmem>>
    %dma_start3A_12 = arith.constant 0 : i32
    %dma_start3A_13 = arith.constant 0 : i32
    %dma_start3A_14 = tpu.memref_slice %arg3[%dma_start3A_12, %dma_start3A_13] : memref<1000000x32xf32, #tpu.memory_space<hbm>> -> memref<1000000x32xf32, #tpu.memory_space<hbm>>
    tpu.enqueue_indirect_dma source(%dma_start3A_14 : memref<1000000x32xf32, #tpu.memory_space<hbm>>) target(%dma_start3A_8 : memref<50x32xf32, #tpu.memory_space<vmem>>) offsets(%dma_start3A_11 : memref<50xi32, #tpu.memory_space<vmem>>) semaphore(%arg7 : memref<!tpu.dma_semaphore, #tpu.memory_space<semaphore_mem>>)
    %dma_start3A_15 = arith.constant 1 : i32
    %dma_start3A_16 = arith.constant 0 : i32
    %dma_start3A_17 = arith.constant 1 : i32
    %dma_start3A_18 = arith.constant 0 : i32
    %dma_start3A_19 = arith.constant 0 : i32
    %dma_start3A_20 = tpu.memref_slice %arg6[%dma_start3A_16, %dma_start3A_17, %dma_start3A_18, %dma_start3A_19] : memref<8x4x50x32xf32, #tpu.memory_space<vmem>> -> memref<1x1x50x32xf32, #tpu.memory_space<vmem>>
    %dma_start3A_21 = tpu.memref_squeeze %dma_start3A_20 : memref<1x1x50x32xf32, #tpu.memory_space<vmem>> -> memref<50x32xf32, #tpu.memory_space<vmem>>
    %dma_start3A_22 = arith.constant 0 : i32
    %dma_start3A_23 = tpu.memref_slice %arg5[%dma_start3A_15, %dma_start3A_22] : memref<512x50xi32, #tpu.memory_space<vmem>> -> memref<1x50xi32, #tpu.memory_space<vmem>>
    %dma_start3A_24 = tpu.memref_squeeze %dma_start3A_23 : memref<1x50xi32, #tpu.memory_space<vmem>> -> memref<50xi32, #tpu.memory_space<vmem>>
    %dma_start3A_25 = arith.constant 0 : i32
    %dma_start3A_26 = arith.constant 0 : i32
    %dma_start3A_27 = tpu.memref_slice %arg3[%dma_start3A_25, %dma_start3A_26] : memref<1000000x32xf32, #tpu.memory_space<hbm>> -> memref<1000000x32xf32, #tpu.memory_space<hbm>>
    tpu.enqueue_indirect_dma source(%dma_start3A_27 : memref<1000000x32xf32, #tpu.memory_space<hbm>>) target(%dma_start3A_21 : memref<50x32xf32, #tpu.memory_space<vmem>>) offsets(%dma_start3A_24 : memref<50xi32, #tpu.memory_space<vmem>>) semaphore(%arg7 : memref<!tpu.dma_semaphore, #tpu.memory_space<semaphore_mem>>)
    %dma_start3A_28 = arith.constant 2 : i32
    %dma_start3A_29 = arith.constant 0 : i32
    %dma_start3A_30 = arith.constant 2 : i32
    %dma_start3A_31 = arith.constant 0 : i32
    %dma_start3A_32 = arith.constant 0 : i32
    %dma_start3A_33 = tpu.memref_slice %arg6[%dma_start3A_29, %dma_start3A_30, %dma_start3A_31, %dma_start3A_32] : memref<8x4x50x32xf32, #tpu.memory_space<vmem>> -> memref<1x1x50x32xf32, #tpu.memory_space<vmem>>
    %dma_start3A_34 = tpu.memref_squeeze %dma_start3A_33 : memref<1x1x50x32xf32, #tpu.memory_space<vmem>> -> memref<50x32xf32, #tpu.memory_space<vmem>>
    %dma_start3A_35 = arith.constant 0 : i32
    %dma_start3A_36 = tpu.memref_slice %arg5[%dma_start3A_28, %dma_start3A_35] : memref<512x50xi32, #tpu.memory_space<vmem>> -> memref<1x50xi32, #tpu.memory_space<vmem>>
    %dma_start3A_37 = tpu.memref_squeeze %dma_start3A_36 : memref<1x50xi32, #tpu.memory_space<vmem>> -> memref<50xi32, #tpu.memory_space<vmem>>
    %dma_start3A_38 = arith.constant 0 : i32
    %dma_start3A_39 = arith.constant 0 : i32
    %dma_start3A_40 = tpu.memref_slice %arg3[%dma_start3A_38, %dma_start3A_39] : memref<1000000x32xf32, #tpu.memory_space<hbm>> -> memref<1000000x32xf32, #tpu.memory_space<hbm>>
    tpu.enqueue_indirect_dma source(%dma_start3A_40 : memref<1000000x32xf32, #tpu.memory_space<hbm>>) target(%dma_start3A_34 : memref<50x32xf32, #tpu.memory_space<vmem>>) offsets(%dma_start3A_37 : memref<50xi32, #tpu.memory_space<vmem>>) semaphore(%arg7 : memref<!tpu.dma_semaphore, #tpu.memory_space<semaphore_mem>>)
    %dma_start3A_41 = arith.constant 3 : i32
    %dma_start3A_42 = arith.constant 0 : i32
    %dma_start3A_43 = arith.constant 3 : i32
    %dma_start3A_44 = arith.constant 0 : i32
    %dma_start3A_45 = arith.constant 0 : i32
    %dma_start3A_46 = tpu.memref_slice %arg6[%dma_start3A_42, %dma_start3A_43, %dma_start3A_44, %dma_start3A_45] : memref<8x4x50x32xf32, #tpu.memory_space<vmem>> -> memref<1x1x50x32xf32, #tpu.memory_space<vmem>>
    %dma_start3A_47 = tpu.memref_squeeze %dma_start3A_46 : memref<1x1x50x32xf32, #tpu.memory_space<vmem>> -> memref<50x32xf32, #tpu.memory_space<vmem>>
    %dma_start3A_48 = arith.constant 0 : i32
    %dma_start3A_49 = tpu.memref_slice %arg5[%dma_start3A_41, %dma_start3A_48] : memref<512x50xi32, #tpu.memory_space<vmem>> -> memref<1x50xi32, #tpu.memory_space<vmem>>
    %dma_start3A_50 = tpu.memref_squeeze %dma_start3A_49 : memref<1x50xi32, #tpu.memory_space<vmem>> -> memref<50xi32, #tpu.memory_space<vmem>>
    %dma_start3A_51 = arith.constant 0 : i32
    %dma_start3A_52 = arith.constant 0 : i32
    %dma_start3A_53 = tpu.memref_slice %arg3[%dma_start3A_51, %dma_start3A_52] : memref<1000000x32xf32, #tpu.memory_space<hbm>> -> memref<1000000x32xf32, #tpu.memory_space<hbm>>
    tpu.enqueue_indirect_dma source(%dma_start3A_53 : memref<1000000x32xf32, #tpu.memory_space<hbm>>) target(%dma_start3A_47 : memref<50x32xf32, #tpu.memory_space<vmem>>) offsets(%dma_start3A_50 : memref<50xi32, #tpu.memory_space<vmem>>) semaphore(%arg7 : memref<!tpu.dma_semaphore, #tpu.memory_space<semaphore_mem>>)
    %dma_start3A_54 = arith.constant 4 : i32
    %dma_start3A_55 = arith.constant 1 : i32
    %dma_start3A_56 = arith.constant 0 : i32
    %dma_start3A_57 = arith.constant 0 : i32
    %dma_start3A_58 = arith.constant 0 : i32
    %dma_start3A_59 = tpu.memref_slice %arg6[%dma_start3A_55, %dma_start3A_56, %dma_start3A_57, %dma_start3A_58] : memref<8x4x50x32xf32, #tpu.memory_space<vmem>> -> memref<1x1x50x32xf32, #tpu.memory_space<vmem>>
    %dma_start3A_60 = tpu.memref_squeeze %dma_start3A_59 : memref<1x1x50x32xf32, #tpu.memory_space<vmem>> -> memref<50x32xf32, #tpu.memory_space<vmem>>
    %dma_start3A_61 = arith.constant 0 : i32
    %dma_start3A_62 = tpu.memref_slice %arg5[%dma_start3A_54, %dma_start3A_61] : memref<512x50xi32, #tpu.memory_space<vmem>> -> memref<1x50xi32, #tpu.memory_space<vmem>>
    %dma_start3A_63 = tpu.memref_squeeze %dma_start3A_62 : memref<1x50xi32, #tpu.memory_space<vmem>> -> memref<50xi32, #tpu.memory_space<vmem>>
    %dma_start3A_64 = arith.constant 0 : i32
    %dma_start3A_65 = arith.constant 0 : i32
    %dma_start3A_66 = tpu.memref_slice %arg3[%dma_start3A_64, %dma_start3A_65] : memref<1000000x32xf32, #tpu.memory_space<hbm>> -> memref<1000000x32xf32, #tpu.memory_space<hbm>>
    tpu.enqueue_indirect_dma source(%dma_start3A_66 : memref<1000000x32xf32, #tpu.memory_space<hbm>>) target(%dma_start3A_60 : memref<50x32xf32, #tpu.memory_space<vmem>>) offsets(%dma_start3A_63 : memref<50xi32, #tpu.memory_space<vmem>>) semaphore(%arg8 : memref<!tpu.dma_semaphore, #tpu.memory_space<semaphore_mem>>)
    %dma_start3A_67 = arith.constant 5 : i32
    %dma_start3A_68 = arith.constant 1 : i32
    %dma_start3A_69 = arith.constant 1 : i32
    %dma_start3A_70 = arith.constant 0 : i32
    %dma_start3A_71 = arith.constant 0 : i32
    %dma_start3A_72 = tpu.memref_slice %arg6[%dma_start3A_68, %dma_start3A_69, %dma_start3A_70, %dma_start3A_71] : memref<8x4x50x32xf32, #tpu.memory_space<vmem>> -> memref<1x1x50x32xf32, #tpu.memory_space<vmem>>
    %dma_start3A_73 = tpu.memref_squeeze %dma_start3A_72 : memref<1x1x50x32xf32, #tpu.memory_space<vmem>> -> memref<50x32xf32, #tpu.memory_space<vmem>>
    %dma_start3A_74 = arith.constant 0 : i32
    %dma_start3A_75 = tpu.memref_slice %arg5[%dma_start3A_67, %dma_start3A_74] : memref<512x50xi32, #tpu.memory_space<vmem>> -> memref<1x50xi32, #tpu.memory_space<vmem>>
    %dma_start3A_76 = tpu.memref_squeeze %dma_start3A_75 : memref<1x50xi32, #tpu.memory_space<vmem>> -> memref<50xi32, #tpu.memory_space<vmem>>
    %dma_start3A_77 = arith.constant 0 : i32
    %dma_start3A_78 = arith.constant 0 : i32
    %dma_start3A_79 = tpu.memref_slice %arg3[%dma_start3A_77, %dma_start3A_78] : memref<1000000x32xf32, #tpu.memory_space<hbm>> -> memref<1000000x32xf32, #tpu.memory_space<hbm>>
    tpu.enqueue_indirect_dma source(%dma_start3A_79 : memref<1000000x32xf32, #tpu.memory_space<hbm>>) target(%dma_start3A_73 : memref<50x32xf32, #tpu.memory_space<vmem>>) offsets(%dma_start3A_76 : memref<50xi32, #tpu.memory_space<vmem>>) semaphore(%arg8 : memref<!tpu.dma_semaphore, #tpu.memory_space<semaphore_mem>>)
    %dma_start3A_80 = arith.constant 6 : i32
    %dma_start3A_81 = arith.constant 1 : i32
    %dma_start3A_82 = arith.constant 2 : i32
    %dma_start3A_83 = arith.constant 0 : i32
    %dma_start3A_84 = arith.constant 0 : i32
    %dma_start3A_85 = tpu.memref_slice %arg6[%dma_start3A_81, %dma_start3A_82, %dma_start3A_83, %dma_start3A_84] : memref<8x4x50x32xf32, #tpu.memory_space<vmem>> -> memref<1x1x50x32xf32, #tpu.memory_space<vmem>>
    %dma_start3A_86 = tpu.memref_squeeze %dma_start3A_85 : memref<1x1x50x32xf32, #tpu.memory_space<vmem>> -> memref<50x32xf32, #tpu.memory_space<vmem>>
    %dma_start3A_87 = arith.constant 0 : i32
    %dma_start3A_88 = tpu.memref_slice %arg5[%dma_start3A_80, %dma_start3A_87] : memref<512x50xi32, #tpu.memory_space<vmem>> -> memref<1x50xi32, #tpu.memory_space<vmem>>
    %dma_start3A_89 = tpu.memref_squeeze %dma_start3A_88 : memref<1x50xi32, #tpu.memory_space<vmem>> -> memref<50xi32, #tpu.memory_space<vmem>>
    %dma_start3A_90 = arith.constant 0 : i32
    %dma_start3A_91 = arith.constant 0 : i32
    %dma_start3A_92 = tpu.memref_slice %arg3[%dma_start3A_90, %dma_start3A_91] : memref<1000000x32xf32, #tpu.memory_space<hbm>> -> memref<1000000x32xf32, #tpu.memory_space<hbm>>
    tpu.enqueue_indirect_dma source(%dma_start3A_92 : memref<1000000x32xf32, #tpu.memory_space<hbm>>) target(%dma_start3A_86 : memref<50x32xf32, #tpu.memory_space<vmem>>) offsets(%dma_start3A_89 : memref<50xi32, #tpu.memory_space<vmem>>) semaphore(%arg8 : memref<!tpu.dma_semaphore, #tpu.memory_space<semaphore_mem>>)
    %dma_start3A_93 = arith.constant 7 : i32
    %dma_start3A_94 = arith.constant 1 : i32
    %dma_start3A_95 = arith.constant 3 : i32
    %dma_start3A_96 = arith.constant 0 : i32
    %dma_start3A_97 = arith.constant 0 : i32
    %dma_start3A_98 = tpu.memref_slice %arg6[%dma_start3A_94, %dma_start3A_95, %dma_start3A_96, %dma_start3A_97] : memref<8x4x50x32xf32, #tpu.memory_space<vmem>> -> memref<1x1x50x32xf32, #tpu.memory_space<vmem>>
    %dma_start3A_99 = tpu.memref_squeeze %dma_start3A_98 : memref<1x1x50x32xf32, #tpu.memory_space<vmem>> -> memref<50x32xf32, #tpu.memory_space<vmem>>
    %dma_start3A_100 = arith.constant 0 : i32
    %dma_start3A_101 = tpu.memref_slice %arg5[%dma_start3A_93, %dma_start3A_100] : memref<512x50xi32, #tpu.memory_space<vmem>> -> memref<1x50xi32, #tpu.memory_space<vmem>>
    %dma_start3A_102 = tpu.memref_squeeze %dma_start3A_101 : memref<1x50xi32, #tpu.memory_space<vmem>> -> memref<50xi32, #tpu.memory_space<vmem>>
    %dma_start3A_103 = arith.constant 0 : i32
    %dma_start3A_104 = arith.constant 0 : i32
    %dma_start3A_105 = tpu.memref_slice %arg3[%dma_start3A_103, %dma_start3A_104] : memref<1000000x32xf32, #tpu.memory_space<hbm>> -> memref<1000000x32xf32, #tpu.memory_space<hbm>>
    tpu.enqueue_indirect_dma source(%dma_start3A_105 : memref<1000000x32xf32, #tpu.memory_space<hbm>>) target(%dma_start3A_99 : memref<50x32xf32, #tpu.memory_space<vmem>>) offsets(%dma_start3A_102 : memref<50xi32, #tpu.memory_space<vmem>>) semaphore(%arg8 : memref<!tpu.dma_semaphore, #tpu.memory_space<semaphore_mem>>)
    %dma_start3A_106 = arith.constant 8 : i32
    %dma_start3A_107 = arith.constant 2 : i32
    %dma_start3A_108 = arith.constant 0 : i32
    %dma_start3A_109 = arith.constant 0 : i32
    %dma_start3A_110 = arith.constant 0 : i32
    %dma_start3A_111 = tpu.memref_slice %arg6[%dma_start3A_107, %dma_start3A_108, %dma_start3A_109, %dma_start3A_110] : memref<8x4x50x32xf32, #tpu.memory_space<vmem>> -> memref<1x1x50x32xf32, #tpu.memory_space<vmem>>
    %dma_start3A_112 = tpu.memref_squeeze %dma_start3A_111 : memref<1x1x50x32xf32, #tpu.memory_space<vmem>> -> memref<50x32xf32, #tpu.memory_space<vmem>>
    %dma_start3A_113 = arith.constant 0 : i32
    %dma_start3A_114 = tpu.memref_slice %arg5[%dma_start3A_106, %dma_start3A_113] : memref<512x50xi32, #tpu.memory_space<vmem>> -> memref<1x50xi32, #tpu.memory_space<vmem>>
    %dma_start3A_115 = tpu.memref_squeeze %dma_start3A_114 : memref<1x50xi32, #tpu.memory_space<vmem>> -> memref<50xi32, #tpu.memory_space<vmem>>
    %dma_start3A_116 = arith.constant 0 : i32
    %dma_start3A_117 = arith.constant 0 : i32
    %dma_start3A_118 = tpu.memref_slice %arg3[%dma_start3A_116, %dma_start3A_117] : memref<1000000x32xf32, #tpu.memory_space<hbm>> -> memref<1000000x32xf32, #tpu.memory_space<hbm>>
    tpu.enqueue_indirect_dma source(%dma_start3A_118 : memref<1000000x32xf32, #tpu.memory_space<hbm>>) target(%dma_start3A_112 : memref<50x32xf32, #tpu.memory_space<vmem>>) offsets(%dma_start3A_115 : memref<50xi32, #tpu.memory_space<vmem>>) semaphore(%arg9 : memref<!tpu.dma_semaphore, #tpu.memory_space<semaphore_mem>>)
    %dma_start3A_119 = arith.constant 9 : i32
    %dma_start3A_120 = arith.constant 2 : i32
    %dma_start3A_121 = arith.constant 1 : i32
    %dma_start3A_122 = arith.constant 0 : i32
    %dma_start3A_123 = arith.constant 0 : i32
    %dma_start3A_124 = tpu.memref_slice %arg6[%dma_start3A_120, %dma_start3A_121, %dma_start3A_122, %dma_start3A_123] : memref<8x4x50x32xf32, #tpu.memory_space<vmem>> -> memref<1x1x50x32xf32, #tpu.memory_space<vmem>>
    %dma_start3A_125 = tpu.memref_squeeze %dma_start3A_124 : memref<1x1x50x32xf32, #tpu.memory_space<vmem>> -> memref<50x32xf32, #tpu.memory_space<vmem>>
    %dma_start3A_126 = arith.constant 0 : i32
    %dma_start3A_127 = tpu.memref_slice %arg5[%dma_start3A_119, %dma_start3A_126] : memref<512x50xi32, #tpu.memory_space<vmem>> -> memref<1x50xi32, #tpu.memory_space<vmem>>
    %dma_start3A_128 = tpu.memref_squeeze %dma_start3A_127 : memref<1x50xi32, #tpu.memory_space<vmem>> -> memref<50xi32, #tpu.memory_space<vmem>>
    %dma_start3A_129 = arith.constant 0 : i32
    %dma_start3A_130 = arith.constant 0 : i32
    %dma_start3A_131 = tpu.memref_slice %arg3[%dma_start3A_129, %dma_start3A_130] : memref<1000000x32xf32, #tpu.memory_space<hbm>> -> memref<1000000x32xf32, #tpu.memory_space<hbm>>
    tpu.enqueue_indirect_dma source(%dma_start3A_131 : memref<1000000x32xf32, #tpu.memory_space<hbm>>) target(%dma_start3A_125 : memref<50x32xf32, #tpu.memory_space<vmem>>) offsets(%dma_start3A_128 : memref<50xi32, #tpu.memory_space<vmem>>) semaphore(%arg9 : memref<!tpu.dma_semaphore, #tpu.memory_space<semaphore_mem>>)
    %dma_start3A_132 = arith.constant 10 : i32
    %dma_start3A_133 = arith.constant 2 : i32
    %dma_start3A_134 = arith.constant 2 : i32
    %dma_start3A_135 = arith.constant 0 : i32
    %dma_start3A_136 = arith.constant 0 : i32
    %dma_start3A_137 = tpu.memref_slice %arg6[%dma_start3A_133, %dma_start3A_134, %dma_start3A_135, %dma_start3A_136] : memref<8x4x50x32xf32, #tpu.memory_space<vmem>> -> memref<1x1x50x32xf32, #tpu.memory_space<vmem>>
    %dma_start3A_138 = tpu.memref_squeeze %dma_start3A_137 : memref<1x1x50x32xf32, #tpu.memory_space<vmem>> -> memref<50x32xf32, #tpu.memory_space<vmem>>
    %dma_start3A_139 = arith.constant 0 : i32
    %dma_start3A_140 = tpu.memref_slice %arg5[%dma_start3A_132, %dma_start3A_139] : memref<512x50xi32, #tpu.memory_space<vmem>> -> memref<1x50xi32, #tpu.memory_space<vmem>>
    %dma_start3A_141 = tpu.memref_squeeze %dma_start3A_140 : memref<1x50xi32, #tpu.memory_space<vmem>> -> memref<50xi32, #tpu.memory_space<vmem>>
    %dma_start3A_142 = arith.constant 0 : i32
    %dma_start3A_143 = arith.constant 0 : i32
    %dma_start3A_144 = tpu.memref_slice %arg3[%dma_start3A_142, %dma_start3A_143] : memref<1000000x32xf32, #tpu.memory_space<hbm>> -> memref<1000000x32xf32, #tpu.memory_space<hbm>>
    tpu.enqueue_indirect_dma source(%dma_start3A_144 : memref<1000000x32xf32, #tpu.memory_space<hbm>>) target(%dma_start3A_138 : memref<50x32xf32, #tpu.memory_space<vmem>>) offsets(%dma_start3A_141 : memref<50xi32, #tpu.memory_space<vmem>>) semaphore(%arg9 : memref<!tpu.dma_semaphore, #tpu.memory_space<semaphore_mem>>)
    %dma_start3A_145 = arith.constant 11 : i32
    %dma_start3A_146 = arith.constant 2 : i32
    %dma_start3A_147 = arith.constant 3 : i32
    %dma_start3A_148 = arith.constant 0 : i32
    %dma_start3A_149 = arith.constant 0 : i32
    %dma_start3A_150 = tpu.memref_slice %arg6[%dma_start3A_146, %dma_start3A_147, %dma_start3A_148, %dma_start3A_149] : memref<8x4x50x32xf32, #tpu.memory_space<vmem>> -> memref<1x1x50x32xf32, #tpu.memory_space<vmem>>
    %dma_start3A_151 = tpu.memref_squeeze %dma_start3A_150 : memref<1x1x50x32xf32, #tpu.memory_space<vmem>> -> memref<50x32xf32, #tpu.memory_space<vmem>>
    %dma_start3A_152 = arith.constant 0 : i32
    %dma_start3A_153 = tpu.memref_slice %arg5[%dma_start3A_145, %dma_start3A_152] : memref<512x50xi32, #tpu.memory_space<vmem>> -> memref<1x50xi32, #tpu.memory_space<vmem>>
    %dma_start3A_154 = tpu.memref_squeeze %dma_start3A_153 : memref<1x50xi32, #tpu.memory_space<vmem>> -> memref<50xi32, #tpu.memory_space<vmem>>
    %dma_start3A_155 = arith.constant 0 : i32
    %dma_start3A_156 = arith.constant 0 : i32
    %dma_start3A_157 = tpu.memref_slice %arg3[%dma_start3A_155, %dma_start3A_156] : memref<1000000x32xf32, #tpu.memory_space<hbm>> -> memref<1000000x32xf32, #tpu.memory_space<hbm>>
    tpu.enqueue_indirect_dma source(%dma_start3A_157 : memref<1000000x32xf32, #tpu.memory_space<hbm>>) target(%dma_start3A_151 : memref<50x32xf32, #tpu.memory_space<vmem>>) offsets(%dma_start3A_154 : memref<50xi32, #tpu.memory_space<vmem>>) semaphore(%arg9 : memref<!tpu.dma_semaphore, #tpu.memory_space<semaphore_mem>>)
    %dma_start3A_158 = arith.constant 12 : i32
    %dma_start3A_159 = arith.constant 3 : i32
    %dma_start3A_160 = arith.constant 0 : i32
    %dma_start3A_161 = arith.constant 0 : i32
    %dma_start3A_162 = arith.constant 0 : i32
    %dma_start3A_163 = tpu.memref_slice %arg6[%dma_start3A_159, %dma_start3A_160, %dma_start3A_161, %dma_start3A_162] : memref<8x4x50x32xf32, #tpu.memory_space<vmem>> -> memref<1x1x50x32xf32, #tpu.memory_space<vmem>>
    %dma_start3A_164 = tpu.memref_squeeze %dma_start3A_163 : memref<1x1x50x32xf32, #tpu.memory_space<vmem>> -> memref<50x32xf32, #tpu.memory_space<vmem>>
    %dma_start3A_165 = arith.constant 0 : i32
    %dma_start3A_166 = tpu.memref_slice %arg5[%dma_start3A_158, %dma_start3A_165] : memref<512x50xi32, #tpu.memory_space<vmem>> -> memref<1x50xi32, #tpu.memory_space<vmem>>
    %dma_start3A_167 = tpu.memref_squeeze %dma_start3A_166 : memref<1x50xi32, #tpu.memory_space<vmem>> -> memref<50xi32, #tpu.memory_space<vmem>>
    %dma_start3A_168 = arith.constant 0 : i32
    %dma_start3A_169 = arith.constant 0 : i32
    %dma_start3A_170 = tpu.memref_slice %arg3[%dma_start3A_168, %dma_start3A_169] : memref<1000000x32xf32, #tpu.memory_space<hbm>> -> memref<1000000x32xf32, #tpu.memory_space<hbm>>
    tpu.enqueue_indirect_dma source(%dma_start3A_170 : memref<1000000x32xf32, #tpu.memory_space<hbm>>) target(%dma_start3A_164 : memref<50x32xf32, #tpu.memory_space<vmem>>) offsets(%dma_start3A_167 : memref<50xi32, #tpu.memory_space<vmem>>) semaphore(%arg10 : memref<!tpu.dma_semaphore, #tpu.memory_space<semaphore_mem>>)
    %dma_start3A_171 = arith.constant 13 : i32
    %dma_start3A_172 = arith.constant 3 : i32
    %dma_start3A_173 = arith.constant 1 : i32
    %dma_start3A_174 = arith.constant 0 : i32
    %dma_start3A_175 = arith.constant 0 : i32
    %dma_start3A_176 = tpu.memref_slice %arg6[%dma_start3A_172, %dma_start3A_173, %dma_start3A_174, %dma_start3A_175] : memref<8x4x50x32xf32, #tpu.memory_space<vmem>> -> memref<1x1x50x32xf32, #tpu.memory_space<vmem>>
    %dma_start3A_177 = tpu.memref_squeeze %dma_start3A_176 : memref<1x1x50x32xf32, #tpu.memory_space<vmem>> -> memref<50x32xf32, #tpu.memory_space<vmem>>
    %dma_start3A_178 = arith.constant 0 : i32
    %dma_start3A_179 = tpu.memref_slice %arg5[%dma_start3A_171, %dma_start3A_178] : memref<512x50xi32, #tpu.memory_space<vmem>> -> memref<1x50xi32, #tpu.memory_space<vmem>>
    %dma_start3A_180 = tpu.memref_squeeze %dma_start3A_179 : memref<1x50xi32, #tpu.memory_space<vmem>> -> memref<50xi32, #tpu.memory_space<vmem>>
    %dma_start3A_181 = arith.constant 0 : i32
    %dma_start3A_182 = arith.constant 0 : i32
    %dma_start3A_183 = tpu.memref_slice %arg3[%dma_start3A_181, %dma_start3A_182] : memref<1000000x32xf32, #tpu.memory_space<hbm>> -> memref<1000000x32xf32, #tpu.memory_space<hbm>>
    tpu.enqueue_indirect_dma source(%dma_start3A_183 : memref<1000000x32xf32, #tpu.memory_space<hbm>>) target(%dma_start3A_177 : memref<50x32xf32, #tpu.memory_space<vmem>>) offsets(%dma_start3A_180 : memref<50xi32, #tpu.memory_space<vmem>>) semaphore(%arg10 : memref<!tpu.dma_semaphore, #tpu.memory_space<semaphore_mem>>)
    %dma_start3A_184 = arith.constant 14 : i32
    %dma_start3A_185 = arith.constant 3 : i32
    %dma_start3A_186 = arith.constant 2 : i32
    %dma_start3A_187 = arith.constant 0 : i32
    %dma_start3A_188 = arith.constant 0 : i32
    %dma_start3A_189 = tpu.memref_slice %arg6[%dma_start3A_185, %dma_start3A_186, %dma_start3A_187, %dma_start3A_188] : memref<8x4x50x32xf32, #tpu.memory_space<vmem>> -> memref<1x1x50x32xf32, #tpu.memory_space<vmem>>
    %dma_start3A_190 = tpu.memref_squeeze %dma_start3A_189 : memref<1x1x50x32xf32, #tpu.memory_space<vmem>> -> memref<50x32xf32, #tpu.memory_space<vmem>>
    %dma_start3A_191 = arith.constant 0 : i32
    %dma_start3A_192 = tpu.memref_slice %arg5[%dma_start3A_184, %dma_start3A_191] : memref<512x50xi32, #tpu.memory_space<vmem>> -> memref<1x50xi32, #tpu.memory_space<vmem>>
    %dma_start3A_193 = tpu.memref_squeeze %dma_start3A_192 : memref<1x50xi32, #tpu.memory_space<vmem>> -> memref<50xi32, #tpu.memory_space<vmem>>
    %dma_start3A_194 = arith.constant 0 : i32
    %dma_start3A_195 = arith.constant 0 : i32
    %dma_start3A_196 = tpu.memref_slice %arg3[%dma_start3A_194, %dma_start3A_195] : memref<1000000x32xf32, #tpu.memory_space<hbm>> -> memref<1000000x32xf32, #tpu.memory_space<hbm>>
    tpu.enqueue_indirect_dma source(%dma_start3A_196 : memref<1000000x32xf32, #tpu.memory_space<hbm>>) target(%dma_start3A_190 : memref<50x32xf32, #tpu.memory_space<vmem>>) offsets(%dma_start3A_193 : memref<50xi32, #tpu.memory_space<vmem>>) semaphore(%arg10 : memref<!tpu.dma_semaphore, #tpu.memory_space<semaphore_mem>>)
    %dma_start3A_197 = arith.constant 15 : i32
    %dma_start3A_198 = arith.constant 3 : i32
    %dma_start3A_199 = arith.constant 3 : i32
    %dma_start3A_200 = arith.constant 0 : i32
    %dma_start3A_201 = arith.constant 0 : i32
    %dma_start3A_202 = tpu.memref_slice %arg6[%dma_start3A_198, %dma_start3A_199, %dma_start3A_200, %dma_start3A_201] : memref<8x4x50x32xf32, #tpu.memory_space<vmem>> -> memref<1x1x50x32xf32, #tpu.memory_space<vmem>>
    %dma_start3A_203 = tpu.memref_squeeze %dma_start3A_202 : memref<1x1x50x32xf32, #tpu.memory_space<vmem>> -> memref<50x32xf32, #tpu.memory_space<vmem>>
    %dma_start3A_204 = arith.constant 0 : i32
    %dma_start3A_205 = tpu.memref_slice %arg5[%dma_start3A_197, %dma_start3A_204] : memref<512x50xi32, #tpu.memory_space<vmem>> -> memref<1x50xi32, #tpu.memory_space<vmem>>
    %dma_start3A_206 = tpu.memref_squeeze %dma_start3A_205 : memref<1x50xi32, #tpu.memory_space<vmem>> -> memref<50xi32, #tpu.memory_space<vmem>>
    %dma_start3A_207 = arith.constant 0 : i32
    %dma_start3A_208 = arith.constant 0 : i32
    %dma_start3A_209 = tpu.memref_slice %arg3[%dma_start3A_207, %dma_start3A_208] : memref<1000000x32xf32, #tpu.memory_space<hbm>> -> memref<1000000x32xf32, #tpu.memory_space<hbm>>
    tpu.enqueue_indirect_dma source(%dma_start3A_209 : memref<1000000x32xf32, #tpu.memory_space<hbm>>) target(%dma_start3A_203 : memref<50x32xf32, #tpu.memory_space<vmem>>) offsets(%dma_start3A_206 : memref<50xi32, #tpu.memory_space<vmem>>) semaphore(%arg10 : memref<!tpu.dma_semaphore, #tpu.memory_space<semaphore_mem>>)
    %dma_start3A_210 = arith.constant 16 : i32
    %dma_start3A_211 = arith.constant 4 : i32
    %dma_start3A_212 = arith.constant 0 : i32
    %dma_start3A_213 = arith.constant 0 : i32
    %dma_start3A_214 = arith.constant 0 : i32
    %dma_start3A_215 = tpu.memref_slice %arg6[%dma_start3A_211, %dma_start3A_212, %dma_start3A_213, %dma_start3A_214] : memref<8x4x50x32xf32, #tpu.memory_space<vmem>> -> memref<1x1x50x32xf32, #tpu.memory_space<vmem>>
    %dma_start3A_216 = tpu.memref_squeeze %dma_start3A_215 : memref<1x1x50x32xf32, #tpu.memory_space<vmem>> -> memref<50x32xf32, #tpu.memory_space<vmem>>
    %dma_start3A_217 = arith.constant 0 : i32
    %dma_start3A_218 = tpu.memref_slice %arg5[%dma_start3A_210, %dma_start3A_217] : memref<512x50xi32, #tpu.memory_space<vmem>> -> memref<1x50xi32, #tpu.memory_space<vmem>>
    %dma_start3A_219 = tpu.memref_squeeze %dma_start3A_218 : memref<1x50xi32, #tpu.memory_space<vmem>> -> memref<50xi32, #tpu.memory_space<vmem>>
    %dma_start3A_220 = arith.constant 0 : i32
    %dma_start3A_221 = arith.constant 0 : i32
    %dma_start3A_222 = tpu.memref_slice %arg3[%dma_start3A_220, %dma_start3A_221] : memref<1000000x32xf32, #tpu.memory_space<hbm>> -> memref<1000000x32xf32, #tpu.memory_space<hbm>>
    tpu.enqueue_indirect_dma source(%dma_start3A_222 : memref<1000000x32xf32, #tpu.memory_space<hbm>>) target(%dma_start3A_216 : memref<50x32xf32, #tpu.memory_space<vmem>>) offsets(%dma_start3A_219 : memref<50xi32, #tpu.memory_space<vmem>>) semaphore(%arg11 : memref<!tpu.dma_semaphore, #tpu.memory_space<semaphore_mem>>)
    %dma_start3A_223 = arith.constant 17 : i32
    %dma_start3A_224 = arith.constant 4 : i32
    %dma_start3A_225 = arith.constant 1 : i32
    %dma_start3A_226 = arith.constant 0 : i32
    %dma_start3A_227 = arith.constant 0 : i32
    %dma_start3A_228 = tpu.memref_slice %arg6[%dma_start3A_224, %dma_start3A_225, %dma_start3A_226, %dma_start3A_227] : memref<8x4x50x32xf32, #tpu.memory_space<vmem>> -> memref<1x1x50x32xf32, #tpu.memory_space<vmem>>
    %dma_start3A_229 = tpu.memref_squeeze %dma_start3A_228 : memref<1x1x50x32xf32, #tpu.memory_space<vmem>> -> memref<50x32xf32, #tpu.memory_space<vmem>>
    %dma_start3A_230 = arith.constant 0 : i32
    %dma_start3A_231 = tpu.memref_slice %arg5[%dma_start3A_223, %dma_start3A_230] : memref<512x50xi32, #tpu.memory_space<vmem>> -> memref<1x50xi32, #tpu.memory_space<vmem>>
    %dma_start3A_232 = tpu.memref_squeeze %dma_start3A_231 : memref<1x50xi32, #tpu.memory_space<vmem>> -> memref<50xi32, #tpu.memory_space<vmem>>
    %dma_start3A_233 = arith.constant 0 : i32
    %dma_start3A_234 = arith.constant 0 : i32
    %dma_start3A_235 = tpu.memref_slice %arg3[%dma_start3A_233, %dma_start3A_234] : memref<1000000x32xf32, #tpu.memory_space<hbm>> -> memref<1000000x32xf32, #tpu.memory_space<hbm>>
    tpu.enqueue_indirect_dma source(%dma_start3A_235 : memref<1000000x32xf32, #tpu.memory_space<hbm>>) target(%dma_start3A_229 : memref<50x32xf32, #tpu.memory_space<vmem>>) offsets(%dma_start3A_232 : memref<50xi32, #tpu.memory_space<vmem>>) semaphore(%arg11 : memref<!tpu.dma_semaphore, #tpu.memory_space<semaphore_mem>>)
    %dma_start3A_236 = arith.constant 18 : i32
    %dma_start3A_237 = arith.constant 4 : i32
    %dma_start3A_238 = arith.constant 2 : i32
    %dma_start3A_239 = arith.constant 0 : i32
    %dma_start3A_240 = arith.constant 0 : i32
    %dma_start3A_241 = tpu.memref_slice %arg6[%dma_start3A_237, %dma_start3A_238, %dma_start3A_239, %dma_start3A_240] : memref<8x4x50x32xf32, #tpu.memory_space<vmem>> -> memref<1x1x50x32xf32, #tpu.memory_space<vmem>>
    %dma_start3A_242 = tpu.memref_squeeze %dma_start3A_241 : memref<1x1x50x32xf32, #tpu.memory_space<vmem>> -> memref<50x32xf32, #tpu.memory_space<vmem>>
    %dma_start3A_243 = arith.constant 0 : i32
    %dma_start3A_244 = tpu.memref_slice %arg5[%dma_start3A_236, %dma_start3A_243] : memref<512x50xi32, #tpu.memory_space<vmem>> -> memref<1x50xi32, #tpu.memory_space<vmem>>
    %dma_start3A_245 = tpu.memref_squeeze %dma_start3A_244 : memref<1x50xi32, #tpu.memory_space<vmem>> -> memref<50xi32, #tpu.memory_space<vmem>>
    %dma_start3A_246 = arith.constant 0 : i32
    %dma_start3A_247 = arith.constant 0 : i32
    %dma_start3A_248 = tpu.memref_slice %arg3[%dma_start3A_246, %dma_start3A_247] : memref<1000000x32xf32, #tpu.memory_space<hbm>> -> memref<1000000x32xf32, #tpu.memory_space<hbm>>
    tpu.enqueue_indirect_dma source(%dma_start3A_248 : memref<1000000x32xf32, #tpu.memory_space<hbm>>) target(%dma_start3A_242 : memref<50x32xf32, #tpu.memory_space<vmem>>) offsets(%dma_start3A_245 : memref<50xi32, #tpu.memory_space<vmem>>) semaphore(%arg11 : memref<!tpu.dma_semaphore, #tpu.memory_space<semaphore_mem>>)
    %dma_start3A_249 = arith.constant 19 : i32
    %dma_start3A_250 = arith.constant 4 : i32
    %dma_start3A_251 = arith.constant 3 : i32
    %dma_start3A_252 = arith.constant 0 : i32
    %dma_start3A_253 = arith.constant 0 : i32
    %dma_start3A_254 = tpu.memref_slice %arg6[%dma_start3A_250, %dma_start3A_251, %dma_start3A_252, %dma_start3A_253] : memref<8x4x50x32xf32, #tpu.memory_space<vmem>> -> memref<1x1x50x32xf32, #tpu.memory_space<vmem>>
    %dma_start3A_255 = tpu.memref_squeeze %dma_start3A_254 : memref<1x1x50x32xf32, #tpu.memory_space<vmem>> -> memref<50x32xf32, #tpu.memory_space<vmem>>
    %dma_start3A_256 = arith.constant 0 : i32
    %dma_start3A_257 = tpu.memref_slice %arg5[%dma_start3A_249, %dma_start3A_256] : memref<512x50xi32, #tpu.memory_space<vmem>> -> memref<1x50xi32, #tpu.memory_space<vmem>>
    %dma_start3A_258 = tpu.memref_squeeze %dma_start3A_257 : memref<1x50xi32, #tpu.memory_space<vmem>> -> memref<50xi32, #tpu.memory_space<vmem>>
    %dma_start3A_259 = arith.constant 0 : i32
    %dma_start3A_260 = arith.constant 0 : i32
    %dma_start3A_261 = tpu.memref_slice %arg3[%dma_start3A_259, %dma_start3A_260] : memref<1000000x32xf32, #tpu.memory_space<hbm>> -> memref<1000000x32xf32, #tpu.memory_space<hbm>>
    tpu.enqueue_indirect_dma source(%dma_start3A_261 : memref<1000000x32xf32, #tpu.memory_space<hbm>>) target(%dma_start3A_255 : memref<50x32xf32, #tpu.memory_space<vmem>>) offsets(%dma_start3A_258 : memref<50xi32, #tpu.memory_space<vmem>>) semaphore(%arg11 : memref<!tpu.dma_semaphore, #tpu.memory_space<semaphore_mem>>)
    %dma_start3A_262 = arith.constant 20 : i32
    %dma_start3A_263 = arith.constant 5 : i32
    %dma_start3A_264 = arith.constant 0 : i32
    %dma_start3A_265 = arith.constant 0 : i32
    %dma_start3A_266 = arith.constant 0 : i32
    %dma_start3A_267 = tpu.memref_slice %arg6[%dma_start3A_263, %dma_start3A_264, %dma_start3A_265, %dma_start3A_266] : memref<8x4x50x32xf32, #tpu.memory_space<vmem>> -> memref<1x1x50x32xf32, #tpu.memory_space<vmem>>
    %dma_start3A_268 = tpu.memref_squeeze %dma_start3A_267 : memref<1x1x50x32xf32, #tpu.memory_space<vmem>> -> memref<50x32xf32, #tpu.memory_space<vmem>>
    %dma_start3A_269 = arith.constant 0 : i32
    %dma_start3A_270 = tpu.memref_slice %arg5[%dma_start3A_262, %dma_start3A_269] : memref<512x50xi32, #tpu.memory_space<vmem>> -> memref<1x50xi32, #tpu.memory_space<vmem>>
    %dma_start3A_271 = tpu.memref_squeeze %dma_start3A_270 : memref<1x50xi32, #tpu.memory_space<vmem>> -> memref<50xi32, #tpu.memory_space<vmem>>
    %dma_start3A_272 = arith.constant 0 : i32
    %dma_start3A_273 = arith.constant 0 : i32
    %dma_start3A_274 = tpu.memref_slice %arg3[%dma_start3A_272, %dma_start3A_273] : memref<1000000x32xf32, #tpu.memory_space<hbm>> -> memref<1000000x32xf32, #tpu.memory_space<hbm>>
    tpu.enqueue_indirect_dma source(%dma_start3A_274 : memref<1000000x32xf32, #tpu.memory_space<hbm>>) target(%dma_start3A_268 : memref<50x32xf32, #tpu.memory_space<vmem>>) offsets(%dma_start3A_271 : memref<50xi32, #tpu.memory_space<vmem>>) semaphore(%arg12 : memref<!tpu.dma_semaphore, #tpu.memory_space<semaphore_mem>>)
    %dma_start3A_275 = arith.constant 21 : i32
    %dma_start3A_276 = arith.constant 5 : i32
    %dma_start3A_277 = arith.constant 1 : i32
    %dma_start3A_278 = arith.constant 0 : i32
    %dma_start3A_279 = arith.constant 0 : i32
    %dma_start3A_280 = tpu.memref_slice %arg6[%dma_start3A_276, %dma_start3A_277, %dma_start3A_278, %dma_start3A_279] : memref<8x4x50x32xf32, #tpu.memory_space<vmem>> -> memref<1x1x50x32xf32, #tpu.memory_space<vmem>>
    %dma_start3A_281 = tpu.memref_squeeze %dma_start3A_280 : memref<1x1x50x32xf32, #tpu.memory_space<vmem>> -> memref<50x32xf32, #tpu.memory_space<vmem>>
    %dma_start3A_282 = arith.constant 0 : i32
    %dma_start3A_283 = tpu.memref_slice %arg5[%dma_start3A_275, %dma_start3A_282] : memref<512x50xi32, #tpu.memory_space<vmem>> -> memref<1x50xi32, #tpu.memory_space<vmem>>
    %dma_start3A_284 = tpu.memref_squeeze %dma_start3A_283 : memref<1x50xi32, #tpu.memory_space<vmem>> -> memref<50xi32, #tpu.memory_space<vmem>>
    %dma_start3A_285 = arith.constant 0 : i32
    %dma_start3A_286 = arith.constant 0 : i32
    %dma_start3A_287 = tpu.memref_slice %arg3[%dma_start3A_285, %dma_start3A_286] : memref<1000000x32xf32, #tpu.memory_space<hbm>> -> memref<1000000x32xf32, #tpu.memory_space<hbm>>
    tpu.enqueue_indirect_dma source(%dma_start3A_287 : memref<1000000x32xf32, #tpu.memory_space<hbm>>) target(%dma_start3A_281 : memref<50x32xf32, #tpu.memory_space<vmem>>) offsets(%dma_start3A_284 : memref<50xi32, #tpu.memory_space<vmem>>) semaphore(%arg12 : memref<!tpu.dma_semaphore, #tpu.memory_space<semaphore_mem>>)
    %dma_start3A_288 = arith.constant 22 : i32
    %dma_start3A_289 = arith.constant 5 : i32
    %dma_start3A_290 = arith.constant 2 : i32
    %dma_start3A_291 = arith.constant 0 : i32
    %dma_start3A_292 = arith.constant 0 : i32
    %dma_start3A_293 = tpu.memref_slice %arg6[%dma_start3A_289, %dma_start3A_290, %dma_start3A_291, %dma_start3A_292] : memref<8x4x50x32xf32, #tpu.memory_space<vmem>> -> memref<1x1x50x32xf32, #tpu.memory_space<vmem>>
    %dma_start3A_294 = tpu.memref_squeeze %dma_start3A_293 : memref<1x1x50x32xf32, #tpu.memory_space<vmem>> -> memref<50x32xf32, #tpu.memory_space<vmem>>
    %dma_start3A_295 = arith.constant 0 : i32
    %dma_start3A_296 = tpu.memref_slice %arg5[%dma_start3A_288, %dma_start3A_295] : memref<512x50xi32, #tpu.memory_space<vmem>> -> memref<1x50xi32, #tpu.memory_space<vmem>>
    %dma_start3A_297 = tpu.memref_squeeze %dma_start3A_296 : memref<1x50xi32, #tpu.memory_space<vmem>> -> memref<50xi32, #tpu.memory_space<vmem>>
    %dma_start3A_298 = arith.constant 0 : i32
    %dma_start3A_299 = arith.constant 0 : i32
    %dma_start3A_300 = tpu.memref_slice %arg3[%dma_start3A_298, %dma_start3A_299] : memref<1000000x32xf32, #tpu.memory_space<hbm>> -> memref<1000000x32xf32, #tpu.memory_space<hbm>>
    tpu.enqueue_indirect_dma source(%dma_start3A_300 : memref<1000000x32xf32, #tpu.memory_space<hbm>>) target(%dma_start3A_294 : memref<50x32xf32, #tpu.memory_space<vmem>>) offsets(%dma_start3A_297 : memref<50xi32, #tpu.memory_space<vmem>>) semaphore(%arg12 : memref<!tpu.dma_semaphore, #tpu.memory_space<semaphore_mem>>)
    %dma_start3A_301 = arith.constant 23 : i32
    %dma_start3A_302 = arith.constant 5 : i32
    %dma_start3A_303 = arith.constant 3 : i32
    %dma_start3A_304 = arith.constant 0 : i32
    %dma_start3A_305 = arith.constant 0 : i32
    %dma_start3A_306 = tpu.memref_slice %arg6[%dma_start3A_302, %dma_start3A_303, %dma_start3A_304, %dma_start3A_305] : memref<8x4x50x32xf32, #tpu.memory_space<vmem>> -> memref<1x1x50x32xf32, #tpu.memory_space<vmem>>
    %dma_start3A_307 = tpu.memref_squeeze %dma_start3A_306 : memref<1x1x50x32xf32, #tpu.memory_space<vmem>> -> memref<50x32xf32, #tpu.memory_space<vmem>>
    %dma_start3A_308 = arith.constant 0 : i32
    %dma_start3A_309 = tpu.memref_slice %arg5[%dma_start3A_301, %dma_start3A_308] : memref<512x50xi32, #tpu.memory_space<vmem>> -> memref<1x50xi32, #tpu.memory_space<vmem>>
    %dma_start3A_310 = tpu.memref_squeeze %dma_start3A_309 : memref<1x50xi32, #tpu.memory_space<vmem>> -> memref<50xi32, #tpu.memory_space<vmem>>
    %dma_start3A_311 = arith.constant 0 : i32
    %dma_start3A_312 = arith.constant 0 : i32
    %dma_start3A_313 = tpu.memref_slice %arg3[%dma_start3A_311, %dma_start3A_312] : memref<1000000x32xf32, #tpu.memory_space<hbm>> -> memref<1000000x32xf32, #tpu.memory_space<hbm>>
    tpu.enqueue_indirect_dma source(%dma_start3A_313 : memref<1000000x32xf32, #tpu.memory_space<hbm>>) target(%dma_start3A_307 : memref<50x32xf32, #tpu.memory_space<vmem>>) offsets(%dma_start3A_310 : memref<50xi32, #tpu.memory_space<vmem>>) semaphore(%arg12 : memref<!tpu.dma_semaphore, #tpu.memory_space<semaphore_mem>>)
    %scan3A = arith.constant 0 : i32
    %scan3A_314 = arith.constant 0 : i32
    %scan3A_315 = arith.constant 16 : i32
    %scan3A_316 = arith.addi %scan3A_314, %scan3A_315 : i32
    %scan3A_317 = arith.constant 1 : i32
    scf.for %scan3A_454 = %scan3A_314 to %scan3A_316 step %scan3A_317  : i32 {
      %mul3A_455 = arith.constant 8 : i32
      %mul3A_456 = arith.muli %scan3A_454, %mul3A_455 : i32
      %add3A_457 = arith.constant 0 : i32
      %add3A_458 = arith.addi %mul3A_456, %add3A_457 : i32
      %dma_wait3A_459 = arith.constant 0 : i32
      %dma_wait3A_460 = arith.constant 0 : i32
      %dma_wait3A_461 = arith.constant 0 : i32
      %dma_wait3A_462 = arith.constant 0 : i32
      %dma_wait3A_463 = arith.constant 0 : i32
      %dma_wait3A_464 = tpu.memref_slice %arg6[%dma_wait3A_460, %dma_wait3A_461, %dma_wait3A_462, %dma_wait3A_463] : memref<8x4x50x32xf32, #tpu.memory_space<vmem>> -> memref<1x1x50x32xf32, #tpu.memory_space<vmem>>
      %dma_wait3A_465 = tpu.memref_squeeze %dma_wait3A_464 : memref<1x1x50x32xf32, #tpu.memory_space<vmem>> -> memref<50x32xf32, #tpu.memory_space<vmem>>
      %dma_wait3A_466 = arith.constant 0 : i32
      %dma_wait3A_467 = tpu.memref_slice %arg5[%dma_wait3A_459, %dma_wait3A_466] : memref<512x50xi32, #tpu.memory_space<vmem>> -> memref<1x50xi32, #tpu.memory_space<vmem>>
      %dma_wait3A_468 = tpu.memref_squeeze %dma_wait3A_467 : memref<1x50xi32, #tpu.memory_space<vmem>> -> memref<50xi32, #tpu.memory_space<vmem>>
      %dma_wait3A_469 = arith.constant 0 : i32
      %dma_wait3A_470 = arith.constant 0 : i32
      %dma_wait3A_471 = tpu.memref_slice %arg3[%dma_wait3A_469, %dma_wait3A_470] : memref<1000000x32xf32, #tpu.memory_space<hbm>> -> memref<1000000x32xf32, #tpu.memory_space<hbm>>
      tpu.wait_indirect_dma semaphore(%arg7 : memref<!tpu.dma_semaphore, #tpu.memory_space<semaphore_mem>>) src(%dma_wait3A_471 : memref<1000000x32xf32, #tpu.memory_space<hbm>>) dst(%dma_wait3A_465 : memref<50x32xf32, #tpu.memory_space<vmem>>)
      %dma_wait3A_472 = arith.constant 1 : i32
      %dma_wait3A_473 = arith.constant 0 : i32
      %dma_wait3A_474 = arith.constant 1 : i32
      %dma_wait3A_475 = arith.constant 0 : i32
      %dma_wait3A_476 = arith.constant 0 : i32
      %dma_wait3A_477 = tpu.memref_slice %arg6[%dma_wait3A_473, %dma_wait3A_474, %dma_wait3A_475, %dma_wait3A_476] : memref<8x4x50x32xf32, #tpu.memory_space<vmem>> -> memref<1x1x50x32xf32, #tpu.memory_space<vmem>>
      %dma_wait3A_478 = tpu.memref_squeeze %dma_wait3A_477 : memref<1x1x50x32xf32, #tpu.memory_space<vmem>> -> memref<50x32xf32, #tpu.memory_space<vmem>>
      %dma_wait3A_479 = arith.constant 0 : i32
      %dma_wait3A_480 = tpu.memref_slice %arg5[%dma_wait3A_472, %dma_wait3A_479] : memref<512x50xi32, #tpu.memory_space<vmem>> -> memref<1x50xi32, #tpu.memory_space<vmem>>
      %dma_wait3A_481 = tpu.memref_squeeze %dma_wait3A_480 : memref<1x50xi32, #tpu.memory_space<vmem>> -> memref<50xi32, #tpu.memory_space<vmem>>
      %dma_wait3A_482 = arith.constant 0 : i32
      %dma_wait3A_483 = arith.constant 0 : i32
      %dma_wait3A_484 = tpu.memref_slice %arg3[%dma_wait3A_482, %dma_wait3A_483] : memref<1000000x32xf32, #tpu.memory_space<hbm>> -> memref<1000000x32xf32, #tpu.memory_space<hbm>>
      tpu.wait_indirect_dma semaphore(%arg7 : memref<!tpu.dma_semaphore, #tpu.memory_space<semaphore_mem>>) src(%dma_wait3A_484 : memref<1000000x32xf32, #tpu.memory_space<hbm>>) dst(%dma_wait3A_478 : memref<50x32xf32, #tpu.memory_space<vmem>>)
      %dma_wait3A_485 = arith.constant 2 : i32
      %dma_wait3A_486 = arith.constant 0 : i32
      %dma_wait3A_487 = arith.constant 2 : i32
      %dma_wait3A_488 = arith.constant 0 : i32
      %dma_wait3A_489 = arith.constant 0 : i32
      %dma_wait3A_490 = tpu.memref_slice %arg6[%dma_wait3A_486, %dma_wait3A_487, %dma_wait3A_488, %dma_wait3A_489] : memref<8x4x50x32xf32, #tpu.memory_space<vmem>> -> memref<1x1x50x32xf32, #tpu.memory_space<vmem>>
      %dma_wait3A_491 = tpu.memref_squeeze %dma_wait3A_490 : memref<1x1x50x32xf32, #tpu.memory_space<vmem>> -> memref<50x32xf32, #tpu.memory_space<vmem>>
      %dma_wait3A_492 = arith.constant 0 : i32
      %dma_wait3A_493 = tpu.memref_slice %arg5[%dma_wait3A_485, %dma_wait3A_492] : memref<512x50xi32, #tpu.memory_space<vmem>> -> memref<1x50xi32, #tpu.memory_space<vmem>>
      %dma_wait3A_494 = tpu.memref_squeeze %dma_wait3A_493 : memref<1x50xi32, #tpu.memory_space<vmem>> -> memref<50xi32, #tpu.memory_space<vmem>>
      %dma_wait3A_495 = arith.constant 0 : i32
      %dma_wait3A_496 = arith.constant 0 : i32
      %dma_wait3A_497 = tpu.memref_slice %arg3[%dma_wait3A_495, %dma_wait3A_496] : memref<1000000x32xf32, #tpu.memory_space<hbm>> -> memref<1000000x32xf32, #tpu.memory_space<hbm>>
      tpu.wait_indirect_dma semaphore(%arg7 : memref<!tpu.dma_semaphore, #tpu.memory_space<semaphore_mem>>) src(%dma_wait3A_497 : memref<1000000x32xf32, #tpu.memory_space<hbm>>) dst(%dma_wait3A_491 : memref<50x32xf32, #tpu.memory_space<vmem>>)
      %dma_wait3A_498 = arith.constant 3 : i32
      %dma_wait3A_499 = arith.constant 0 : i32
      %dma_wait3A_500 = arith.constant 3 : i32
      %dma_wait3A_501 = arith.constant 0 : i32
      %dma_wait3A_502 = arith.constant 0 : i32
      %dma_wait3A_503 = tpu.memref_slice %arg6[%dma_wait3A_499, %dma_wait3A_500, %dma_wait3A_501, %dma_wait3A_502] : memref<8x4x50x32xf32, #tpu.memory_space<vmem>> -> memref<1x1x50x32xf32, #tpu.memory_space<vmem>>
      %dma_wait3A_504 = tpu.memref_squeeze %dma_wait3A_503 : memref<1x1x50x32xf32, #tpu.memory_space<vmem>> -> memref<50x32xf32, #tpu.memory_space<vmem>>
      %dma_wait3A_505 = arith.constant 0 : i32
      %dma_wait3A_506 = tpu.memref_slice %arg5[%dma_wait3A_498, %dma_wait3A_505] : memref<512x50xi32, #tpu.memory_space<vmem>> -> memref<1x50xi32, #tpu.memory_space<vmem>>
      %dma_wait3A_507 = tpu.memref_squeeze %dma_wait3A_506 : memref<1x50xi32, #tpu.memory_space<vmem>> -> memref<50xi32, #tpu.memory_space<vmem>>
      %dma_wait3A_508 = arith.constant 0 : i32
      %dma_wait3A_509 = arith.constant 0 : i32
      %dma_wait3A_510 = tpu.memref_slice %arg3[%dma_wait3A_508, %dma_wait3A_509] : memref<1000000x32xf32, #tpu.memory_space<hbm>> -> memref<1000000x32xf32, #tpu.memory_space<hbm>>
      tpu.wait_indirect_dma semaphore(%arg7 : memref<!tpu.dma_semaphore, #tpu.memory_space<semaphore_mem>>) src(%dma_wait3A_510 : memref<1000000x32xf32, #tpu.memory_space<hbm>>) dst(%dma_wait3A_504 : memref<50x32xf32, #tpu.memory_space<vmem>>)
      %mul3A_511 = arith.constant 4 : i32
      %mul3A_512 = arith.muli %add3A_458, %mul3A_511 : i32
      %add3A_513 = arith.addi %mul3A_2, %mul3A_512 : i32
      %dma_start3A_514 = arith.constant 0 : i32
      %dma_start3A_515 = arith.constant 0 : i32
      %dma_start3A_516 = arith.constant 0 : i32
      %dma_start3A_517 = arith.constant 0 : i32
      %dma_start3A_518 = tpu.memref_slice %arg6[%dma_start3A_514, %dma_start3A_515, %dma_start3A_516, %dma_start3A_517] : memref<8x4x50x32xf32, #tpu.memory_space<vmem>> -> memref<1x4x50x32xf32, #tpu.memory_space<vmem>>
      %dma_start3A_519 = tpu.memref_squeeze %dma_start3A_518 : memref<1x4x50x32xf32, #tpu.memory_space<vmem>> -> memref<4x50x32xf32, #tpu.memory_space<vmem>>
      %dma_start3A_520 = arith.constant 0 : i32
      %dma_start3A_521 = arith.constant 0 : i32
      %dma_start3A_522 = tpu.memref_slice %arg4[%add3A_513, %dma_start3A_520, %dma_start3A_521] : memref<16384x56x128xf32, #tpu.memory_space<hbm>> -> memref<4x50x32xf32, #tpu.memory_space<hbm>>
      %dma_start3A_523 = arith.constant 0 : i32
      %dma_start3A_524 = arith.constant 0 : i32
      %dma_start3A_525 = tpu.memref_slice %arg4[%add3A_513, %dma_start3A_523, %dma_start3A_524] : memref<16384x56x128xf32, #tpu.memory_space<hbm>> -> memref<4x50x32xf32, #tpu.memory_space<hbm>>
      %dma_start3A_526 = arith.constant 0 : i32
      %dma_start3A_527 = arith.constant 0 : i32
      %dma_start3A_528 = arith.constant 0 : i32
      %dma_start3A_529 = tpu.memref_slice %arg6[%dma_start3A_514, %dma_start3A_526, %dma_start3A_527, %dma_start3A_528] : memref<8x4x50x32xf32, #tpu.memory_space<vmem>> -> memref<1x4x50x32xf32, #tpu.memory_space<vmem>>
      %dma_start3A_530 = tpu.memref_squeeze %dma_start3A_529 : memref<1x4x50x32xf32, #tpu.memory_space<vmem>> -> memref<4x50x32xf32, #tpu.memory_space<vmem>>
      tpu.enqueue_dma source(%dma_start3A_530 : memref<4x50x32xf32, #tpu.memory_space<vmem>>) target(%dma_start3A_525 : memref<4x50x32xf32, #tpu.memory_space<hbm>>) target_semaphore(%arg15 : memref<!tpu.dma_semaphore, #tpu.memory_space<semaphore_mem>>)
      %add3A_531 = arith.constant 6 : i32
      %add3A_532 = arith.addi %add3A_458, %add3A_531 : i32
      %lt3A = arith.constant 128 : i32
      %lt3A_533 = arith.cmpi slt, %add3A_532, %lt3A : i32
      %convert_element_type3A = arith.extui %lt3A_533 : i1 to i32
      %cond3A = arith.constant 0 : i32
      %cond3A_534 = arith.cmpi ne, %convert_element_type3A, %cond3A : i32
      scf.if %cond3A_534 {
        %ge3A = arith.constant 8 : i32
        %ge3A_1116 = arith.cmpi sge, %add3A_532, %ge3A : i32
        %convert_element_type3A_1117 = arith.extui %ge3A_1116 : i1 to i32
        %cond3A_1118 = arith.constant 0 : i32
        %cond3A_1119 = arith.cmpi ne, %convert_element_type3A_1117, %cond3A_1118 : i32
        scf.if %cond3A_1119 {
          %dma_wait3A_1184 = arith.constant 6 : i32
          %dma_wait3A_1185 = arith.constant 0 : i32
          %dma_wait3A_1186 = arith.constant 0 : i32
          %dma_wait3A_1187 = arith.constant 0 : i32
          %dma_wait3A_1188 = tpu.memref_slice %arg6[%dma_wait3A_1184, %dma_wait3A_1185, %dma_wait3A_1186, %dma_wait3A_1187] : memref<8x4x50x32xf32, #tpu.memory_space<vmem>> -> memref<1x4x50x32xf32, #tpu.memory_space<vmem>>
          %dma_wait3A_1189 = tpu.memref_squeeze %dma_wait3A_1188 : memref<1x4x50x32xf32, #tpu.memory_space<vmem>> -> memref<4x50x32xf32, #tpu.memory_space<vmem>>
          %dma_wait3A_1190 = arith.constant 0 : i32
          %dma_wait3A_1191 = arith.constant 0 : i32
          %dma_wait3A_1192 = tpu.memref_slice %arg4[%mul3A_2, %dma_wait3A_1190, %dma_wait3A_1191] : memref<16384x56x128xf32, #tpu.memory_space<hbm>> -> memref<4x50x32xf32, #tpu.memory_space<hbm>>
          %dma_wait3A_1193 = arith.constant 0 : i32
          %dma_wait3A_1194 = arith.constant 0 : i32
          %dma_wait3A_1195 = tpu.memref_slice %arg4[%mul3A_2, %dma_wait3A_1193, %dma_wait3A_1194] : memref<16384x56x128xf32, #tpu.memory_space<hbm>> -> memref<4x50x32xf32, #tpu.memory_space<hbm>>
          %dma_wait3A_1196 = arith.constant 0 : i32
          %dma_wait3A_1197 = arith.constant 0 : i32
          %dma_wait3A_1198 = arith.constant 0 : i32
          %dma_wait3A_1199 = tpu.memref_slice %arg6[%dma_wait3A_1184, %dma_wait3A_1196, %dma_wait3A_1197, %dma_wait3A_1198] : memref<8x4x50x32xf32, #tpu.memory_space<vmem>> -> memref<1x4x50x32xf32, #tpu.memory_space<vmem>>
          %dma_wait3A_1200 = tpu.memref_squeeze %dma_wait3A_1199 : memref<1x4x50x32xf32, #tpu.memory_space<vmem>> -> memref<4x50x32xf32, #tpu.memory_space<vmem>>
          tpu.wait_dma2 semaphore(%arg21 : memref<!tpu.dma_semaphore, #tpu.memory_space<semaphore_mem>>) src(%dma_wait3A_1200 : memref<4x50x32xf32, #tpu.memory_space<vmem>>) dst(%dma_wait3A_1195 : memref<4x50x32xf32, #tpu.memory_space<hbm>>)
        } else {
        }
        %mul3A_1120 = arith.constant 4 : i32
        %mul3A_1121 = arith.muli %add3A_532, %mul3A_1120 : i32
        %add3A_1122 = arith.constant 0 : i32
        %add3A_1123 = arith.addi %mul3A_1121, %add3A_1122 : i32
        %dma_start3A_1124 = arith.constant 6 : i32
        %dma_start3A_1125 = arith.constant 0 : i32
        %dma_start3A_1126 = arith.constant 0 : i32
        %dma_start3A_1127 = arith.constant 0 : i32
        %dma_start3A_1128 = tpu.memref_slice %arg6[%dma_start3A_1124, %dma_start3A_1125, %dma_start3A_1126, %dma_start3A_1127] : memref<8x4x50x32xf32, #tpu.memory_space<vmem>> -> memref<1x1x50x32xf32, #tpu.memory_space<vmem>>
        %dma_start3A_1129 = tpu.memref_squeeze %dma_start3A_1128 : memref<1x1x50x32xf32, #tpu.memory_space<vmem>> -> memref<50x32xf32, #tpu.memory_space<vmem>>
        %dma_start3A_1130 = arith.constant 0 : i32
        %dma_start3A_1131 = tpu.memref_slice %arg5[%add3A_1123, %dma_start3A_1130] : memref<512x50xi32, #tpu.memory_space<vmem>> -> memref<1x50xi32, #tpu.memory_space<vmem>>
        %dma_start3A_1132 = tpu.memref_squeeze %dma_start3A_1131 : memref<1x50xi32, #tpu.memory_space<vmem>> -> memref<50xi32, #tpu.memory_space<vmem>>
        %dma_start3A_1133 = arith.constant 0 : i32
        %dma_start3A_1134 = arith.constant 0 : i32
        %dma_start3A_1135 = tpu.memref_slice %arg3[%dma_start3A_1133, %dma_start3A_1134] : memref<1000000x32xf32, #tpu.memory_space<hbm>> -> memref<1000000x32xf32, #tpu.memory_space<hbm>>
        tpu.enqueue_indirect_dma source(%dma_start3A_1135 : memref<1000000x32xf32, #tpu.memory_space<hbm>>) target(%dma_start3A_1129 : memref<50x32xf32, #tpu.memory_space<vmem>>) offsets(%dma_start3A_1132 : memref<50xi32, #tpu.memory_space<vmem>>) semaphore(%arg13 : memref<!tpu.dma_semaphore, #tpu.memory_space<semaphore_mem>>)
        %mul3A_1136 = arith.constant 4 : i32
        %mul3A_1137 = arith.muli %add3A_532, %mul3A_1136 : i32
        %add3A_1138 = arith.constant 1 : i32
        %add3A_1139 = arith.addi %mul3A_1137, %add3A_1138 : i32
        %dma_start3A_1140 = arith.constant 6 : i32
        %dma_start3A_1141 = arith.constant 1 : i32
        %dma_start3A_1142 = arith.constant 0 : i32
        %dma_start3A_1143 = arith.constant 0 : i32
        %dma_start3A_1144 = tpu.memref_slice %arg6[%dma_start3A_1140, %dma_start3A_1141, %dma_start3A_1142, %dma_start3A_1143] : memref<8x4x50x32xf32, #tpu.memory_space<vmem>> -> memref<1x1x50x32xf32, #tpu.memory_space<vmem>>
        %dma_start3A_1145 = tpu.memref_squeeze %dma_start3A_1144 : memref<1x1x50x32xf32, #tpu.memory_space<vmem>> -> memref<50x32xf32, #tpu.memory_space<vmem>>
        %dma_start3A_1146 = arith.constant 0 : i32
        %dma_start3A_1147 = tpu.memref_slice %arg5[%add3A_1139, %dma_start3A_1146] : memref<512x50xi32, #tpu.memory_space<vmem>> -> memref<1x50xi32, #tpu.memory_space<vmem>>
        %dma_start3A_1148 = tpu.memref_squeeze %dma_start3A_1147 : memref<1x50xi32, #tpu.memory_space<vmem>> -> memref<50xi32, #tpu.memory_space<vmem>>
        %dma_start3A_1149 = arith.constant 0 : i32
        %dma_start3A_1150 = arith.constant 0 : i32
        %dma_start3A_1151 = tpu.memref_slice %arg3[%dma_start3A_1149, %dma_start3A_1150] : memref<1000000x32xf32, #tpu.memory_space<hbm>> -> memref<1000000x32xf32, #tpu.memory_space<hbm>>
        tpu.enqueue_indirect_dma source(%dma_start3A_1151 : memref<1000000x32xf32, #tpu.memory_space<hbm>>) target(%dma_start3A_1145 : memref<50x32xf32, #tpu.memory_space<vmem>>) offsets(%dma_start3A_1148 : memref<50xi32, #tpu.memory_space<vmem>>) semaphore(%arg13 : memref<!tpu.dma_semaphore, #tpu.memory_space<semaphore_mem>>)
        %mul3A_1152 = arith.constant 4 : i32
        %mul3A_1153 = arith.muli %add3A_532, %mul3A_1152 : i32
        %add3A_1154 = arith.constant 2 : i32
        %add3A_1155 = arith.addi %mul3A_1153, %add3A_1154 : i32
        %dma_start3A_1156 = arith.constant 6 : i32
        %dma_start3A_1157 = arith.constant 2 : i32
        %dma_start3A_1158 = arith.constant 0 : i32
        %dma_start3A_1159 = arith.constant 0 : i32
        %dma_start3A_1160 = tpu.memref_slice %arg6[%dma_start3A_1156, %dma_start3A_1157, %dma_start3A_1158, %dma_start3A_1159] : memref<8x4x50x32xf32, #tpu.memory_space<vmem>> -> memref<1x1x50x32xf32, #tpu.memory_space<vmem>>
        %dma_start3A_1161 = tpu.memref_squeeze %dma_start3A_1160 : memref<1x1x50x32xf32, #tpu.memory_space<vmem>> -> memref<50x32xf32, #tpu.memory_space<vmem>>
        %dma_start3A_1162 = arith.constant 0 : i32
        %dma_start3A_1163 = tpu.memref_slice %arg5[%add3A_1155, %dma_start3A_1162] : memref<512x50xi32, #tpu.memory_space<vmem>> -> memref<1x50xi32, #tpu.memory_space<vmem>>
        %dma_start3A_1164 = tpu.memref_squeeze %dma_start3A_1163 : memref<1x50xi32, #tpu.memory_space<vmem>> -> memref<50xi32, #tpu.memory_space<vmem>>
        %dma_start3A_1165 = arith.constant 0 : i32
        %dma_start3A_1166 = arith.constant 0 : i32
        %dma_start3A_1167 = tpu.memref_slice %arg3[%dma_start3A_1165, %dma_start3A_1166] : memref<1000000x32xf32, #tpu.memory_space<hbm>> -> memref<1000000x32xf32, #tpu.memory_space<hbm>>
        tpu.enqueue_indirect_dma source(%dma_start3A_1167 : memref<1000000x32xf32, #tpu.memory_space<hbm>>) target(%dma_start3A_1161 : memref<50x32xf32, #tpu.memory_space<vmem>>) offsets(%dma_start3A_1164 : memref<50xi32, #tpu.memory_space<vmem>>) semaphore(%arg13 : memref<!tpu.dma_semaphore, #tpu.memory_space<semaphore_mem>>)
        %mul3A_1168 = arith.constant 4 : i32
        %mul3A_1169 = arith.muli %add3A_532, %mul3A_1168 : i32
        %add3A_1170 = arith.constant 3 : i32
        %add3A_1171 = arith.addi %mul3A_1169, %add3A_1170 : i32
        %dma_start3A_1172 = arith.constant 6 : i32
        %dma_start3A_1173 = arith.constant 3 : i32
        %dma_start3A_1174 = arith.constant 0 : i32
        %dma_start3A_1175 = arith.constant 0 : i32
        %dma_start3A_1176 = tpu.memref_slice %arg6[%dma_start3A_1172, %dma_start3A_1173, %dma_start3A_1174, %dma_start3A_1175] : memref<8x4x50x32xf32, #tpu.memory_space<vmem>> -> memref<1x1x50x32xf32, #tpu.memory_space<vmem>>
        %dma_start3A_1177 = tpu.memref_squeeze %dma_start3A_1176 : memref<1x1x50x32xf32, #tpu.memory_space<vmem>> -> memref<50x32xf32, #tpu.memory_space<vmem>>
        %dma_start3A_1178 = arith.constant 0 : i32
        %dma_start3A_1179 = tpu.memref_slice %arg5[%add3A_1171, %dma_start3A_1178] : memref<512x50xi32, #tpu.memory_space<vmem>> -> memref<1x50xi32, #tpu.memory_space<vmem>>
        %dma_start3A_1180 = tpu.memref_squeeze %dma_start3A_1179 : memref<1x50xi32, #tpu.memory_space<vmem>> -> memref<50xi32, #tpu.memory_space<vmem>>
        %dma_start3A_1181 = arith.constant 0 : i32
        %dma_start3A_1182 = arith.constant 0 : i32
        %dma_start3A_1183 = tpu.memref_slice %arg3[%dma_start3A_1181, %dma_start3A_1182] : memref<1000000x32xf32, #tpu.memory_space<hbm>> -> memref<1000000x32xf32, #tpu.memory_space<hbm>>
        tpu.enqueue_indirect_dma source(%dma_start3A_1183 : memref<1000000x32xf32, #tpu.memory_space<hbm>>) target(%dma_start3A_1177 : memref<50x32xf32, #tpu.memory_space<vmem>>) offsets(%dma_start3A_1180 : memref<50xi32, #tpu.memory_space<vmem>>) semaphore(%arg13 : memref<!tpu.dma_semaphore, #tpu.memory_space<semaphore_mem>>)
      } else {
      }
      %mul3A_535 = arith.constant 8 : i32
      %mul3A_536 = arith.muli %scan3A_454, %mul3A_535 : i32
      %add3A_537 = arith.constant 1 : i32
      %add3A_538 = arith.addi %mul3A_536, %add3A_537 : i32
      %dma_wait3A_539 = arith.constant 0 : i32
      %dma_wait3A_540 = arith.constant 1 : i32
      %dma_wait3A_541 = arith.constant 0 : i32
      %dma_wait3A_542 = arith.constant 0 : i32
      %dma_wait3A_543 = arith.constant 0 : i32
      %dma_wait3A_544 = tpu.memref_slice %arg6[%dma_wait3A_540, %dma_wait3A_541, %dma_wait3A_542, %dma_wait3A_543] : memref<8x4x50x32xf32, #tpu.memory_space<vmem>> -> memref<1x1x50x32xf32, #tpu.memory_space<vmem>>
      %dma_wait3A_545 = tpu.memref_squeeze %dma_wait3A_544 : memref<1x1x50x32xf32, #tpu.memory_space<vmem>> -> memref<50x32xf32, #tpu.memory_space<vmem>>
      %dma_wait3A_546 = arith.constant 0 : i32
      %dma_wait3A_547 = tpu.memref_slice %arg5[%dma_wait3A_539, %dma_wait3A_546] : memref<512x50xi32, #tpu.memory_space<vmem>> -> memref<1x50xi32, #tpu.memory_space<vmem>>
      %dma_wait3A_548 = tpu.memref_squeeze %dma_wait3A_547 : memref<1x50xi32, #tpu.memory_space<vmem>> -> memref<50xi32, #tpu.memory_space<vmem>>
      %dma_wait3A_549 = arith.constant 0 : i32
      %dma_wait3A_550 = arith.constant 0 : i32
      %dma_wait3A_551 = tpu.memref_slice %arg3[%dma_wait3A_549, %dma_wait3A_550] : memref<1000000x32xf32, #tpu.memory_space<hbm>> -> memref<1000000x32xf32, #tpu.memory_space<hbm>>
      tpu.wait_indirect_dma semaphore(%arg8 : memref<!tpu.dma_semaphore, #tpu.memory_space<semaphore_mem>>) src(%dma_wait3A_551 : memref<1000000x32xf32, #tpu.memory_space<hbm>>) dst(%dma_wait3A_545 : memref<50x32xf32, #tpu.memory_space<vmem>>)
      %dma_wait3A_552 = arith.constant 1 : i32
      %dma_wait3A_553 = arith.constant 1 : i32
      %dma_wait3A_554 = arith.constant 1 : i32
      %dma_wait3A_555 = arith.constant 0 : i32
      %dma_wait3A_556 = arith.constant 0 : i32
      %dma_wait3A_557 = tpu.memref_slice %arg6[%dma_wait3A_553, %dma_wait3A_554, %dma_wait3A_555, %dma_wait3A_556] : memref<8x4x50x32xf32, #tpu.memory_space<vmem>> -> memref<1x1x50x32xf32, #tpu.memory_space<vmem>>
      %dma_wait3A_558 = tpu.memref_squeeze %dma_wait3A_557 : memref<1x1x50x32xf32, #tpu.memory_space<vmem>> -> memref<50x32xf32, #tpu.memory_space<vmem>>
      %dma_wait3A_559 = arith.constant 0 : i32
      %dma_wait3A_560 = tpu.memref_slice %arg5[%dma_wait3A_552, %dma_wait3A_559] : memref<512x50xi32, #tpu.memory_space<vmem>> -> memref<1x50xi32, #tpu.memory_space<vmem>>
      %dma_wait3A_561 = tpu.memref_squeeze %dma_wait3A_560 : memref<1x50xi32, #tpu.memory_space<vmem>> -> memref<50xi32, #tpu.memory_space<vmem>>
      %dma_wait3A_562 = arith.constant 0 : i32
      %dma_wait3A_563 = arith.constant 0 : i32
      %dma_wait3A_564 = tpu.memref_slice %arg3[%dma_wait3A_562, %dma_wait3A_563] : memref<1000000x32xf32, #tpu.memory_space<hbm>> -> memref<1000000x32xf32, #tpu.memory_space<hbm>>
      tpu.wait_indirect_dma semaphore(%arg8 : memref<!tpu.dma_semaphore, #tpu.memory_space<semaphore_mem>>) src(%dma_wait3A_564 : memref<1000000x32xf32, #tpu.memory_space<hbm>>) dst(%dma_wait3A_558 : memref<50x32xf32, #tpu.memory_space<vmem>>)
      %dma_wait3A_565 = arith.constant 2 : i32
      %dma_wait3A_566 = arith.constant 1 : i32
      %dma_wait3A_567 = arith.constant 2 : i32
      %dma_wait3A_568 = arith.constant 0 : i32
      %dma_wait3A_569 = arith.constant 0 : i32
      %dma_wait3A_570 = tpu.memref_slice %arg6[%dma_wait3A_566, %dma_wait3A_567, %dma_wait3A_568, %dma_wait3A_569] : memref<8x4x50x32xf32, #tpu.memory_space<vmem>> -> memref<1x1x50x32xf32, #tpu.memory_space<vmem>>
      %dma_wait3A_571 = tpu.memref_squeeze %dma_wait3A_570 : memref<1x1x50x32xf32, #tpu.memory_space<vmem>> -> memref<50x32xf32, #tpu.memory_space<vmem>>
      %dma_wait3A_572 = arith.constant 0 : i32
      %dma_wait3A_573 = tpu.memref_slice %arg5[%dma_wait3A_565, %dma_wait3A_572] : memref<512x50xi32, #tpu.memory_space<vmem>> -> memref<1x50xi32, #tpu.memory_space<vmem>>
      %dma_wait3A_574 = tpu.memref_squeeze %dma_wait3A_573 : memref<1x50xi32, #tpu.memory_space<vmem>> -> memref<50xi32, #tpu.memory_space<vmem>>
      %dma_wait3A_575 = arith.constant 0 : i32
      %dma_wait3A_576 = arith.constant 0 : i32
      %dma_wait3A_577 = tpu.memref_slice %arg3[%dma_wait3A_575, %dma_wait3A_576] : memref<1000000x32xf32, #tpu.memory_space<hbm>> -> memref<1000000x32xf32, #tpu.memory_space<hbm>>
      tpu.wait_indirect_dma semaphore(%arg8 : memref<!tpu.dma_semaphore, #tpu.memory_space<semaphore_mem>>) src(%dma_wait3A_577 : memref<1000000x32xf32, #tpu.memory_space<hbm>>) dst(%dma_wait3A_571 : memref<50x32xf32, #tpu.memory_space<vmem>>)
      %dma_wait3A_578 = arith.constant 3 : i32
      %dma_wait3A_579 = arith.constant 1 : i32
      %dma_wait3A_580 = arith.constant 3 : i32
      %dma_wait3A_581 = arith.constant 0 : i32
      %dma_wait3A_582 = arith.constant 0 : i32
      %dma_wait3A_583 = tpu.memref_slice %arg6[%dma_wait3A_579, %dma_wait3A_580, %dma_wait3A_581, %dma_wait3A_582] : memref<8x4x50x32xf32, #tpu.memory_space<vmem>> -> memref<1x1x50x32xf32, #tpu.memory_space<vmem>>
      %dma_wait3A_584 = tpu.memref_squeeze %dma_wait3A_583 : memref<1x1x50x32xf32, #tpu.memory_space<vmem>> -> memref<50x32xf32, #tpu.memory_space<vmem>>
      %dma_wait3A_585 = arith.constant 0 : i32
      %dma_wait3A_586 = tpu.memref_slice %arg5[%dma_wait3A_578, %dma_wait3A_585] : memref<512x50xi32, #tpu.memory_space<vmem>> -> memref<1x50xi32, #tpu.memory_space<vmem>>
      %dma_wait3A_587 = tpu.memref_squeeze %dma_wait3A_586 : memref<1x50xi32, #tpu.memory_space<vmem>> -> memref<50xi32, #tpu.memory_space<vmem>>
      %dma_wait3A_588 = arith.constant 0 : i32
      %dma_wait3A_589 = arith.constant 0 : i32
      %dma_wait3A_590 = tpu.memref_slice %arg3[%dma_wait3A_588, %dma_wait3A_589] : memref<1000000x32xf32, #tpu.memory_space<hbm>> -> memref<1000000x32xf32, #tpu.memory_space<hbm>>
      tpu.wait_indirect_dma semaphore(%arg8 : memref<!tpu.dma_semaphore, #tpu.memory_space<semaphore_mem>>) src(%dma_wait3A_590 : memref<1000000x32xf32, #tpu.memory_space<hbm>>) dst(%dma_wait3A_584 : memref<50x32xf32, #tpu.memory_space<vmem>>)
      %mul3A_591 = arith.constant 4 : i32
      %mul3A_592 = arith.muli %add3A_538, %mul3A_591 : i32
      %add3A_593 = arith.addi %mul3A_2, %mul3A_592 : i32
      %dma_start3A_594 = arith.constant 1 : i32
      %dma_start3A_595 = arith.constant 0 : i32
      %dma_start3A_596 = arith.constant 0 : i32
      %dma_start3A_597 = arith.constant 0 : i32
      %dma_start3A_598 = tpu.memref_slice %arg6[%dma_start3A_594, %dma_start3A_595, %dma_start3A_596, %dma_start3A_597] : memref<8x4x50x32xf32, #tpu.memory_space<vmem>> -> memref<1x4x50x32xf32, #tpu.memory_space<vmem>>
      %dma_start3A_599 = tpu.memref_squeeze %dma_start3A_598 : memref<1x4x50x32xf32, #tpu.memory_space<vmem>> -> memref<4x50x32xf32, #tpu.memory_space<vmem>>
      %dma_start3A_600 = arith.constant 0 : i32
      %dma_start3A_601 = arith.constant 0 : i32
      %dma_start3A_602 = tpu.memref_slice %arg4[%add3A_593, %dma_start3A_600, %dma_start3A_601] : memref<16384x56x128xf32, #tpu.memory_space<hbm>> -> memref<4x50x32xf32, #tpu.memory_space<hbm>>
      %dma_start3A_603 = arith.constant 0 : i32
      %dma_start3A_604 = arith.constant 0 : i32
      %dma_start3A_605 = tpu.memref_slice %arg4[%add3A_593, %dma_start3A_603, %dma_start3A_604] : memref<16384x56x128xf32, #tpu.memory_space<hbm>> -> memref<4x50x32xf32, #tpu.memory_space<hbm>>
      %dma_start3A_606 = arith.constant 0 : i32
      %dma_start3A_607 = arith.constant 0 : i32
      %dma_start3A_608 = arith.constant 0 : i32
      %dma_start3A_609 = tpu.memref_slice %arg6[%dma_start3A_594, %dma_start3A_606, %dma_start3A_607, %dma_start3A_608] : memref<8x4x50x32xf32, #tpu.memory_space<vmem>> -> memref<1x4x50x32xf32, #tpu.memory_space<vmem>>
      %dma_start3A_610 = tpu.memref_squeeze %dma_start3A_609 : memref<1x4x50x32xf32, #tpu.memory_space<vmem>> -> memref<4x50x32xf32, #tpu.memory_space<vmem>>
      tpu.enqueue_dma source(%dma_start3A_610 : memref<4x50x32xf32, #tpu.memory_space<vmem>>) target(%dma_start3A_605 : memref<4x50x32xf32, #tpu.memory_space<hbm>>) target_semaphore(%arg16 : memref<!tpu.dma_semaphore, #tpu.memory_space<semaphore_mem>>)
      %add3A_611 = arith.constant 6 : i32
      %add3A_612 = arith.addi %add3A_538, %add3A_611 : i32
      %lt3A_613 = arith.constant 128 : i32
      %lt3A_614 = arith.cmpi slt, %add3A_612, %lt3A_613 : i32
      %convert_element_type3A_615 = arith.extui %lt3A_614 : i1 to i32
      %cond3A_616 = arith.constant 0 : i32
      %cond3A_617 = arith.cmpi ne, %convert_element_type3A_615, %cond3A_616 : i32
      scf.if %cond3A_617 {
        %ge3A = arith.constant 8 : i32
        %ge3A_1116 = arith.cmpi sge, %add3A_612, %ge3A : i32
        %convert_element_type3A_1117 = arith.extui %ge3A_1116 : i1 to i32
        %cond3A_1118 = arith.constant 0 : i32
        %cond3A_1119 = arith.cmpi ne, %convert_element_type3A_1117, %cond3A_1118 : i32
        scf.if %cond3A_1119 {
          %dma_wait3A_1184 = arith.constant 7 : i32
          %dma_wait3A_1185 = arith.constant 0 : i32
          %dma_wait3A_1186 = arith.constant 0 : i32
          %dma_wait3A_1187 = arith.constant 0 : i32
          %dma_wait3A_1188 = tpu.memref_slice %arg6[%dma_wait3A_1184, %dma_wait3A_1185, %dma_wait3A_1186, %dma_wait3A_1187] : memref<8x4x50x32xf32, #tpu.memory_space<vmem>> -> memref<1x4x50x32xf32, #tpu.memory_space<vmem>>
          %dma_wait3A_1189 = tpu.memref_squeeze %dma_wait3A_1188 : memref<1x4x50x32xf32, #tpu.memory_space<vmem>> -> memref<4x50x32xf32, #tpu.memory_space<vmem>>
          %dma_wait3A_1190 = arith.constant 0 : i32
          %dma_wait3A_1191 = arith.constant 0 : i32
          %dma_wait3A_1192 = tpu.memref_slice %arg4[%mul3A_2, %dma_wait3A_1190, %dma_wait3A_1191] : memref<16384x56x128xf32, #tpu.memory_space<hbm>> -> memref<4x50x32xf32, #tpu.memory_space<hbm>>
          %dma_wait3A_1193 = arith.constant 0 : i32
          %dma_wait3A_1194 = arith.constant 0 : i32
          %dma_wait3A_1195 = tpu.memref_slice %arg4[%mul3A_2, %dma_wait3A_1193, %dma_wait3A_1194] : memref<16384x56x128xf32, #tpu.memory_space<hbm>> -> memref<4x50x32xf32, #tpu.memory_space<hbm>>
          %dma_wait3A_1196 = arith.constant 0 : i32
          %dma_wait3A_1197 = arith.constant 0 : i32
          %dma_wait3A_1198 = arith.constant 0 : i32
          %dma_wait3A_1199 = tpu.memref_slice %arg6[%dma_wait3A_1184, %dma_wait3A_1196, %dma_wait3A_1197, %dma_wait3A_1198] : memref<8x4x50x32xf32, #tpu.memory_space<vmem>> -> memref<1x4x50x32xf32, #tpu.memory_space<vmem>>
          %dma_wait3A_1200 = tpu.memref_squeeze %dma_wait3A_1199 : memref<1x4x50x32xf32, #tpu.memory_space<vmem>> -> memref<4x50x32xf32, #tpu.memory_space<vmem>>
          tpu.wait_dma2 semaphore(%arg22 : memref<!tpu.dma_semaphore, #tpu.memory_space<semaphore_mem>>) src(%dma_wait3A_1200 : memref<4x50x32xf32, #tpu.memory_space<vmem>>) dst(%dma_wait3A_1195 : memref<4x50x32xf32, #tpu.memory_space<hbm>>)
        } else {
        }
        %mul3A_1120 = arith.constant 4 : i32
        %mul3A_1121 = arith.muli %add3A_612, %mul3A_1120 : i32
        %add3A_1122 = arith.constant 0 : i32
        %add3A_1123 = arith.addi %mul3A_1121, %add3A_1122 : i32
        %dma_start3A_1124 = arith.constant 7 : i32
        %dma_start3A_1125 = arith.constant 0 : i32
        %dma_start3A_1126 = arith.constant 0 : i32
        %dma_start3A_1127 = arith.constant 0 : i32
        %dma_start3A_1128 = tpu.memref_slice %arg6[%dma_start3A_1124, %dma_start3A_1125, %dma_start3A_1126, %dma_start3A_1127] : memref<8x4x50x32xf32, #tpu.memory_space<vmem>> -> memref<1x1x50x32xf32, #tpu.memory_space<vmem>>
        %dma_start3A_1129 = tpu.memref_squeeze %dma_start3A_1128 : memref<1x1x50x32xf32, #tpu.memory_space<vmem>> -> memref<50x32xf32, #tpu.memory_space<vmem>>
        %dma_start3A_1130 = arith.constant 0 : i32
        %dma_start3A_1131 = tpu.memref_slice %arg5[%add3A_1123, %dma_start3A_1130] : memref<512x50xi32, #tpu.memory_space<vmem>> -> memref<1x50xi32, #tpu.memory_space<vmem>>
        %dma_start3A_1132 = tpu.memref_squeeze %dma_start3A_1131 : memref<1x50xi32, #tpu.memory_space<vmem>> -> memref<50xi32, #tpu.memory_space<vmem>>
        %dma_start3A_1133 = arith.constant 0 : i32
        %dma_start3A_1134 = arith.constant 0 : i32
        %dma_start3A_1135 = tpu.memref_slice %arg3[%dma_start3A_1133, %dma_start3A_1134] : memref<1000000x32xf32, #tpu.memory_space<hbm>> -> memref<1000000x32xf32, #tpu.memory_space<hbm>>
        tpu.enqueue_indirect_dma source(%dma_start3A_1135 : memref<1000000x32xf32, #tpu.memory_space<hbm>>) target(%dma_start3A_1129 : memref<50x32xf32, #tpu.memory_space<vmem>>) offsets(%dma_start3A_1132 : memref<50xi32, #tpu.memory_space<vmem>>) semaphore(%arg14 : memref<!tpu.dma_semaphore, #tpu.memory_space<semaphore_mem>>)
        %mul3A_1136 = arith.constant 4 : i32
        %mul3A_1137 = arith.muli %add3A_612, %mul3A_1136 : i32
        %add3A_1138 = arith.constant 1 : i32
        %add3A_1139 = arith.addi %mul3A_1137, %add3A_1138 : i32
        %dma_start3A_1140 = arith.constant 7 : i32
        %dma_start3A_1141 = arith.constant 1 : i32
        %dma_start3A_1142 = arith.constant 0 : i32
        %dma_start3A_1143 = arith.constant 0 : i32
        %dma_start3A_1144 = tpu.memref_slice %arg6[%dma_start3A_1140, %dma_start3A_1141, %dma_start3A_1142, %dma_start3A_1143] : memref<8x4x50x32xf32, #tpu.memory_space<vmem>> -> memref<1x1x50x32xf32, #tpu.memory_space<vmem>>
        %dma_start3A_1145 = tpu.memref_squeeze %dma_start3A_1144 : memref<1x1x50x32xf32, #tpu.memory_space<vmem>> -> memref<50x32xf32, #tpu.memory_space<vmem>>
        %dma_start3A_1146 = arith.constant 0 : i32
        %dma_start3A_1147 = tpu.memref_slice %arg5[%add3A_1139, %dma_start3A_1146] : memref<512x50xi32, #tpu.memory_space<vmem>> -> memref<1x50xi32, #tpu.memory_space<vmem>>
        %dma_start3A_1148 = tpu.memref_squeeze %dma_start3A_1147 : memref<1x50xi32, #tpu.memory_space<vmem>> -> memref<50xi32, #tpu.memory_space<vmem>>
        %dma_start3A_1149 = arith.constant 0 : i32
        %dma_start3A_1150 = arith.constant 0 : i32
        %dma_start3A_1151 = tpu.memref_slice %arg3[%dma_start3A_1149, %dma_start3A_1150] : memref<1000000x32xf32, #tpu.memory_space<hbm>> -> memref<1000000x32xf32, #tpu.memory_space<hbm>>
        tpu.enqueue_indirect_dma source(%dma_start3A_1151 : memref<1000000x32xf32, #tpu.memory_space<hbm>>) target(%dma_start3A_1145 : memref<50x32xf32, #tpu.memory_space<vmem>>) offsets(%dma_start3A_1148 : memref<50xi32, #tpu.memory_space<vmem>>) semaphore(%arg14 : memref<!tpu.dma_semaphore, #tpu.memory_space<semaphore_mem>>)
        %mul3A_1152 = arith.constant 4 : i32
        %mul3A_1153 = arith.muli %add3A_612, %mul3A_1152 : i32
        %add3A_1154 = arith.constant 2 : i32
        %add3A_1155 = arith.addi %mul3A_1153, %add3A_1154 : i32
        %dma_start3A_1156 = arith.constant 7 : i32
        %dma_start3A_1157 = arith.constant 2 : i32
        %dma_start3A_1158 = arith.constant 0 : i32
        %dma_start3A_1159 = arith.constant 0 : i32
        %dma_start3A_1160 = tpu.memref_slice %arg6[%dma_start3A_1156, %dma_start3A_1157, %dma_start3A_1158, %dma_start3A_1159] : memref<8x4x50x32xf32, #tpu.memory_space<vmem>> -> memref<1x1x50x32xf32, #tpu.memory_space<vmem>>
        %dma_start3A_1161 = tpu.memref_squeeze %dma_start3A_1160 : memref<1x1x50x32xf32, #tpu.memory_space<vmem>> -> memref<50x32xf32, #tpu.memory_space<vmem>>
        %dma_start3A_1162 = arith.constant 0 : i32
        %dma_start3A_1163 = tpu.memref_slice %arg5[%add3A_1155, %dma_start3A_1162] : memref<512x50xi32, #tpu.memory_space<vmem>> -> memref<1x50xi32, #tpu.memory_space<vmem>>
        %dma_start3A_1164 = tpu.memref_squeeze %dma_start3A_1163 : memref<1x50xi32, #tpu.memory_space<vmem>> -> memref<50xi32, #tpu.memory_space<vmem>>
        %dma_start3A_1165 = arith.constant 0 : i32
        %dma_start3A_1166 = arith.constant 0 : i32
        %dma_start3A_1167 = tpu.memref_slice %arg3[%dma_start3A_1165, %dma_start3A_1166] : memref<1000000x32xf32, #tpu.memory_space<hbm>> -> memref<1000000x32xf32, #tpu.memory_space<hbm>>
        tpu.enqueue_indirect_dma source(%dma_start3A_1167 : memref<1000000x32xf32, #tpu.memory_space<hbm>>) target(%dma_start3A_1161 : memref<50x32xf32, #tpu.memory_space<vmem>>) offsets(%dma_start3A_1164 : memref<50xi32, #tpu.memory_space<vmem>>) semaphore(%arg14 : memref<!tpu.dma_semaphore, #tpu.memory_space<semaphore_mem>>)
        %mul3A_1168 = arith.constant 4 : i32
        %mul3A_1169 = arith.muli %add3A_612, %mul3A_1168 : i32
        %add3A_1170 = arith.constant 3 : i32
        %add3A_1171 = arith.addi %mul3A_1169, %add3A_1170 : i32
        %dma_start3A_1172 = arith.constant 7 : i32
        %dma_start3A_1173 = arith.constant 3 : i32
        %dma_start3A_1174 = arith.constant 0 : i32
        %dma_start3A_1175 = arith.constant 0 : i32
        %dma_start3A_1176 = tpu.memref_slice %arg6[%dma_start3A_1172, %dma_start3A_1173, %dma_start3A_1174, %dma_start3A_1175] : memref<8x4x50x32xf32, #tpu.memory_space<vmem>> -> memref<1x1x50x32xf32, #tpu.memory_space<vmem>>
        %dma_start3A_1177 = tpu.memref_squeeze %dma_start3A_1176 : memref<1x1x50x32xf32, #tpu.memory_space<vmem>> -> memref<50x32xf32, #tpu.memory_space<vmem>>
        %dma_start3A_1178 = arith.constant 0 : i32
        %dma_start3A_1179 = tpu.memref_slice %arg5[%add3A_1171, %dma_start3A_1178] : memref<512x50xi32, #tpu.memory_space<vmem>> -> memref<1x50xi32, #tpu.memory_space<vmem>>
        %dma_start3A_1180 = tpu.memref_squeeze %dma_start3A_1179 : memref<1x50xi32, #tpu.memory_space<vmem>> -> memref<50xi32, #tpu.memory_space<vmem>>
        %dma_start3A_1181 = arith.constant 0 : i32
        %dma_start3A_1182 = arith.constant 0 : i32
        %dma_start3A_1183 = tpu.memref_slice %arg3[%dma_start3A_1181, %dma_start3A_1182] : memref<1000000x32xf32, #tpu.memory_space<hbm>> -> memref<1000000x32xf32, #tpu.memory_space<hbm>>
        tpu.enqueue_indirect_dma source(%dma_start3A_1183 : memref<1000000x32xf32, #tpu.memory_space<hbm>>) target(%dma_start3A_1177 : memref<50x32xf32, #tpu.memory_space<vmem>>) offsets(%dma_start3A_1180 : memref<50xi32, #tpu.memory_space<vmem>>) semaphore(%arg14 : memref<!tpu.dma_semaphore, #tpu.memory_space<semaphore_mem>>)
      } else {
      }
      %mul3A_618 = arith.constant 8 : i32
      %mul3A_619 = arith.muli %scan3A_454, %mul3A_618 : i32
      %add3A_620 = arith.constant 2 : i32
      %add3A_621 = arith.addi %mul3A_619, %add3A_620 : i32
      %dma_wait3A_622 = arith.constant 0 : i32
      %dma_wait3A_623 = arith.constant 2 : i32
      %dma_wait3A_624 = arith.constant 0 : i32
      %dma_wait3A_625 = arith.constant 0 : i32
      %dma_wait3A_626 = arith.constant 0 : i32
      %dma_wait3A_627 = tpu.memref_slice %arg6[%dma_wait3A_623, %dma_wait3A_624, %dma_wait3A_625, %dma_wait3A_626] : memref<8x4x50x32xf32, #tpu.memory_space<vmem>> -> memref<1x1x50x32xf32, #tpu.memory_space<vmem>>
      %dma_wait3A_628 = tpu.memref_squeeze %dma_wait3A_627 : memref<1x1x50x32xf32, #tpu.memory_space<vmem>> -> memref<50x32xf32, #tpu.memory_space<vmem>>
      %dma_wait3A_629 = arith.constant 0 : i32
      %dma_wait3A_630 = tpu.memref_slice %arg5[%dma_wait3A_622, %dma_wait3A_629] : memref<512x50xi32, #tpu.memory_space<vmem>> -> memref<1x50xi32, #tpu.memory_space<vmem>>
      %dma_wait3A_631 = tpu.memref_squeeze %dma_wait3A_630 : memref<1x50xi32, #tpu.memory_space<vmem>> -> memref<50xi32, #tpu.memory_space<vmem>>
      %dma_wait3A_632 = arith.constant 0 : i32
      %dma_wait3A_633 = arith.constant 0 : i32
      %dma_wait3A_634 = tpu.memref_slice %arg3[%dma_wait3A_632, %dma_wait3A_633] : memref<1000000x32xf32, #tpu.memory_space<hbm>> -> memref<1000000x32xf32, #tpu.memory_space<hbm>>
      tpu.wait_indirect_dma semaphore(%arg9 : memref<!tpu.dma_semaphore, #tpu.memory_space<semaphore_mem>>) src(%dma_wait3A_634 : memref<1000000x32xf32, #tpu.memory_space<hbm>>) dst(%dma_wait3A_628 : memref<50x32xf32, #tpu.memory_space<vmem>>)
      %dma_wait3A_635 = arith.constant 1 : i32
      %dma_wait3A_636 = arith.constant 2 : i32
      %dma_wait3A_637 = arith.constant 1 : i32
      %dma_wait3A_638 = arith.constant 0 : i32
      %dma_wait3A_639 = arith.constant 0 : i32
      %dma_wait3A_640 = tpu.memref_slice %arg6[%dma_wait3A_636, %dma_wait3A_637, %dma_wait3A_638, %dma_wait3A_639] : memref<8x4x50x32xf32, #tpu.memory_space<vmem>> -> memref<1x1x50x32xf32, #tpu.memory_space<vmem>>
      %dma_wait3A_641 = tpu.memref_squeeze %dma_wait3A_640 : memref<1x1x50x32xf32, #tpu.memory_space<vmem>> -> memref<50x32xf32, #tpu.memory_space<vmem>>
      %dma_wait3A_642 = arith.constant 0 : i32
      %dma_wait3A_643 = tpu.memref_slice %arg5[%dma_wait3A_635, %dma_wait3A_642] : memref<512x50xi32, #tpu.memory_space<vmem>> -> memref<1x50xi32, #tpu.memory_space<vmem>>
      %dma_wait3A_644 = tpu.memref_squeeze %dma_wait3A_643 : memref<1x50xi32, #tpu.memory_space<vmem>> -> memref<50xi32, #tpu.memory_space<vmem>>
      %dma_wait3A_645 = arith.constant 0 : i32
      %dma_wait3A_646 = arith.constant 0 : i32
      %dma_wait3A_647 = tpu.memref_slice %arg3[%dma_wait3A_645, %dma_wait3A_646] : memref<1000000x32xf32, #tpu.memory_space<hbm>> -> memref<1000000x32xf32, #tpu.memory_space<hbm>>
      tpu.wait_indirect_dma semaphore(%arg9 : memref<!tpu.dma_semaphore, #tpu.memory_space<semaphore_mem>>) src(%dma_wait3A_647 : memref<1000000x32xf32, #tpu.memory_space<hbm>>) dst(%dma_wait3A_641 : memref<50x32xf32, #tpu.memory_space<vmem>>)
      %dma_wait3A_648 = arith.constant 2 : i32
      %dma_wait3A_649 = arith.constant 2 : i32
      %dma_wait3A_650 = arith.constant 2 : i32
      %dma_wait3A_651 = arith.constant 0 : i32
      %dma_wait3A_652 = arith.constant 0 : i32
      %dma_wait3A_653 = tpu.memref_slice %arg6[%dma_wait3A_649, %dma_wait3A_650, %dma_wait3A_651, %dma_wait3A_652] : memref<8x4x50x32xf32, #tpu.memory_space<vmem>> -> memref<1x1x50x32xf32, #tpu.memory_space<vmem>>
      %dma_wait3A_654 = tpu.memref_squeeze %dma_wait3A_653 : memref<1x1x50x32xf32, #tpu.memory_space<vmem>> -> memref<50x32xf32, #tpu.memory_space<vmem>>
      %dma_wait3A_655 = arith.constant 0 : i32
      %dma_wait3A_656 = tpu.memref_slice %arg5[%dma_wait3A_648, %dma_wait3A_655] : memref<512x50xi32, #tpu.memory_space<vmem>> -> memref<1x50xi32, #tpu.memory_space<vmem>>
      %dma_wait3A_657 = tpu.memref_squeeze %dma_wait3A_656 : memref<1x50xi32, #tpu.memory_space<vmem>> -> memref<50xi32, #tpu.memory_space<vmem>>
      %dma_wait3A_658 = arith.constant 0 : i32
      %dma_wait3A_659 = arith.constant 0 : i32
      %dma_wait3A_660 = tpu.memref_slice %arg3[%dma_wait3A_658, %dma_wait3A_659] : memref<1000000x32xf32, #tpu.memory_space<hbm>> -> memref<1000000x32xf32, #tpu.memory_space<hbm>>
      tpu.wait_indirect_dma semaphore(%arg9 : memref<!tpu.dma_semaphore, #tpu.memory_space<semaphore_mem>>) src(%dma_wait3A_660 : memref<1000000x32xf32, #tpu.memory_space<hbm>>) dst(%dma_wait3A_654 : memref<50x32xf32, #tpu.memory_space<vmem>>)
      %dma_wait3A_661 = arith.constant 3 : i32
      %dma_wait3A_662 = arith.constant 2 : i32
      %dma_wait3A_663 = arith.constant 3 : i32
      %dma_wait3A_664 = arith.constant 0 : i32
      %dma_wait3A_665 = arith.constant 0 : i32
      %dma_wait3A_666 = tpu.memref_slice %arg6[%dma_wait3A_662, %dma_wait3A_663, %dma_wait3A_664, %dma_wait3A_665] : memref<8x4x50x32xf32, #tpu.memory_space<vmem>> -> memref<1x1x50x32xf32, #tpu.memory_space<vmem>>
      %dma_wait3A_667 = tpu.memref_squeeze %dma_wait3A_666 : memref<1x1x50x32xf32, #tpu.memory_space<vmem>> -> memref<50x32xf32, #tpu.memory_space<vmem>>
      %dma_wait3A_668 = arith.constant 0 : i32
      %dma_wait3A_669 = tpu.memref_slice %arg5[%dma_wait3A_661, %dma_wait3A_668] : memref<512x50xi32, #tpu.memory_space<vmem>> -> memref<1x50xi32, #tpu.memory_space<vmem>>
      %dma_wait3A_670 = tpu.memref_squeeze %dma_wait3A_669 : memref<1x50xi32, #tpu.memory_space<vmem>> -> memref<50xi32, #tpu.memory_space<vmem>>
      %dma_wait3A_671 = arith.constant 0 : i32
      %dma_wait3A_672 = arith.constant 0 : i32
      %dma_wait3A_673 = tpu.memref_slice %arg3[%dma_wait3A_671, %dma_wait3A_672] : memref<1000000x32xf32, #tpu.memory_space<hbm>> -> memref<1000000x32xf32, #tpu.memory_space<hbm>>
      tpu.wait_indirect_dma semaphore(%arg9 : memref<!tpu.dma_semaphore, #tpu.memory_space<semaphore_mem>>) src(%dma_wait3A_673 : memref<1000000x32xf32, #tpu.memory_space<hbm>>) dst(%dma_wait3A_667 : memref<50x32xf32, #tpu.memory_space<vmem>>)
      %mul3A_674 = arith.constant 4 : i32
      %mul3A_675 = arith.muli %add3A_621, %mul3A_674 : i32
      %add3A_676 = arith.addi %mul3A_2, %mul3A_675 : i32
      %dma_start3A_677 = arith.constant 2 : i32
      %dma_start3A_678 = arith.constant 0 : i32
      %dma_start3A_679 = arith.constant 0 : i32
      %dma_start3A_680 = arith.constant 0 : i32
      %dma_start3A_681 = tpu.memref_slice %arg6[%dma_start3A_677, %dma_start3A_678, %dma_start3A_679, %dma_start3A_680] : memref<8x4x50x32xf32, #tpu.memory_space<vmem>> -> memref<1x4x50x32xf32, #tpu.memory_space<vmem>>
      %dma_start3A_682 = tpu.memref_squeeze %dma_start3A_681 : memref<1x4x50x32xf32, #tpu.memory_space<vmem>> -> memref<4x50x32xf32, #tpu.memory_space<vmem>>
      %dma_start3A_683 = arith.constant 0 : i32
      %dma_start3A_684 = arith.constant 0 : i32
      %dma_start3A_685 = tpu.memref_slice %arg4[%add3A_676, %dma_start3A_683, %dma_start3A_684] : memref<16384x56x128xf32, #tpu.memory_space<hbm>> -> memref<4x50x32xf32, #tpu.memory_space<hbm>>
      %dma_start3A_686 = arith.constant 0 : i32
      %dma_start3A_687 = arith.constant 0 : i32
      %dma_start3A_688 = tpu.memref_slice %arg4[%add3A_676, %dma_start3A_686, %dma_start3A_687] : memref<16384x56x128xf32, #tpu.memory_space<hbm>> -> memref<4x50x32xf32, #tpu.memory_space<hbm>>
      %dma_start3A_689 = arith.constant 0 : i32
      %dma_start3A_690 = arith.constant 0 : i32
      %dma_start3A_691 = arith.constant 0 : i32
      %dma_start3A_692 = tpu.memref_slice %arg6[%dma_start3A_677, %dma_start3A_689, %dma_start3A_690, %dma_start3A_691] : memref<8x4x50x32xf32, #tpu.memory_space<vmem>> -> memref<1x4x50x32xf32, #tpu.memory_space<vmem>>
      %dma_start3A_693 = tpu.memref_squeeze %dma_start3A_692 : memref<1x4x50x32xf32, #tpu.memory_space<vmem>> -> memref<4x50x32xf32, #tpu.memory_space<vmem>>
      tpu.enqueue_dma source(%dma_start3A_693 : memref<4x50x32xf32, #tpu.memory_space<vmem>>) target(%dma_start3A_688 : memref<4x50x32xf32, #tpu.memory_space<hbm>>) target_semaphore(%arg17 : memref<!tpu.dma_semaphore, #tpu.memory_space<semaphore_mem>>)
      %add3A_694 = arith.constant 6 : i32
      %add3A_695 = arith.addi %add3A_621, %add3A_694 : i32
      %lt3A_696 = arith.constant 128 : i32
      %lt3A_697 = arith.cmpi slt, %add3A_695, %lt3A_696 : i32
      %convert_element_type3A_698 = arith.extui %lt3A_697 : i1 to i32
      %cond3A_699 = arith.constant 0 : i32
      %cond3A_700 = arith.cmpi ne, %convert_element_type3A_698, %cond3A_699 : i32
      scf.if %cond3A_700 {
        %ge3A = arith.constant 8 : i32
        %ge3A_1116 = arith.cmpi sge, %add3A_695, %ge3A : i32
        %convert_element_type3A_1117 = arith.extui %ge3A_1116 : i1 to i32
        %cond3A_1118 = arith.constant 0 : i32
        %cond3A_1119 = arith.cmpi ne, %convert_element_type3A_1117, %cond3A_1118 : i32
        scf.if %cond3A_1119 {
          %dma_wait3A_1184 = arith.constant 0 : i32
          %dma_wait3A_1185 = arith.constant 0 : i32
          %dma_wait3A_1186 = arith.constant 0 : i32
          %dma_wait3A_1187 = arith.constant 0 : i32
          %dma_wait3A_1188 = tpu.memref_slice %arg6[%dma_wait3A_1184, %dma_wait3A_1185, %dma_wait3A_1186, %dma_wait3A_1187] : memref<8x4x50x32xf32, #tpu.memory_space<vmem>> -> memref<1x4x50x32xf32, #tpu.memory_space<vmem>>
          %dma_wait3A_1189 = tpu.memref_squeeze %dma_wait3A_1188 : memref<1x4x50x32xf32, #tpu.memory_space<vmem>> -> memref<4x50x32xf32, #tpu.memory_space<vmem>>
          %dma_wait3A_1190 = arith.constant 0 : i32
          %dma_wait3A_1191 = arith.constant 0 : i32
          %dma_wait3A_1192 = tpu.memref_slice %arg4[%mul3A_2, %dma_wait3A_1190, %dma_wait3A_1191] : memref<16384x56x128xf32, #tpu.memory_space<hbm>> -> memref<4x50x32xf32, #tpu.memory_space<hbm>>
          %dma_wait3A_1193 = arith.constant 0 : i32
          %dma_wait3A_1194 = arith.constant 0 : i32
          %dma_wait3A_1195 = tpu.memref_slice %arg4[%mul3A_2, %dma_wait3A_1193, %dma_wait3A_1194] : memref<16384x56x128xf32, #tpu.memory_space<hbm>> -> memref<4x50x32xf32, #tpu.memory_space<hbm>>
          %dma_wait3A_1196 = arith.constant 0 : i32
          %dma_wait3A_1197 = arith.constant 0 : i32
          %dma_wait3A_1198 = arith.constant 0 : i32
          %dma_wait3A_1199 = tpu.memref_slice %arg6[%dma_wait3A_1184, %dma_wait3A_1196, %dma_wait3A_1197, %dma_wait3A_1198] : memref<8x4x50x32xf32, #tpu.memory_space<vmem>> -> memref<1x4x50x32xf32, #tpu.memory_space<vmem>>
          %dma_wait3A_1200 = tpu.memref_squeeze %dma_wait3A_1199 : memref<1x4x50x32xf32, #tpu.memory_space<vmem>> -> memref<4x50x32xf32, #tpu.memory_space<vmem>>
          tpu.wait_dma2 semaphore(%arg15 : memref<!tpu.dma_semaphore, #tpu.memory_space<semaphore_mem>>) src(%dma_wait3A_1200 : memref<4x50x32xf32, #tpu.memory_space<vmem>>) dst(%dma_wait3A_1195 : memref<4x50x32xf32, #tpu.memory_space<hbm>>)
        } else {
        }
        %mul3A_1120 = arith.constant 4 : i32
        %mul3A_1121 = arith.muli %add3A_695, %mul3A_1120 : i32
        %add3A_1122 = arith.constant 0 : i32
        %add3A_1123 = arith.addi %mul3A_1121, %add3A_1122 : i32
        %dma_start3A_1124 = arith.constant 0 : i32
        %dma_start3A_1125 = arith.constant 0 : i32
        %dma_start3A_1126 = arith.constant 0 : i32
        %dma_start3A_1127 = arith.constant 0 : i32
        %dma_start3A_1128 = tpu.memref_slice %arg6[%dma_start3A_1124, %dma_start3A_1125, %dma_start3A_1126, %dma_start3A_1127] : memref<8x4x50x32xf32, #tpu.memory_space<vmem>> -> memref<1x1x50x32xf32, #tpu.memory_space<vmem>>
        %dma_start3A_1129 = tpu.memref_squeeze %dma_start3A_1128 : memref<1x1x50x32xf32, #tpu.memory_space<vmem>> -> memref<50x32xf32, #tpu.memory_space<vmem>>
        %dma_start3A_1130 = arith.constant 0 : i32
        %dma_start3A_1131 = tpu.memref_slice %arg5[%add3A_1123, %dma_start3A_1130] : memref<512x50xi32, #tpu.memory_space<vmem>> -> memref<1x50xi32, #tpu.memory_space<vmem>>
        %dma_start3A_1132 = tpu.memref_squeeze %dma_start3A_1131 : memref<1x50xi32, #tpu.memory_space<vmem>> -> memref<50xi32, #tpu.memory_space<vmem>>
        %dma_start3A_1133 = arith.constant 0 : i32
        %dma_start3A_1134 = arith.constant 0 : i32
        %dma_start3A_1135 = tpu.memref_slice %arg3[%dma_start3A_1133, %dma_start3A_1134] : memref<1000000x32xf32, #tpu.memory_space<hbm>> -> memref<1000000x32xf32, #tpu.memory_space<hbm>>
        tpu.enqueue_indirect_dma source(%dma_start3A_1135 : memref<1000000x32xf32, #tpu.memory_space<hbm>>) target(%dma_start3A_1129 : memref<50x32xf32, #tpu.memory_space<vmem>>) offsets(%dma_start3A_1132 : memref<50xi32, #tpu.memory_space<vmem>>) semaphore(%arg7 : memref<!tpu.dma_semaphore, #tpu.memory_space<semaphore_mem>>)
        %mul3A_1136 = arith.constant 4 : i32
        %mul3A_1137 = arith.muli %add3A_695, %mul3A_1136 : i32
        %add3A_1138 = arith.constant 1 : i32
        %add3A_1139 = arith.addi %mul3A_1137, %add3A_1138 : i32
        %dma_start3A_1140 = arith.constant 0 : i32
        %dma_start3A_1141 = arith.constant 1 : i32
        %dma_start3A_1142 = arith.constant 0 : i32
        %dma_start3A_1143 = arith.constant 0 : i32
        %dma_start3A_1144 = tpu.memref_slice %arg6[%dma_start3A_1140, %dma_start3A_1141, %dma_start3A_1142, %dma_start3A_1143] : memref<8x4x50x32xf32, #tpu.memory_space<vmem>> -> memref<1x1x50x32xf32, #tpu.memory_space<vmem>>
        %dma_start3A_1145 = tpu.memref_squeeze %dma_start3A_1144 : memref<1x1x50x32xf32, #tpu.memory_space<vmem>> -> memref<50x32xf32, #tpu.memory_space<vmem>>
        %dma_start3A_1146 = arith.constant 0 : i32
        %dma_start3A_1147 = tpu.memref_slice %arg5[%add3A_1139, %dma_start3A_1146] : memref<512x50xi32, #tpu.memory_space<vmem>> -> memref<1x50xi32, #tpu.memory_space<vmem>>
        %dma_start3A_1148 = tpu.memref_squeeze %dma_start3A_1147 : memref<1x50xi32, #tpu.memory_space<vmem>> -> memref<50xi32, #tpu.memory_space<vmem>>
        %dma_start3A_1149 = arith.constant 0 : i32
        %dma_start3A_1150 = arith.constant 0 : i32
        %dma_start3A_1151 = tpu.memref_slice %arg3[%dma_start3A_1149, %dma_start3A_1150] : memref<1000000x32xf32, #tpu.memory_space<hbm>> -> memref<1000000x32xf32, #tpu.memory_space<hbm>>
        tpu.enqueue_indirect_dma source(%dma_start3A_1151 : memref<1000000x32xf32, #tpu.memory_space<hbm>>) target(%dma_start3A_1145 : memref<50x32xf32, #tpu.memory_space<vmem>>) offsets(%dma_start3A_1148 : memref<50xi32, #tpu.memory_space<vmem>>) semaphore(%arg7 : memref<!tpu.dma_semaphore, #tpu.memory_space<semaphore_mem>>)
        %mul3A_1152 = arith.constant 4 : i32
        %mul3A_1153 = arith.muli %add3A_695, %mul3A_1152 : i32
        %add3A_1154 = arith.constant 2 : i32
        %add3A_1155 = arith.addi %mul3A_1153, %add3A_1154 : i32
        %dma_start3A_1156 = arith.constant 0 : i32
        %dma_start3A_1157 = arith.constant 2 : i32
        %dma_start3A_1158 = arith.constant 0 : i32
        %dma_start3A_1159 = arith.constant 0 : i32
        %dma_start3A_1160 = tpu.memref_slice %arg6[%dma_start3A_1156, %dma_start3A_1157, %dma_start3A_1158, %dma_start3A_1159] : memref<8x4x50x32xf32, #tpu.memory_space<vmem>> -> memref<1x1x50x32xf32, #tpu.memory_space<vmem>>
        %dma_start3A_1161 = tpu.memref_squeeze %dma_start3A_1160 : memref<1x1x50x32xf32, #tpu.memory_space<vmem>> -> memref<50x32xf32, #tpu.memory_space<vmem>>
        %dma_start3A_1162 = arith.constant 0 : i32
        %dma_start3A_1163 = tpu.memref_slice %arg5[%add3A_1155, %dma_start3A_1162] : memref<512x50xi32, #tpu.memory_space<vmem>> -> memref<1x50xi32, #tpu.memory_space<vmem>>
        %dma_start3A_1164 = tpu.memref_squeeze %dma_start3A_1163 : memref<1x50xi32, #tpu.memory_space<vmem>> -> memref<50xi32, #tpu.memory_space<vmem>>
        %dma_start3A_1165 = arith.constant 0 : i32
        %dma_start3A_1166 = arith.constant 0 : i32
        %dma_start3A_1167 = tpu.memref_slice %arg3[%dma_start3A_1165, %dma_start3A_1166] : memref<1000000x32xf32, #tpu.memory_space<hbm>> -> memref<1000000x32xf32, #tpu.memory_space<hbm>>
        tpu.enqueue_indirect_dma source(%dma_start3A_1167 : memref<1000000x32xf32, #tpu.memory_space<hbm>>) target(%dma_start3A_1161 : memref<50x32xf32, #tpu.memory_space<vmem>>) offsets(%dma_start3A_1164 : memref<50xi32, #tpu.memory_space<vmem>>) semaphore(%arg7 : memref<!tpu.dma_semaphore, #tpu.memory_space<semaphore_mem>>)
        %mul3A_1168 = arith.constant 4 : i32
        %mul3A_1169 = arith.muli %add3A_695, %mul3A_1168 : i32
        %add3A_1170 = arith.constant 3 : i32
        %add3A_1171 = arith.addi %mul3A_1169, %add3A_1170 : i32
        %dma_start3A_1172 = arith.constant 0 : i32
        %dma_start3A_1173 = arith.constant 3 : i32
        %dma_start3A_1174 = arith.constant 0 : i32
        %dma_start3A_1175 = arith.constant 0 : i32
        %dma_start3A_1176 = tpu.memref_slice %arg6[%dma_start3A_1172, %dma_start3A_1173, %dma_start3A_1174, %dma_start3A_1175] : memref<8x4x50x32xf32, #tpu.memory_space<vmem>> -> memref<1x1x50x32xf32, #tpu.memory_space<vmem>>
        %dma_start3A_1177 = tpu.memref_squeeze %dma_start3A_1176 : memref<1x1x50x32xf32, #tpu.memory_space<vmem>> -> memref<50x32xf32, #tpu.memory_space<vmem>>
        %dma_start3A_1178 = arith.constant 0 : i32
        %dma_start3A_1179 = tpu.memref_slice %arg5[%add3A_1171, %dma_start3A_1178] : memref<512x50xi32, #tpu.memory_space<vmem>> -> memref<1x50xi32, #tpu.memory_space<vmem>>
        %dma_start3A_1180 = tpu.memref_squeeze %dma_start3A_1179 : memref<1x50xi32, #tpu.memory_space<vmem>> -> memref<50xi32, #tpu.memory_space<vmem>>
        %dma_start3A_1181 = arith.constant 0 : i32
        %dma_start3A_1182 = arith.constant 0 : i32
        %dma_start3A_1183 = tpu.memref_slice %arg3[%dma_start3A_1181, %dma_start3A_1182] : memref<1000000x32xf32, #tpu.memory_space<hbm>> -> memref<1000000x32xf32, #tpu.memory_space<hbm>>
        tpu.enqueue_indirect_dma source(%dma_start3A_1183 : memref<1000000x32xf32, #tpu.memory_space<hbm>>) target(%dma_start3A_1177 : memref<50x32xf32, #tpu.memory_space<vmem>>) offsets(%dma_start3A_1180 : memref<50xi32, #tpu.memory_space<vmem>>) semaphore(%arg7 : memref<!tpu.dma_semaphore, #tpu.memory_space<semaphore_mem>>)
      } else {
      }
      %mul3A_701 = arith.constant 8 : i32
      %mul3A_702 = arith.muli %scan3A_454, %mul3A_701 : i32
      %add3A_703 = arith.constant 3 : i32
      %add3A_704 = arith.addi %mul3A_702, %add3A_703 : i32
      %dma_wait3A_705 = arith.constant 0 : i32
      %dma_wait3A_706 = arith.constant 3 : i32
      %dma_wait3A_707 = arith.constant 0 : i32
      %dma_wait3A_708 = arith.constant 0 : i32
      %dma_wait3A_709 = arith.constant 0 : i32
      %dma_wait3A_710 = tpu.memref_slice %arg6[%dma_wait3A_706, %dma_wait3A_707, %dma_wait3A_708, %dma_wait3A_709] : memref<8x4x50x32xf32, #tpu.memory_space<vmem>> -> memref<1x1x50x32xf32, #tpu.memory_space<vmem>>
      %dma_wait3A_711 = tpu.memref_squeeze %dma_wait3A_710 : memref<1x1x50x32xf32, #tpu.memory_space<vmem>> -> memref<50x32xf32, #tpu.memory_space<vmem>>
      %dma_wait3A_712 = arith.constant 0 : i32
      %dma_wait3A_713 = tpu.memref_slice %arg5[%dma_wait3A_705, %dma_wait3A_712] : memref<512x50xi32, #tpu.memory_space<vmem>> -> memref<1x50xi32, #tpu.memory_space<vmem>>
      %dma_wait3A_714 = tpu.memref_squeeze %dma_wait3A_713 : memref<1x50xi32, #tpu.memory_space<vmem>> -> memref<50xi32, #tpu.memory_space<vmem>>
      %dma_wait3A_715 = arith.constant 0 : i32
      %dma_wait3A_716 = arith.constant 0 : i32
      %dma_wait3A_717 = tpu.memref_slice %arg3[%dma_wait3A_715, %dma_wait3A_716] : memref<1000000x32xf32, #tpu.memory_space<hbm>> -> memref<1000000x32xf32, #tpu.memory_space<hbm>>
      tpu.wait_indirect_dma semaphore(%arg10 : memref<!tpu.dma_semaphore, #tpu.memory_space<semaphore_mem>>) src(%dma_wait3A_717 : memref<1000000x32xf32, #tpu.memory_space<hbm>>) dst(%dma_wait3A_711 : memref<50x32xf32, #tpu.memory_space<vmem>>)
      %dma_wait3A_718 = arith.constant 1 : i32
      %dma_wait3A_719 = arith.constant 3 : i32
      %dma_wait3A_720 = arith.constant 1 : i32
      %dma_wait3A_721 = arith.constant 0 : i32
      %dma_wait3A_722 = arith.constant 0 : i32
      %dma_wait3A_723 = tpu.memref_slice %arg6[%dma_wait3A_719, %dma_wait3A_720, %dma_wait3A_721, %dma_wait3A_722] : memref<8x4x50x32xf32, #tpu.memory_space<vmem>> -> memref<1x1x50x32xf32, #tpu.memory_space<vmem>>
      %dma_wait3A_724 = tpu.memref_squeeze %dma_wait3A_723 : memref<1x1x50x32xf32, #tpu.memory_space<vmem>> -> memref<50x32xf32, #tpu.memory_space<vmem>>
      %dma_wait3A_725 = arith.constant 0 : i32
      %dma_wait3A_726 = tpu.memref_slice %arg5[%dma_wait3A_718, %dma_wait3A_725] : memref<512x50xi32, #tpu.memory_space<vmem>> -> memref<1x50xi32, #tpu.memory_space<vmem>>
      %dma_wait3A_727 = tpu.memref_squeeze %dma_wait3A_726 : memref<1x50xi32, #tpu.memory_space<vmem>> -> memref<50xi32, #tpu.memory_space<vmem>>
      %dma_wait3A_728 = arith.constant 0 : i32
      %dma_wait3A_729 = arith.constant 0 : i32
      %dma_wait3A_730 = tpu.memref_slice %arg3[%dma_wait3A_728, %dma_wait3A_729] : memref<1000000x32xf32, #tpu.memory_space<hbm>> -> memref<1000000x32xf32, #tpu.memory_space<hbm>>
      tpu.wait_indirect_dma semaphore(%arg10 : memref<!tpu.dma_semaphore, #tpu.memory_space<semaphore_mem>>) src(%dma_wait3A_730 : memref<1000000x32xf32, #tpu.memory_space<hbm>>) dst(%dma_wait3A_724 : memref<50x32xf32, #tpu.memory_space<vmem>>)
      %dma_wait3A_731 = arith.constant 2 : i32
      %dma_wait3A_732 = arith.constant 3 : i32
      %dma_wait3A_733 = arith.constant 2 : i32
      %dma_wait3A_734 = arith.constant 0 : i32
      %dma_wait3A_735 = arith.constant 0 : i32
      %dma_wait3A_736 = tpu.memref_slice %arg6[%dma_wait3A_732, %dma_wait3A_733, %dma_wait3A_734, %dma_wait3A_735] : memref<8x4x50x32xf32, #tpu.memory_space<vmem>> -> memref<1x1x50x32xf32, #tpu.memory_space<vmem>>
      %dma_wait3A_737 = tpu.memref_squeeze %dma_wait3A_736 : memref<1x1x50x32xf32, #tpu.memory_space<vmem>> -> memref<50x32xf32, #tpu.memory_space<vmem>>
      %dma_wait3A_738 = arith.constant 0 : i32
      %dma_wait3A_739 = tpu.memref_slice %arg5[%dma_wait3A_731, %dma_wait3A_738] : memref<512x50xi32, #tpu.memory_space<vmem>> -> memref<1x50xi32, #tpu.memory_space<vmem>>
      %dma_wait3A_740 = tpu.memref_squeeze %dma_wait3A_739 : memref<1x50xi32, #tpu.memory_space<vmem>> -> memref<50xi32, #tpu.memory_space<vmem>>
      %dma_wait3A_741 = arith.constant 0 : i32
      %dma_wait3A_742 = arith.constant 0 : i32
      %dma_wait3A_743 = tpu.memref_slice %arg3[%dma_wait3A_741, %dma_wait3A_742] : memref<1000000x32xf32, #tpu.memory_space<hbm>> -> memref<1000000x32xf32, #tpu.memory_space<hbm>>
      tpu.wait_indirect_dma semaphore(%arg10 : memref<!tpu.dma_semaphore, #tpu.memory_space<semaphore_mem>>) src(%dma_wait3A_743 : memref<1000000x32xf32, #tpu.memory_space<hbm>>) dst(%dma_wait3A_737 : memref<50x32xf32, #tpu.memory_space<vmem>>)
      %dma_wait3A_744 = arith.constant 3 : i32
      %dma_wait3A_745 = arith.constant 3 : i32
      %dma_wait3A_746 = arith.constant 3 : i32
      %dma_wait3A_747 = arith.constant 0 : i32
      %dma_wait3A_748 = arith.constant 0 : i32
      %dma_wait3A_749 = tpu.memref_slice %arg6[%dma_wait3A_745, %dma_wait3A_746, %dma_wait3A_747, %dma_wait3A_748] : memref<8x4x50x32xf32, #tpu.memory_space<vmem>> -> memref<1x1x50x32xf32, #tpu.memory_space<vmem>>
      %dma_wait3A_750 = tpu.memref_squeeze %dma_wait3A_749 : memref<1x1x50x32xf32, #tpu.memory_space<vmem>> -> memref<50x32xf32, #tpu.memory_space<vmem>>
      %dma_wait3A_751 = arith.constant 0 : i32
      %dma_wait3A_752 = tpu.memref_slice %arg5[%dma_wait3A_744, %dma_wait3A_751] : memref<512x50xi32, #tpu.memory_space<vmem>> -> memref<1x50xi32, #tpu.memory_space<vmem>>
      %dma_wait3A_753 = tpu.memref_squeeze %dma_wait3A_752 : memref<1x50xi32, #tpu.memory_space<vmem>> -> memref<50xi32, #tpu.memory_space<vmem>>
      %dma_wait3A_754 = arith.constant 0 : i32
      %dma_wait3A_755 = arith.constant 0 : i32
      %dma_wait3A_756 = tpu.memref_slice %arg3[%dma_wait3A_754, %dma_wait3A_755] : memref<1000000x32xf32, #tpu.memory_space<hbm>> -> memref<1000000x32xf32, #tpu.memory_space<hbm>>
      tpu.wait_indirect_dma semaphore(%arg10 : memref<!tpu.dma_semaphore, #tpu.memory_space<semaphore_mem>>) src(%dma_wait3A_756 : memref<1000000x32xf32, #tpu.memory_space<hbm>>) dst(%dma_wait3A_750 : memref<50x32xf32, #tpu.memory_space<vmem>>)
      %mul3A_757 = arith.constant 4 : i32
      %mul3A_758 = arith.muli %add3A_704, %mul3A_757 : i32
      %add3A_759 = arith.addi %mul3A_2, %mul3A_758 : i32
      %dma_start3A_760 = arith.constant 3 : i32
      %dma_start3A_761 = arith.constant 0 : i32
      %dma_start3A_762 = arith.constant 0 : i32
      %dma_start3A_763 = arith.constant 0 : i32
      %dma_start3A_764 = tpu.memref_slice %arg6[%dma_start3A_760, %dma_start3A_761, %dma_start3A_762, %dma_start3A_763] : memref<8x4x50x32xf32, #tpu.memory_space<vmem>> -> memref<1x4x50x32xf32, #tpu.memory_space<vmem>>
      %dma_start3A_765 = tpu.memref_squeeze %dma_start3A_764 : memref<1x4x50x32xf32, #tpu.memory_space<vmem>> -> memref<4x50x32xf32, #tpu.memory_space<vmem>>
      %dma_start3A_766 = arith.constant 0 : i32
      %dma_start3A_767 = arith.constant 0 : i32
      %dma_start3A_768 = tpu.memref_slice %arg4[%add3A_759, %dma_start3A_766, %dma_start3A_767] : memref<16384x56x128xf32, #tpu.memory_space<hbm>> -> memref<4x50x32xf32, #tpu.memory_space<hbm>>
      %dma_start3A_769 = arith.constant 0 : i32
      %dma_start3A_770 = arith.constant 0 : i32
      %dma_start3A_771 = tpu.memref_slice %arg4[%add3A_759, %dma_start3A_769, %dma_start3A_770] : memref<16384x56x128xf32, #tpu.memory_space<hbm>> -> memref<4x50x32xf32, #tpu.memory_space<hbm>>
      %dma_start3A_772 = arith.constant 0 : i32
      %dma_start3A_773 = arith.constant 0 : i32
      %dma_start3A_774 = arith.constant 0 : i32
      %dma_start3A_775 = tpu.memref_slice %arg6[%dma_start3A_760, %dma_start3A_772, %dma_start3A_773, %dma_start3A_774] : memref<8x4x50x32xf32, #tpu.memory_space<vmem>> -> memref<1x4x50x32xf32, #tpu.memory_space<vmem>>
      %dma_start3A_776 = tpu.memref_squeeze %dma_start3A_775 : memref<1x4x50x32xf32, #tpu.memory_space<vmem>> -> memref<4x50x32xf32, #tpu.memory_space<vmem>>
      tpu.enqueue_dma source(%dma_start3A_776 : memref<4x50x32xf32, #tpu.memory_space<vmem>>) target(%dma_start3A_771 : memref<4x50x32xf32, #tpu.memory_space<hbm>>) target_semaphore(%arg18 : memref<!tpu.dma_semaphore, #tpu.memory_space<semaphore_mem>>)
      %add3A_777 = arith.constant 6 : i32
      %add3A_778 = arith.addi %add3A_704, %add3A_777 : i32
      %lt3A_779 = arith.constant 128 : i32
      %lt3A_780 = arith.cmpi slt, %add3A_778, %lt3A_779 : i32
      %convert_element_type3A_781 = arith.extui %lt3A_780 : i1 to i32
      %cond3A_782 = arith.constant 0 : i32
      %cond3A_783 = arith.cmpi ne, %convert_element_type3A_781, %cond3A_782 : i32
      scf.if %cond3A_783 {
        %ge3A = arith.constant 8 : i32
        %ge3A_1116 = arith.cmpi sge, %add3A_778, %ge3A : i32
        %convert_element_type3A_1117 = arith.extui %ge3A_1116 : i1 to i32
        %cond3A_1118 = arith.constant 0 : i32
        %cond3A_1119 = arith.cmpi ne, %convert_element_type3A_1117, %cond3A_1118 : i32
        scf.if %cond3A_1119 {
          %dma_wait3A_1184 = arith.constant 1 : i32
          %dma_wait3A_1185 = arith.constant 0 : i32
          %dma_wait3A_1186 = arith.constant 0 : i32
          %dma_wait3A_1187 = arith.constant 0 : i32
          %dma_wait3A_1188 = tpu.memref_slice %arg6[%dma_wait3A_1184, %dma_wait3A_1185, %dma_wait3A_1186, %dma_wait3A_1187] : memref<8x4x50x32xf32, #tpu.memory_space<vmem>> -> memref<1x4x50x32xf32, #tpu.memory_space<vmem>>
          %dma_wait3A_1189 = tpu.memref_squeeze %dma_wait3A_1188 : memref<1x4x50x32xf32, #tpu.memory_space<vmem>> -> memref<4x50x32xf32, #tpu.memory_space<vmem>>
          %dma_wait3A_1190 = arith.constant 0 : i32
          %dma_wait3A_1191 = arith.constant 0 : i32
          %dma_wait3A_1192 = tpu.memref_slice %arg4[%mul3A_2, %dma_wait3A_1190, %dma_wait3A_1191] : memref<16384x56x128xf32, #tpu.memory_space<hbm>> -> memref<4x50x32xf32, #tpu.memory_space<hbm>>
          %dma_wait3A_1193 = arith.constant 0 : i32
          %dma_wait3A_1194 = arith.constant 0 : i32
          %dma_wait3A_1195 = tpu.memref_slice %arg4[%mul3A_2, %dma_wait3A_1193, %dma_wait3A_1194] : memref<16384x56x128xf32, #tpu.memory_space<hbm>> -> memref<4x50x32xf32, #tpu.memory_space<hbm>>
          %dma_wait3A_1196 = arith.constant 0 : i32
          %dma_wait3A_1197 = arith.constant 0 : i32
          %dma_wait3A_1198 = arith.constant 0 : i32
          %dma_wait3A_1199 = tpu.memref_slice %arg6[%dma_wait3A_1184, %dma_wait3A_1196, %dma_wait3A_1197, %dma_wait3A_1198] : memref<8x4x50x32xf32, #tpu.memory_space<vmem>> -> memref<1x4x50x32xf32, #tpu.memory_space<vmem>>
          %dma_wait3A_1200 = tpu.memref_squeeze %dma_wait3A_1199 : memref<1x4x50x32xf32, #tpu.memory_space<vmem>> -> memref<4x50x32xf32, #tpu.memory_space<vmem>>
          tpu.wait_dma2 semaphore(%arg16 : memref<!tpu.dma_semaphore, #tpu.memory_space<semaphore_mem>>) src(%dma_wait3A_1200 : memref<4x50x32xf32, #tpu.memory_space<vmem>>) dst(%dma_wait3A_1195 : memref<4x50x32xf32, #tpu.memory_space<hbm>>)
        } else {
        }
        %mul3A_1120 = arith.constant 4 : i32
        %mul3A_1121 = arith.muli %add3A_778, %mul3A_1120 : i32
        %add3A_1122 = arith.constant 0 : i32
        %add3A_1123 = arith.addi %mul3A_1121, %add3A_1122 : i32
        %dma_start3A_1124 = arith.constant 1 : i32
        %dma_start3A_1125 = arith.constant 0 : i32
        %dma_start3A_1126 = arith.constant 0 : i32
        %dma_start3A_1127 = arith.constant 0 : i32
        %dma_start3A_1128 = tpu.memref_slice %arg6[%dma_start3A_1124, %dma_start3A_1125, %dma_start3A_1126, %dma_start3A_1127] : memref<8x4x50x32xf32, #tpu.memory_space<vmem>> -> memref<1x1x50x32xf32, #tpu.memory_space<vmem>>
        %dma_start3A_1129 = tpu.memref_squeeze %dma_start3A_1128 : memref<1x1x50x32xf32, #tpu.memory_space<vmem>> -> memref<50x32xf32, #tpu.memory_space<vmem>>
        %dma_start3A_1130 = arith.constant 0 : i32
        %dma_start3A_1131 = tpu.memref_slice %arg5[%add3A_1123, %dma_start3A_1130] : memref<512x50xi32, #tpu.memory_space<vmem>> -> memref<1x50xi32, #tpu.memory_space<vmem>>
        %dma_start3A_1132 = tpu.memref_squeeze %dma_start3A_1131 : memref<1x50xi32, #tpu.memory_space<vmem>> -> memref<50xi32, #tpu.memory_space<vmem>>
        %dma_start3A_1133 = arith.constant 0 : i32
        %dma_start3A_1134 = arith.constant 0 : i32
        %dma_start3A_1135 = tpu.memref_slice %arg3[%dma_start3A_1133, %dma_start3A_1134] : memref<1000000x32xf32, #tpu.memory_space<hbm>> -> memref<1000000x32xf32, #tpu.memory_space<hbm>>
        tpu.enqueue_indirect_dma source(%dma_start3A_1135 : memref<1000000x32xf32, #tpu.memory_space<hbm>>) target(%dma_start3A_1129 : memref<50x32xf32, #tpu.memory_space<vmem>>) offsets(%dma_start3A_1132 : memref<50xi32, #tpu.memory_space<vmem>>) semaphore(%arg8 : memref<!tpu.dma_semaphore, #tpu.memory_space<semaphore_mem>>)
        %mul3A_1136 = arith.constant 4 : i32
        %mul3A_1137 = arith.muli %add3A_778, %mul3A_1136 : i32
        %add3A_1138 = arith.constant 1 : i32
        %add3A_1139 = arith.addi %mul3A_1137, %add3A_1138 : i32
        %dma_start3A_1140 = arith.constant 1 : i32
        %dma_start3A_1141 = arith.constant 1 : i32
        %dma_start3A_1142 = arith.constant 0 : i32
        %dma_start3A_1143 = arith.constant 0 : i32
        %dma_start3A_1144 = tpu.memref_slice %arg6[%dma_start3A_1140, %dma_start3A_1141, %dma_start3A_1142, %dma_start3A_1143] : memref<8x4x50x32xf32, #tpu.memory_space<vmem>> -> memref<1x1x50x32xf32, #tpu.memory_space<vmem>>
        %dma_start3A_1145 = tpu.memref_squeeze %dma_start3A_1144 : memref<1x1x50x32xf32, #tpu.memory_space<vmem>> -> memref<50x32xf32, #tpu.memory_space<vmem>>
        %dma_start3A_1146 = arith.constant 0 : i32
        %dma_start3A_1147 = tpu.memref_slice %arg5[%add3A_1139, %dma_start3A_1146] : memref<512x50xi32, #tpu.memory_space<vmem>> -> memref<1x50xi32, #tpu.memory_space<vmem>>
        %dma_start3A_1148 = tpu.memref_squeeze %dma_start3A_1147 : memref<1x50xi32, #tpu.memory_space<vmem>> -> memref<50xi32, #tpu.memory_space<vmem>>
        %dma_start3A_1149 = arith.constant 0 : i32
        %dma_start3A_1150 = arith.constant 0 : i32
        %dma_start3A_1151 = tpu.memref_slice %arg3[%dma_start3A_1149, %dma_start3A_1150] : memref<1000000x32xf32, #tpu.memory_space<hbm>> -> memref<1000000x32xf32, #tpu.memory_space<hbm>>
        tpu.enqueue_indirect_dma source(%dma_start3A_1151 : memref<1000000x32xf32, #tpu.memory_space<hbm>>) target(%dma_start3A_1145 : memref<50x32xf32, #tpu.memory_space<vmem>>) offsets(%dma_start3A_1148 : memref<50xi32, #tpu.memory_space<vmem>>) semaphore(%arg8 : memref<!tpu.dma_semaphore, #tpu.memory_space<semaphore_mem>>)
        %mul3A_1152 = arith.constant 4 : i32
        %mul3A_1153 = arith.muli %add3A_778, %mul3A_1152 : i32
        %add3A_1154 = arith.constant 2 : i32
        %add3A_1155 = arith.addi %mul3A_1153, %add3A_1154 : i32
        %dma_start3A_1156 = arith.constant 1 : i32
        %dma_start3A_1157 = arith.constant 2 : i32
        %dma_start3A_1158 = arith.constant 0 : i32
        %dma_start3A_1159 = arith.constant 0 : i32
        %dma_start3A_1160 = tpu.memref_slice %arg6[%dma_start3A_1156, %dma_start3A_1157, %dma_start3A_1158, %dma_start3A_1159] : memref<8x4x50x32xf32, #tpu.memory_space<vmem>> -> memref<1x1x50x32xf32, #tpu.memory_space<vmem>>
        %dma_start3A_1161 = tpu.memref_squeeze %dma_start3A_1160 : memref<1x1x50x32xf32, #tpu.memory_space<vmem>> -> memref<50x32xf32, #tpu.memory_space<vmem>>
        %dma_start3A_1162 = arith.constant 0 : i32
        %dma_start3A_1163 = tpu.memref_slice %arg5[%add3A_1155, %dma_start3A_1162] : memref<512x50xi32, #tpu.memory_space<vmem>> -> memref<1x50xi32, #tpu.memory_space<vmem>>
        %dma_start3A_1164 = tpu.memref_squeeze %dma_start3A_1163 : memref<1x50xi32, #tpu.memory_space<vmem>> -> memref<50xi32, #tpu.memory_space<vmem>>
        %dma_start3A_1165 = arith.constant 0 : i32
        %dma_start3A_1166 = arith.constant 0 : i32
        %dma_start3A_1167 = tpu.memref_slice %arg3[%dma_start3A_1165, %dma_start3A_1166] : memref<1000000x32xf32, #tpu.memory_space<hbm>> -> memref<1000000x32xf32, #tpu.memory_space<hbm>>
        tpu.enqueue_indirect_dma source(%dma_start3A_1167 : memref<1000000x32xf32, #tpu.memory_space<hbm>>) target(%dma_start3A_1161 : memref<50x32xf32, #tpu.memory_space<vmem>>) offsets(%dma_start3A_1164 : memref<50xi32, #tpu.memory_space<vmem>>) semaphore(%arg8 : memref<!tpu.dma_semaphore, #tpu.memory_space<semaphore_mem>>)
        %mul3A_1168 = arith.constant 4 : i32
        %mul3A_1169 = arith.muli %add3A_778, %mul3A_1168 : i32
        %add3A_1170 = arith.constant 3 : i32
        %add3A_1171 = arith.addi %mul3A_1169, %add3A_1170 : i32
        %dma_start3A_1172 = arith.constant 1 : i32
        %dma_start3A_1173 = arith.constant 3 : i32
        %dma_start3A_1174 = arith.constant 0 : i32
        %dma_start3A_1175 = arith.constant 0 : i32
        %dma_start3A_1176 = tpu.memref_slice %arg6[%dma_start3A_1172, %dma_start3A_1173, %dma_start3A_1174, %dma_start3A_1175] : memref<8x4x50x32xf32, #tpu.memory_space<vmem>> -> memref<1x1x50x32xf32, #tpu.memory_space<vmem>>
        %dma_start3A_1177 = tpu.memref_squeeze %dma_start3A_1176 : memref<1x1x50x32xf32, #tpu.memory_space<vmem>> -> memref<50x32xf32, #tpu.memory_space<vmem>>
        %dma_start3A_1178 = arith.constant 0 : i32
        %dma_start3A_1179 = tpu.memref_slice %arg5[%add3A_1171, %dma_start3A_1178] : memref<512x50xi32, #tpu.memory_space<vmem>> -> memref<1x50xi32, #tpu.memory_space<vmem>>
        %dma_start3A_1180 = tpu.memref_squeeze %dma_start3A_1179 : memref<1x50xi32, #tpu.memory_space<vmem>> -> memref<50xi32, #tpu.memory_space<vmem>>
        %dma_start3A_1181 = arith.constant 0 : i32
        %dma_start3A_1182 = arith.constant 0 : i32
        %dma_start3A_1183 = tpu.memref_slice %arg3[%dma_start3A_1181, %dma_start3A_1182] : memref<1000000x32xf32, #tpu.memory_space<hbm>> -> memref<1000000x32xf32, #tpu.memory_space<hbm>>
        tpu.enqueue_indirect_dma source(%dma_start3A_1183 : memref<1000000x32xf32, #tpu.memory_space<hbm>>) target(%dma_start3A_1177 : memref<50x32xf32, #tpu.memory_space<vmem>>) offsets(%dma_start3A_1180 : memref<50xi32, #tpu.memory_space<vmem>>) semaphore(%arg8 : memref<!tpu.dma_semaphore, #tpu.memory_space<semaphore_mem>>)
      } else {
      }
      %mul3A_784 = arith.constant 8 : i32
      %mul3A_785 = arith.muli %scan3A_454, %mul3A_784 : i32
      %add3A_786 = arith.constant 4 : i32
      %add3A_787 = arith.addi %mul3A_785, %add3A_786 : i32
      %dma_wait3A_788 = arith.constant 0 : i32
      %dma_wait3A_789 = arith.constant 4 : i32
      %dma_wait3A_790 = arith.constant 0 : i32
      %dma_wait3A_791 = arith.constant 0 : i32
      %dma_wait3A_792 = arith.constant 0 : i32
      %dma_wait3A_793 = tpu.memref_slice %arg6[%dma_wait3A_789, %dma_wait3A_790, %dma_wait3A_791, %dma_wait3A_792] : memref<8x4x50x32xf32, #tpu.memory_space<vmem>> -> memref<1x1x50x32xf32, #tpu.memory_space<vmem>>
      %dma_wait3A_794 = tpu.memref_squeeze %dma_wait3A_793 : memref<1x1x50x32xf32, #tpu.memory_space<vmem>> -> memref<50x32xf32, #tpu.memory_space<vmem>>
      %dma_wait3A_795 = arith.constant 0 : i32
      %dma_wait3A_796 = tpu.memref_slice %arg5[%dma_wait3A_788, %dma_wait3A_795] : memref<512x50xi32, #tpu.memory_space<vmem>> -> memref<1x50xi32, #tpu.memory_space<vmem>>
      %dma_wait3A_797 = tpu.memref_squeeze %dma_wait3A_796 : memref<1x50xi32, #tpu.memory_space<vmem>> -> memref<50xi32, #tpu.memory_space<vmem>>
      %dma_wait3A_798 = arith.constant 0 : i32
      %dma_wait3A_799 = arith.constant 0 : i32
      %dma_wait3A_800 = tpu.memref_slice %arg3[%dma_wait3A_798, %dma_wait3A_799] : memref<1000000x32xf32, #tpu.memory_space<hbm>> -> memref<1000000x32xf32, #tpu.memory_space<hbm>>
      tpu.wait_indirect_dma semaphore(%arg11 : memref<!tpu.dma_semaphore, #tpu.memory_space<semaphore_mem>>) src(%dma_wait3A_800 : memref<1000000x32xf32, #tpu.memory_space<hbm>>) dst(%dma_wait3A_794 : memref<50x32xf32, #tpu.memory_space<vmem>>)
      %dma_wait3A_801 = arith.constant 1 : i32
      %dma_wait3A_802 = arith.constant 4 : i32
      %dma_wait3A_803 = arith.constant 1 : i32
      %dma_wait3A_804 = arith.constant 0 : i32
      %dma_wait3A_805 = arith.constant 0 : i32
      %dma_wait3A_806 = tpu.memref_slice %arg6[%dma_wait3A_802, %dma_wait3A_803, %dma_wait3A_804, %dma_wait3A_805] : memref<8x4x50x32xf32, #tpu.memory_space<vmem>> -> memref<1x1x50x32xf32, #tpu.memory_space<vmem>>
      %dma_wait3A_807 = tpu.memref_squeeze %dma_wait3A_806 : memref<1x1x50x32xf32, #tpu.memory_space<vmem>> -> memref<50x32xf32, #tpu.memory_space<vmem>>
      %dma_wait3A_808 = arith.constant 0 : i32
      %dma_wait3A_809 = tpu.memref_slice %arg5[%dma_wait3A_801, %dma_wait3A_808] : memref<512x50xi32, #tpu.memory_space<vmem>> -> memref<1x50xi32, #tpu.memory_space<vmem>>
      %dma_wait3A_810 = tpu.memref_squeeze %dma_wait3A_809 : memref<1x50xi32, #tpu.memory_space<vmem>> -> memref<50xi32, #tpu.memory_space<vmem>>
      %dma_wait3A_811 = arith.constant 0 : i32
      %dma_wait3A_812 = arith.constant 0 : i32
      %dma_wait3A_813 = tpu.memref_slice %arg3[%dma_wait3A_811, %dma_wait3A_812] : memref<1000000x32xf32, #tpu.memory_space<hbm>> -> memref<1000000x32xf32, #tpu.memory_space<hbm>>
      tpu.wait_indirect_dma semaphore(%arg11 : memref<!tpu.dma_semaphore, #tpu.memory_space<semaphore_mem>>) src(%dma_wait3A_813 : memref<1000000x32xf32, #tpu.memory_space<hbm>>) dst(%dma_wait3A_807 : memref<50x32xf32, #tpu.memory_space<vmem>>)
      %dma_wait3A_814 = arith.constant 2 : i32
      %dma_wait3A_815 = arith.constant 4 : i32
      %dma_wait3A_816 = arith.constant 2 : i32
      %dma_wait3A_817 = arith.constant 0 : i32
      %dma_wait3A_818 = arith.constant 0 : i32
      %dma_wait3A_819 = tpu.memref_slice %arg6[%dma_wait3A_815, %dma_wait3A_816, %dma_wait3A_817, %dma_wait3A_818] : memref<8x4x50x32xf32, #tpu.memory_space<vmem>> -> memref<1x1x50x32xf32, #tpu.memory_space<vmem>>
      %dma_wait3A_820 = tpu.memref_squeeze %dma_wait3A_819 : memref<1x1x50x32xf32, #tpu.memory_space<vmem>> -> memref<50x32xf32, #tpu.memory_space<vmem>>
      %dma_wait3A_821 = arith.constant 0 : i32
      %dma_wait3A_822 = tpu.memref_slice %arg5[%dma_wait3A_814, %dma_wait3A_821] : memref<512x50xi32, #tpu.memory_space<vmem>> -> memref<1x50xi32, #tpu.memory_space<vmem>>
      %dma_wait3A_823 = tpu.memref_squeeze %dma_wait3A_822 : memref<1x50xi32, #tpu.memory_space<vmem>> -> memref<50xi32, #tpu.memory_space<vmem>>
      %dma_wait3A_824 = arith.constant 0 : i32
      %dma_wait3A_825 = arith.constant 0 : i32
      %dma_wait3A_826 = tpu.memref_slice %arg3[%dma_wait3A_824, %dma_wait3A_825] : memref<1000000x32xf32, #tpu.memory_space<hbm>> -> memref<1000000x32xf32, #tpu.memory_space<hbm>>
      tpu.wait_indirect_dma semaphore(%arg11 : memref<!tpu.dma_semaphore, #tpu.memory_space<semaphore_mem>>) src(%dma_wait3A_826 : memref<1000000x32xf32, #tpu.memory_space<hbm>>) dst(%dma_wait3A_820 : memref<50x32xf32, #tpu.memory_space<vmem>>)
      %dma_wait3A_827 = arith.constant 3 : i32
      %dma_wait3A_828 = arith.constant 4 : i32
      %dma_wait3A_829 = arith.constant 3 : i32
      %dma_wait3A_830 = arith.constant 0 : i32
      %dma_wait3A_831 = arith.constant 0 : i32
      %dma_wait3A_832 = tpu.memref_slice %arg6[%dma_wait3A_828, %dma_wait3A_829, %dma_wait3A_830, %dma_wait3A_831] : memref<8x4x50x32xf32, #tpu.memory_space<vmem>> -> memref<1x1x50x32xf32, #tpu.memory_space<vmem>>
      %dma_wait3A_833 = tpu.memref_squeeze %dma_wait3A_832 : memref<1x1x50x32xf32, #tpu.memory_space<vmem>> -> memref<50x32xf32, #tpu.memory_space<vmem>>
      %dma_wait3A_834 = arith.constant 0 : i32
      %dma_wait3A_835 = tpu.memref_slice %arg5[%dma_wait3A_827, %dma_wait3A_834] : memref<512x50xi32, #tpu.memory_space<vmem>> -> memref<1x50xi32, #tpu.memory_space<vmem>>
      %dma_wait3A_836 = tpu.memref_squeeze %dma_wait3A_835 : memref<1x50xi32, #tpu.memory_space<vmem>> -> memref<50xi32, #tpu.memory_space<vmem>>
      %dma_wait3A_837 = arith.constant 0 : i32
      %dma_wait3A_838 = arith.constant 0 : i32
      %dma_wait3A_839 = tpu.memref_slice %arg3[%dma_wait3A_837, %dma_wait3A_838] : memref<1000000x32xf32, #tpu.memory_space<hbm>> -> memref<1000000x32xf32, #tpu.memory_space<hbm>>
      tpu.wait_indirect_dma semaphore(%arg11 : memref<!tpu.dma_semaphore, #tpu.memory_space<semaphore_mem>>) src(%dma_wait3A_839 : memref<1000000x32xf32, #tpu.memory_space<hbm>>) dst(%dma_wait3A_833 : memref<50x32xf32, #tpu.memory_space<vmem>>)
      %mul3A_840 = arith.constant 4 : i32
      %mul3A_841 = arith.muli %add3A_787, %mul3A_840 : i32
      %add3A_842 = arith.addi %mul3A_2, %mul3A_841 : i32
      %dma_start3A_843 = arith.constant 4 : i32
      %dma_start3A_844 = arith.constant 0 : i32
      %dma_start3A_845 = arith.constant 0 : i32
      %dma_start3A_846 = arith.constant 0 : i32
      %dma_start3A_847 = tpu.memref_slice %arg6[%dma_start3A_843, %dma_start3A_844, %dma_start3A_845, %dma_start3A_846] : memref<8x4x50x32xf32, #tpu.memory_space<vmem>> -> memref<1x4x50x32xf32, #tpu.memory_space<vmem>>
      %dma_start3A_848 = tpu.memref_squeeze %dma_start3A_847 : memref<1x4x50x32xf32, #tpu.memory_space<vmem>> -> memref<4x50x32xf32, #tpu.memory_space<vmem>>
      %dma_start3A_849 = arith.constant 0 : i32
      %dma_start3A_850 = arith.constant 0 : i32
      %dma_start3A_851 = tpu.memref_slice %arg4[%add3A_842, %dma_start3A_849, %dma_start3A_850] : memref<16384x56x128xf32, #tpu.memory_space<hbm>> -> memref<4x50x32xf32, #tpu.memory_space<hbm>>
      %dma_start3A_852 = arith.constant 0 : i32
      %dma_start3A_853 = arith.constant 0 : i32
      %dma_start3A_854 = tpu.memref_slice %arg4[%add3A_842, %dma_start3A_852, %dma_start3A_853] : memref<16384x56x128xf32, #tpu.memory_space<hbm>> -> memref<4x50x32xf32, #tpu.memory_space<hbm>>
      %dma_start3A_855 = arith.constant 0 : i32
      %dma_start3A_856 = arith.constant 0 : i32
      %dma_start3A_857 = arith.constant 0 : i32
      %dma_start3A_858 = tpu.memref_slice %arg6[%dma_start3A_843, %dma_start3A_855, %dma_start3A_856, %dma_start3A_857] : memref<8x4x50x32xf32, #tpu.memory_space<vmem>> -> memref<1x4x50x32xf32, #tpu.memory_space<vmem>>
      %dma_start3A_859 = tpu.memref_squeeze %dma_start3A_858 : memref<1x4x50x32xf32, #tpu.memory_space<vmem>> -> memref<4x50x32xf32, #tpu.memory_space<vmem>>
      tpu.enqueue_dma source(%dma_start3A_859 : memref<4x50x32xf32, #tpu.memory_space<vmem>>) target(%dma_start3A_854 : memref<4x50x32xf32, #tpu.memory_space<hbm>>) target_semaphore(%arg19 : memref<!tpu.dma_semaphore, #tpu.memory_space<semaphore_mem>>)
      %add3A_860 = arith.constant 6 : i32
      %add3A_861 = arith.addi %add3A_787, %add3A_860 : i32
      %lt3A_862 = arith.constant 128 : i32
      %lt3A_863 = arith.cmpi slt, %add3A_861, %lt3A_862 : i32
      %convert_element_type3A_864 = arith.extui %lt3A_863 : i1 to i32
      %cond3A_865 = arith.constant 0 : i32
      %cond3A_866 = arith.cmpi ne, %convert_element_type3A_864, %cond3A_865 : i32
      scf.if %cond3A_866 {
        %ge3A = arith.constant 8 : i32
        %ge3A_1116 = arith.cmpi sge, %add3A_861, %ge3A : i32
        %convert_element_type3A_1117 = arith.extui %ge3A_1116 : i1 to i32
        %cond3A_1118 = arith.constant 0 : i32
        %cond3A_1119 = arith.cmpi ne, %convert_element_type3A_1117, %cond3A_1118 : i32
        scf.if %cond3A_1119 {
          %dma_wait3A_1184 = arith.constant 2 : i32
          %dma_wait3A_1185 = arith.constant 0 : i32
          %dma_wait3A_1186 = arith.constant 0 : i32
          %dma_wait3A_1187 = arith.constant 0 : i32
          %dma_wait3A_1188 = tpu.memref_slice %arg6[%dma_wait3A_1184, %dma_wait3A_1185, %dma_wait3A_1186, %dma_wait3A_1187] : memref<8x4x50x32xf32, #tpu.memory_space<vmem>> -> memref<1x4x50x32xf32, #tpu.memory_space<vmem>>
          %dma_wait3A_1189 = tpu.memref_squeeze %dma_wait3A_1188 : memref<1x4x50x32xf32, #tpu.memory_space<vmem>> -> memref<4x50x32xf32, #tpu.memory_space<vmem>>
          %dma_wait3A_1190 = arith.constant 0 : i32
          %dma_wait3A_1191 = arith.constant 0 : i32
          %dma_wait3A_1192 = tpu.memref_slice %arg4[%mul3A_2, %dma_wait3A_1190, %dma_wait3A_1191] : memref<16384x56x128xf32, #tpu.memory_space<hbm>> -> memref<4x50x32xf32, #tpu.memory_space<hbm>>
          %dma_wait3A_1193 = arith.constant 0 : i32
          %dma_wait3A_1194 = arith.constant 0 : i32
          %dma_wait3A_1195 = tpu.memref_slice %arg4[%mul3A_2, %dma_wait3A_1193, %dma_wait3A_1194] : memref<16384x56x128xf32, #tpu.memory_space<hbm>> -> memref<4x50x32xf32, #tpu.memory_space<hbm>>
          %dma_wait3A_1196 = arith.constant 0 : i32
          %dma_wait3A_1197 = arith.constant 0 : i32
          %dma_wait3A_1198 = arith.constant 0 : i32
          %dma_wait3A_1199 = tpu.memref_slice %arg6[%dma_wait3A_1184, %dma_wait3A_1196, %dma_wait3A_1197, %dma_wait3A_1198] : memref<8x4x50x32xf32, #tpu.memory_space<vmem>> -> memref<1x4x50x32xf32, #tpu.memory_space<vmem>>
          %dma_wait3A_1200 = tpu.memref_squeeze %dma_wait3A_1199 : memref<1x4x50x32xf32, #tpu.memory_space<vmem>> -> memref<4x50x32xf32, #tpu.memory_space<vmem>>
          tpu.wait_dma2 semaphore(%arg17 : memref<!tpu.dma_semaphore, #tpu.memory_space<semaphore_mem>>) src(%dma_wait3A_1200 : memref<4x50x32xf32, #tpu.memory_space<vmem>>) dst(%dma_wait3A_1195 : memref<4x50x32xf32, #tpu.memory_space<hbm>>)
        } else {
        }
        %mul3A_1120 = arith.constant 4 : i32
        %mul3A_1121 = arith.muli %add3A_861, %mul3A_1120 : i32
        %add3A_1122 = arith.constant 0 : i32
        %add3A_1123 = arith.addi %mul3A_1121, %add3A_1122 : i32
        %dma_start3A_1124 = arith.constant 2 : i32
        %dma_start3A_1125 = arith.constant 0 : i32
        %dma_start3A_1126 = arith.constant 0 : i32
        %dma_start3A_1127 = arith.constant 0 : i32
        %dma_start3A_1128 = tpu.memref_slice %arg6[%dma_start3A_1124, %dma_start3A_1125, %dma_start3A_1126, %dma_start3A_1127] : memref<8x4x50x32xf32, #tpu.memory_space<vmem>> -> memref<1x1x50x32xf32, #tpu.memory_space<vmem>>
        %dma_start3A_1129 = tpu.memref_squeeze %dma_start3A_1128 : memref<1x1x50x32xf32, #tpu.memory_space<vmem>> -> memref<50x32xf32, #tpu.memory_space<vmem>>
        %dma_start3A_1130 = arith.constant 0 : i32
        %dma_start3A_1131 = tpu.memref_slice %arg5[%add3A_1123, %dma_start3A_1130] : memref<512x50xi32, #tpu.memory_space<vmem>> -> memref<1x50xi32, #tpu.memory_space<vmem>>
        %dma_start3A_1132 = tpu.memref_squeeze %dma_start3A_1131 : memref<1x50xi32, #tpu.memory_space<vmem>> -> memref<50xi32, #tpu.memory_space<vmem>>
        %dma_start3A_1133 = arith.constant 0 : i32
        %dma_start3A_1134 = arith.constant 0 : i32
        %dma_start3A_1135 = tpu.memref_slice %arg3[%dma_start3A_1133, %dma_start3A_1134] : memref<1000000x32xf32, #tpu.memory_space<hbm>> -> memref<1000000x32xf32, #tpu.memory_space<hbm>>
        tpu.enqueue_indirect_dma source(%dma_start3A_1135 : memref<1000000x32xf32, #tpu.memory_space<hbm>>) target(%dma_start3A_1129 : memref<50x32xf32, #tpu.memory_space<vmem>>) offsets(%dma_start3A_1132 : memref<50xi32, #tpu.memory_space<vmem>>) semaphore(%arg9 : memref<!tpu.dma_semaphore, #tpu.memory_space<semaphore_mem>>)
        %mul3A_1136 = arith.constant 4 : i32
        %mul3A_1137 = arith.muli %add3A_861, %mul3A_1136 : i32
        %add3A_1138 = arith.constant 1 : i32
        %add3A_1139 = arith.addi %mul3A_1137, %add3A_1138 : i32
        %dma_start3A_1140 = arith.constant 2 : i32
        %dma_start3A_1141 = arith.constant 1 : i32
        %dma_start3A_1142 = arith.constant 0 : i32
        %dma_start3A_1143 = arith.constant 0 : i32
        %dma_start3A_1144 = tpu.memref_slice %arg6[%dma_start3A_1140, %dma_start3A_1141, %dma_start3A_1142, %dma_start3A_1143] : memref<8x4x50x32xf32, #tpu.memory_space<vmem>> -> memref<1x1x50x32xf32, #tpu.memory_space<vmem>>
        %dma_start3A_1145 = tpu.memref_squeeze %dma_start3A_1144 : memref<1x1x50x32xf32, #tpu.memory_space<vmem>> -> memref<50x32xf32, #tpu.memory_space<vmem>>
        %dma_start3A_1146 = arith.constant 0 : i32
        %dma_start3A_1147 = tpu.memref_slice %arg5[%add3A_1139, %dma_start3A_1146] : memref<512x50xi32, #tpu.memory_space<vmem>> -> memref<1x50xi32, #tpu.memory_space<vmem>>
        %dma_start3A_1148 = tpu.memref_squeeze %dma_start3A_1147 : memref<1x50xi32, #tpu.memory_space<vmem>> -> memref<50xi32, #tpu.memory_space<vmem>>
        %dma_start3A_1149 = arith.constant 0 : i32
        %dma_start3A_1150 = arith.constant 0 : i32
        %dma_start3A_1151 = tpu.memref_slice %arg3[%dma_start3A_1149, %dma_start3A_1150] : memref<1000000x32xf32, #tpu.memory_space<hbm>> -> memref<1000000x32xf32, #tpu.memory_space<hbm>>
        tpu.enqueue_indirect_dma source(%dma_start3A_1151 : memref<1000000x32xf32, #tpu.memory_space<hbm>>) target(%dma_start3A_1145 : memref<50x32xf32, #tpu.memory_space<vmem>>) offsets(%dma_start3A_1148 : memref<50xi32, #tpu.memory_space<vmem>>) semaphore(%arg9 : memref<!tpu.dma_semaphore, #tpu.memory_space<semaphore_mem>>)
        %mul3A_1152 = arith.constant 4 : i32
        %mul3A_1153 = arith.muli %add3A_861, %mul3A_1152 : i32
        %add3A_1154 = arith.constant 2 : i32
        %add3A_1155 = arith.addi %mul3A_1153, %add3A_1154 : i32
        %dma_start3A_1156 = arith.constant 2 : i32
        %dma_start3A_1157 = arith.constant 2 : i32
        %dma_start3A_1158 = arith.constant 0 : i32
        %dma_start3A_1159 = arith.constant 0 : i32
        %dma_start3A_1160 = tpu.memref_slice %arg6[%dma_start3A_1156, %dma_start3A_1157, %dma_start3A_1158, %dma_start3A_1159] : memref<8x4x50x32xf32, #tpu.memory_space<vmem>> -> memref<1x1x50x32xf32, #tpu.memory_space<vmem>>
        %dma_start3A_1161 = tpu.memref_squeeze %dma_start3A_1160 : memref<1x1x50x32xf32, #tpu.memory_space<vmem>> -> memref<50x32xf32, #tpu.memory_space<vmem>>
        %dma_start3A_1162 = arith.constant 0 : i32
        %dma_start3A_1163 = tpu.memref_slice %arg5[%add3A_1155, %dma_start3A_1162] : memref<512x50xi32, #tpu.memory_space<vmem>> -> memref<1x50xi32, #tpu.memory_space<vmem>>
        %dma_start3A_1164 = tpu.memref_squeeze %dma_start3A_1163 : memref<1x50xi32, #tpu.memory_space<vmem>> -> memref<50xi32, #tpu.memory_space<vmem>>
        %dma_start3A_1165 = arith.constant 0 : i32
        %dma_start3A_1166 = arith.constant 0 : i32
        %dma_start3A_1167 = tpu.memref_slice %arg3[%dma_start3A_1165, %dma_start3A_1166] : memref<1000000x32xf32, #tpu.memory_space<hbm>> -> memref<1000000x32xf32, #tpu.memory_space<hbm>>
        tpu.enqueue_indirect_dma source(%dma_start3A_1167 : memref<1000000x32xf32, #tpu.memory_space<hbm>>) target(%dma_start3A_1161 : memref<50x32xf32, #tpu.memory_space<vmem>>) offsets(%dma_start3A_1164 : memref<50xi32, #tpu.memory_space<vmem>>) semaphore(%arg9 : memref<!tpu.dma_semaphore, #tpu.memory_space<semaphore_mem>>)
        %mul3A_1168 = arith.constant 4 : i32
        %mul3A_1169 = arith.muli %add3A_861, %mul3A_1168 : i32
        %add3A_1170 = arith.constant 3 : i32
        %add3A_1171 = arith.addi %mul3A_1169, %add3A_1170 : i32
        %dma_start3A_1172 = arith.constant 2 : i32
        %dma_start3A_1173 = arith.constant 3 : i32
        %dma_start3A_1174 = arith.constant 0 : i32
        %dma_start3A_1175 = arith.constant 0 : i32
        %dma_start3A_1176 = tpu.memref_slice %arg6[%dma_start3A_1172, %dma_start3A_1173, %dma_start3A_1174, %dma_start3A_1175] : memref<8x4x50x32xf32, #tpu.memory_space<vmem>> -> memref<1x1x50x32xf32, #tpu.memory_space<vmem>>
        %dma_start3A_1177 = tpu.memref_squeeze %dma_start3A_1176 : memref<1x1x50x32xf32, #tpu.memory_space<vmem>> -> memref<50x32xf32, #tpu.memory_space<vmem>>
        %dma_start3A_1178 = arith.constant 0 : i32
        %dma_start3A_1179 = tpu.memref_slice %arg5[%add3A_1171, %dma_start3A_1178] : memref<512x50xi32, #tpu.memory_space<vmem>> -> memref<1x50xi32, #tpu.memory_space<vmem>>
        %dma_start3A_1180 = tpu.memref_squeeze %dma_start3A_1179 : memref<1x50xi32, #tpu.memory_space<vmem>> -> memref<50xi32, #tpu.memory_space<vmem>>
        %dma_start3A_1181 = arith.constant 0 : i32
        %dma_start3A_1182 = arith.constant 0 : i32
        %dma_start3A_1183 = tpu.memref_slice %arg3[%dma_start3A_1181, %dma_start3A_1182] : memref<1000000x32xf32, #tpu.memory_space<hbm>> -> memref<1000000x32xf32, #tpu.memory_space<hbm>>
        tpu.enqueue_indirect_dma source(%dma_start3A_1183 : memref<1000000x32xf32, #tpu.memory_space<hbm>>) target(%dma_start3A_1177 : memref<50x32xf32, #tpu.memory_space<vmem>>) offsets(%dma_start3A_1180 : memref<50xi32, #tpu.memory_space<vmem>>) semaphore(%arg9 : memref<!tpu.dma_semaphore, #tpu.memory_space<semaphore_mem>>)
      } else {
      }
      %mul3A_867 = arith.constant 8 : i32
      %mul3A_868 = arith.muli %scan3A_454, %mul3A_867 : i32
      %add3A_869 = arith.constant 5 : i32
      %add3A_870 = arith.addi %mul3A_868, %add3A_869 : i32
      %dma_wait3A_871 = arith.constant 0 : i32
      %dma_wait3A_872 = arith.constant 5 : i32
      %dma_wait3A_873 = arith.constant 0 : i32
      %dma_wait3A_874 = arith.constant 0 : i32
      %dma_wait3A_875 = arith.constant 0 : i32
      %dma_wait3A_876 = tpu.memref_slice %arg6[%dma_wait3A_872, %dma_wait3A_873, %dma_wait3A_874, %dma_wait3A_875] : memref<8x4x50x32xf32, #tpu.memory_space<vmem>> -> memref<1x1x50x32xf32, #tpu.memory_space<vmem>>
      %dma_wait3A_877 = tpu.memref_squeeze %dma_wait3A_876 : memref<1x1x50x32xf32, #tpu.memory_space<vmem>> -> memref<50x32xf32, #tpu.memory_space<vmem>>
      %dma_wait3A_878 = arith.constant 0 : i32
      %dma_wait3A_879 = tpu.memref_slice %arg5[%dma_wait3A_871, %dma_wait3A_878] : memref<512x50xi32, #tpu.memory_space<vmem>> -> memref<1x50xi32, #tpu.memory_space<vmem>>
      %dma_wait3A_880 = tpu.memref_squeeze %dma_wait3A_879 : memref<1x50xi32, #tpu.memory_space<vmem>> -> memref<50xi32, #tpu.memory_space<vmem>>
      %dma_wait3A_881 = arith.constant 0 : i32
      %dma_wait3A_882 = arith.constant 0 : i32
      %dma_wait3A_883 = tpu.memref_slice %arg3[%dma_wait3A_881, %dma_wait3A_882] : memref<1000000x32xf32, #tpu.memory_space<hbm>> -> memref<1000000x32xf32, #tpu.memory_space<hbm>>
      tpu.wait_indirect_dma semaphore(%arg12 : memref<!tpu.dma_semaphore, #tpu.memory_space<semaphore_mem>>) src(%dma_wait3A_883 : memref<1000000x32xf32, #tpu.memory_space<hbm>>) dst(%dma_wait3A_877 : memref<50x32xf32, #tpu.memory_space<vmem>>)
      %dma_wait3A_884 = arith.constant 1 : i32
      %dma_wait3A_885 = arith.constant 5 : i32
      %dma_wait3A_886 = arith.constant 1 : i32
      %dma_wait3A_887 = arith.constant 0 : i32
      %dma_wait3A_888 = arith.constant 0 : i32
      %dma_wait3A_889 = tpu.memref_slice %arg6[%dma_wait3A_885, %dma_wait3A_886, %dma_wait3A_887, %dma_wait3A_888] : memref<8x4x50x32xf32, #tpu.memory_space<vmem>> -> memref<1x1x50x32xf32, #tpu.memory_space<vmem>>
      %dma_wait3A_890 = tpu.memref_squeeze %dma_wait3A_889 : memref<1x1x50x32xf32, #tpu.memory_space<vmem>> -> memref<50x32xf32, #tpu.memory_space<vmem>>
      %dma_wait3A_891 = arith.constant 0 : i32
      %dma_wait3A_892 = tpu.memref_slice %arg5[%dma_wait3A_884, %dma_wait3A_891] : memref<512x50xi32, #tpu.memory_space<vmem>> -> memref<1x50xi32, #tpu.memory_space<vmem>>
      %dma_wait3A_893 = tpu.memref_squeeze %dma_wait3A_892 : memref<1x50xi32, #tpu.memory_space<vmem>> -> memref<50xi32, #tpu.memory_space<vmem>>
      %dma_wait3A_894 = arith.constant 0 : i32
      %dma_wait3A_895 = arith.constant 0 : i32
      %dma_wait3A_896 = tpu.memref_slice %arg3[%dma_wait3A_894, %dma_wait3A_895] : memref<1000000x32xf32, #tpu.memory_space<hbm>> -> memref<1000000x32xf32, #tpu.memory_space<hbm>>
      tpu.wait_indirect_dma semaphore(%arg12 : memref<!tpu.dma_semaphore, #tpu.memory_space<semaphore_mem>>) src(%dma_wait3A_896 : memref<1000000x32xf32, #tpu.memory_space<hbm>>) dst(%dma_wait3A_890 : memref<50x32xf32, #tpu.memory_space<vmem>>)
      %dma_wait3A_897 = arith.constant 2 : i32
      %dma_wait3A_898 = arith.constant 5 : i32
      %dma_wait3A_899 = arith.constant 2 : i32
      %dma_wait3A_900 = arith.constant 0 : i32
      %dma_wait3A_901 = arith.constant 0 : i32
      %dma_wait3A_902 = tpu.memref_slice %arg6[%dma_wait3A_898, %dma_wait3A_899, %dma_wait3A_900, %dma_wait3A_901] : memref<8x4x50x32xf32, #tpu.memory_space<vmem>> -> memref<1x1x50x32xf32, #tpu.memory_space<vmem>>
      %dma_wait3A_903 = tpu.memref_squeeze %dma_wait3A_902 : memref<1x1x50x32xf32, #tpu.memory_space<vmem>> -> memref<50x32xf32, #tpu.memory_space<vmem>>
      %dma_wait3A_904 = arith.constant 0 : i32
      %dma_wait3A_905 = tpu.memref_slice %arg5[%dma_wait3A_897, %dma_wait3A_904] : memref<512x50xi32, #tpu.memory_space<vmem>> -> memref<1x50xi32, #tpu.memory_space<vmem>>
      %dma_wait3A_906 = tpu.memref_squeeze %dma_wait3A_905 : memref<1x50xi32, #tpu.memory_space<vmem>> -> memref<50xi32, #tpu.memory_space<vmem>>
      %dma_wait3A_907 = arith.constant 0 : i32
      %dma_wait3A_908 = arith.constant 0 : i32
      %dma_wait3A_909 = tpu.memref_slice %arg3[%dma_wait3A_907, %dma_wait3A_908] : memref<1000000x32xf32, #tpu.memory_space<hbm>> -> memref<1000000x32xf32, #tpu.memory_space<hbm>>
      tpu.wait_indirect_dma semaphore(%arg12 : memref<!tpu.dma_semaphore, #tpu.memory_space<semaphore_mem>>) src(%dma_wait3A_909 : memref<1000000x32xf32, #tpu.memory_space<hbm>>) dst(%dma_wait3A_903 : memref<50x32xf32, #tpu.memory_space<vmem>>)
      %dma_wait3A_910 = arith.constant 3 : i32
      %dma_wait3A_911 = arith.constant 5 : i32
      %dma_wait3A_912 = arith.constant 3 : i32
      %dma_wait3A_913 = arith.constant 0 : i32
      %dma_wait3A_914 = arith.constant 0 : i32
      %dma_wait3A_915 = tpu.memref_slice %arg6[%dma_wait3A_911, %dma_wait3A_912, %dma_wait3A_913, %dma_wait3A_914] : memref<8x4x50x32xf32, #tpu.memory_space<vmem>> -> memref<1x1x50x32xf32, #tpu.memory_space<vmem>>
      %dma_wait3A_916 = tpu.memref_squeeze %dma_wait3A_915 : memref<1x1x50x32xf32, #tpu.memory_space<vmem>> -> memref<50x32xf32, #tpu.memory_space<vmem>>
      %dma_wait3A_917 = arith.constant 0 : i32
      %dma_wait3A_918 = tpu.memref_slice %arg5[%dma_wait3A_910, %dma_wait3A_917] : memref<512x50xi32, #tpu.memory_space<vmem>> -> memref<1x50xi32, #tpu.memory_space<vmem>>
      %dma_wait3A_919 = tpu.memref_squeeze %dma_wait3A_918 : memref<1x50xi32, #tpu.memory_space<vmem>> -> memref<50xi32, #tpu.memory_space<vmem>>
      %dma_wait3A_920 = arith.constant 0 : i32
      %dma_wait3A_921 = arith.constant 0 : i32
      %dma_wait3A_922 = tpu.memref_slice %arg3[%dma_wait3A_920, %dma_wait3A_921] : memref<1000000x32xf32, #tpu.memory_space<hbm>> -> memref<1000000x32xf32, #tpu.memory_space<hbm>>
      tpu.wait_indirect_dma semaphore(%arg12 : memref<!tpu.dma_semaphore, #tpu.memory_space<semaphore_mem>>) src(%dma_wait3A_922 : memref<1000000x32xf32, #tpu.memory_space<hbm>>) dst(%dma_wait3A_916 : memref<50x32xf32, #tpu.memory_space<vmem>>)
      %mul3A_923 = arith.constant 4 : i32
      %mul3A_924 = arith.muli %add3A_870, %mul3A_923 : i32
      %add3A_925 = arith.addi %mul3A_2, %mul3A_924 : i32
      %dma_start3A_926 = arith.constant 5 : i32
      %dma_start3A_927 = arith.constant 0 : i32
      %dma_start3A_928 = arith.constant 0 : i32
      %dma_start3A_929 = arith.constant 0 : i32
      %dma_start3A_930 = tpu.memref_slice %arg6[%dma_start3A_926, %dma_start3A_927, %dma_start3A_928, %dma_start3A_929] : memref<8x4x50x32xf32, #tpu.memory_space<vmem>> -> memref<1x4x50x32xf32, #tpu.memory_space<vmem>>
      %dma_start3A_931 = tpu.memref_squeeze %dma_start3A_930 : memref<1x4x50x32xf32, #tpu.memory_space<vmem>> -> memref<4x50x32xf32, #tpu.memory_space<vmem>>
      %dma_start3A_932 = arith.constant 0 : i32
      %dma_start3A_933 = arith.constant 0 : i32
      %dma_start3A_934 = tpu.memref_slice %arg4[%add3A_925, %dma_start3A_932, %dma_start3A_933] : memref<16384x56x128xf32, #tpu.memory_space<hbm>> -> memref<4x50x32xf32, #tpu.memory_space<hbm>>
      %dma_start3A_935 = arith.constant 0 : i32
      %dma_start3A_936 = arith.constant 0 : i32
      %dma_start3A_937 = tpu.memref_slice %arg4[%add3A_925, %dma_start3A_935, %dma_start3A_936] : memref<16384x56x128xf32, #tpu.memory_space<hbm>> -> memref<4x50x32xf32, #tpu.memory_space<hbm>>
      %dma_start3A_938 = arith.constant 0 : i32
      %dma_start3A_939 = arith.constant 0 : i32
      %dma_start3A_940 = arith.constant 0 : i32
      %dma_start3A_941 = tpu.memref_slice %arg6[%dma_start3A_926, %dma_start3A_938, %dma_start3A_939, %dma_start3A_940] : memref<8x4x50x32xf32, #tpu.memory_space<vmem>> -> memref<1x4x50x32xf32, #tpu.memory_space<vmem>>
      %dma_start3A_942 = tpu.memref_squeeze %dma_start3A_941 : memref<1x4x50x32xf32, #tpu.memory_space<vmem>> -> memref<4x50x32xf32, #tpu.memory_space<vmem>>
      tpu.enqueue_dma source(%dma_start3A_942 : memref<4x50x32xf32, #tpu.memory_space<vmem>>) target(%dma_start3A_937 : memref<4x50x32xf32, #tpu.memory_space<hbm>>) target_semaphore(%arg20 : memref<!tpu.dma_semaphore, #tpu.memory_space<semaphore_mem>>)
      %add3A_943 = arith.constant 6 : i32
      %add3A_944 = arith.addi %add3A_870, %add3A_943 : i32
      %lt3A_945 = arith.constant 128 : i32
      %lt3A_946 = arith.cmpi slt, %add3A_944, %lt3A_945 : i32
      %convert_element_type3A_947 = arith.extui %lt3A_946 : i1 to i32
      %cond3A_948 = arith.constant 0 : i32
      %cond3A_949 = arith.cmpi ne, %convert_element_type3A_947, %cond3A_948 : i32
      scf.if %cond3A_949 {
        %ge3A = arith.constant 8 : i32
        %ge3A_1116 = arith.cmpi sge, %add3A_944, %ge3A : i32
        %convert_element_type3A_1117 = arith.extui %ge3A_1116 : i1 to i32
        %cond3A_1118 = arith.constant 0 : i32
        %cond3A_1119 = arith.cmpi ne, %convert_element_type3A_1117, %cond3A_1118 : i32
        scf.if %cond3A_1119 {
          %dma_wait3A_1184 = arith.constant 3 : i32
          %dma_wait3A_1185 = arith.constant 0 : i32
          %dma_wait3A_1186 = arith.constant 0 : i32
          %dma_wait3A_1187 = arith.constant 0 : i32
          %dma_wait3A_1188 = tpu.memref_slice %arg6[%dma_wait3A_1184, %dma_wait3A_1185, %dma_wait3A_1186, %dma_wait3A_1187] : memref<8x4x50x32xf32, #tpu.memory_space<vmem>> -> memref<1x4x50x32xf32, #tpu.memory_space<vmem>>
          %dma_wait3A_1189 = tpu.memref_squeeze %dma_wait3A_1188 : memref<1x4x50x32xf32, #tpu.memory_space<vmem>> -> memref<4x50x32xf32, #tpu.memory_space<vmem>>
          %dma_wait3A_1190 = arith.constant 0 : i32
          %dma_wait3A_1191 = arith.constant 0 : i32
          %dma_wait3A_1192 = tpu.memref_slice %arg4[%mul3A_2, %dma_wait3A_1190, %dma_wait3A_1191] : memref<16384x56x128xf32, #tpu.memory_space<hbm>> -> memref<4x50x32xf32, #tpu.memory_space<hbm>>
          %dma_wait3A_1193 = arith.constant 0 : i32
          %dma_wait3A_1194 = arith.constant 0 : i32
          %dma_wait3A_1195 = tpu.memref_slice %arg4[%mul3A_2, %dma_wait3A_1193, %dma_wait3A_1194] : memref<16384x56x128xf32, #tpu.memory_space<hbm>> -> memref<4x50x32xf32, #tpu.memory_space<hbm>>
          %dma_wait3A_1196 = arith.constant 0 : i32
          %dma_wait3A_1197 = arith.constant 0 : i32
          %dma_wait3A_1198 = arith.constant 0 : i32
          %dma_wait3A_1199 = tpu.memref_slice %arg6[%dma_wait3A_1184, %dma_wait3A_1196, %dma_wait3A_1197, %dma_wait3A_1198] : memref<8x4x50x32xf32, #tpu.memory_space<vmem>> -> memref<1x4x50x32xf32, #tpu.memory_space<vmem>>
          %dma_wait3A_1200 = tpu.memref_squeeze %dma_wait3A_1199 : memref<1x4x50x32xf32, #tpu.memory_space<vmem>> -> memref<4x50x32xf32, #tpu.memory_space<vmem>>
          tpu.wait_dma2 semaphore(%arg18 : memref<!tpu.dma_semaphore, #tpu.memory_space<semaphore_mem>>) src(%dma_wait3A_1200 : memref<4x50x32xf32, #tpu.memory_space<vmem>>) dst(%dma_wait3A_1195 : memref<4x50x32xf32, #tpu.memory_space<hbm>>)
        } else {
        }
        %mul3A_1120 = arith.constant 4 : i32
        %mul3A_1121 = arith.muli %add3A_944, %mul3A_1120 : i32
        %add3A_1122 = arith.constant 0 : i32
        %add3A_1123 = arith.addi %mul3A_1121, %add3A_1122 : i32
        %dma_start3A_1124 = arith.constant 3 : i32
        %dma_start3A_1125 = arith.constant 0 : i32
        %dma_start3A_1126 = arith.constant 0 : i32
        %dma_start3A_1127 = arith.constant 0 : i32
        %dma_start3A_1128 = tpu.memref_slice %arg6[%dma_start3A_1124, %dma_start3A_1125, %dma_start3A_1126, %dma_start3A_1127] : memref<8x4x50x32xf32, #tpu.memory_space<vmem>> -> memref<1x1x50x32xf32, #tpu.memory_space<vmem>>
        %dma_start3A_1129 = tpu.memref_squeeze %dma_start3A_1128 : memref<1x1x50x32xf32, #tpu.memory_space<vmem>> -> memref<50x32xf32, #tpu.memory_space<vmem>>
        %dma_start3A_1130 = arith.constant 0 : i32
        %dma_start3A_1131 = tpu.memref_slice %arg5[%add3A_1123, %dma_start3A_1130] : memref<512x50xi32, #tpu.memory_space<vmem>> -> memref<1x50xi32, #tpu.memory_space<vmem>>
        %dma_start3A_1132 = tpu.memref_squeeze %dma_start3A_1131 : memref<1x50xi32, #tpu.memory_space<vmem>> -> memref<50xi32, #tpu.memory_space<vmem>>
        %dma_start3A_1133 = arith.constant 0 : i32
        %dma_start3A_1134 = arith.constant 0 : i32
        %dma_start3A_1135 = tpu.memref_slice %arg3[%dma_start3A_1133, %dma_start3A_1134] : memref<1000000x32xf32, #tpu.memory_space<hbm>> -> memref<1000000x32xf32, #tpu.memory_space<hbm>>
        tpu.enqueue_indirect_dma source(%dma_start3A_1135 : memref<1000000x32xf32, #tpu.memory_space<hbm>>) target(%dma_start3A_1129 : memref<50x32xf32, #tpu.memory_space<vmem>>) offsets(%dma_start3A_1132 : memref<50xi32, #tpu.memory_space<vmem>>) semaphore(%arg10 : memref<!tpu.dma_semaphore, #tpu.memory_space<semaphore_mem>>)
        %mul3A_1136 = arith.constant 4 : i32
        %mul3A_1137 = arith.muli %add3A_944, %mul3A_1136 : i32
        %add3A_1138 = arith.constant 1 : i32
        %add3A_1139 = arith.addi %mul3A_1137, %add3A_1138 : i32
        %dma_start3A_1140 = arith.constant 3 : i32
        %dma_start3A_1141 = arith.constant 1 : i32
        %dma_start3A_1142 = arith.constant 0 : i32
        %dma_start3A_1143 = arith.constant 0 : i32
        %dma_start3A_1144 = tpu.memref_slice %arg6[%dma_start3A_1140, %dma_start3A_1141, %dma_start3A_1142, %dma_start3A_1143] : memref<8x4x50x32xf32, #tpu.memory_space<vmem>> -> memref<1x1x50x32xf32, #tpu.memory_space<vmem>>
        %dma_start3A_1145 = tpu.memref_squeeze %dma_start3A_1144 : memref<1x1x50x32xf32, #tpu.memory_space<vmem>> -> memref<50x32xf32, #tpu.memory_space<vmem>>
        %dma_start3A_1146 = arith.constant 0 : i32
        %dma_start3A_1147 = tpu.memref_slice %arg5[%add3A_1139, %dma_start3A_1146] : memref<512x50xi32, #tpu.memory_space<vmem>> -> memref<1x50xi32, #tpu.memory_space<vmem>>
        %dma_start3A_1148 = tpu.memref_squeeze %dma_start3A_1147 : memref<1x50xi32, #tpu.memory_space<vmem>> -> memref<50xi32, #tpu.memory_space<vmem>>
        %dma_start3A_1149 = arith.constant 0 : i32
        %dma_start3A_1150 = arith.constant 0 : i32
        %dma_start3A_1151 = tpu.memref_slice %arg3[%dma_start3A_1149, %dma_start3A_1150] : memref<1000000x32xf32, #tpu.memory_space<hbm>> -> memref<1000000x32xf32, #tpu.memory_space<hbm>>
        tpu.enqueue_indirect_dma source(%dma_start3A_1151 : memref<1000000x32xf32, #tpu.memory_space<hbm>>) target(%dma_start3A_1145 : memref<50x32xf32, #tpu.memory_space<vmem>>) offsets(%dma_start3A_1148 : memref<50xi32, #tpu.memory_space<vmem>>) semaphore(%arg10 : memref<!tpu.dma_semaphore, #tpu.memory_space<semaphore_mem>>)
        %mul3A_1152 = arith.constant 4 : i32
        %mul3A_1153 = arith.muli %add3A_944, %mul3A_1152 : i32
        %add3A_1154 = arith.constant 2 : i32
        %add3A_1155 = arith.addi %mul3A_1153, %add3A_1154 : i32
        %dma_start3A_1156 = arith.constant 3 : i32
        %dma_start3A_1157 = arith.constant 2 : i32
        %dma_start3A_1158 = arith.constant 0 : i32
        %dma_start3A_1159 = arith.constant 0 : i32
        %dma_start3A_1160 = tpu.memref_slice %arg6[%dma_start3A_1156, %dma_start3A_1157, %dma_start3A_1158, %dma_start3A_1159] : memref<8x4x50x32xf32, #tpu.memory_space<vmem>> -> memref<1x1x50x32xf32, #tpu.memory_space<vmem>>
        %dma_start3A_1161 = tpu.memref_squeeze %dma_start3A_1160 : memref<1x1x50x32xf32, #tpu.memory_space<vmem>> -> memref<50x32xf32, #tpu.memory_space<vmem>>
        %dma_start3A_1162 = arith.constant 0 : i32
        %dma_start3A_1163 = tpu.memref_slice %arg5[%add3A_1155, %dma_start3A_1162] : memref<512x50xi32, #tpu.memory_space<vmem>> -> memref<1x50xi32, #tpu.memory_space<vmem>>
        %dma_start3A_1164 = tpu.memref_squeeze %dma_start3A_1163 : memref<1x50xi32, #tpu.memory_space<vmem>> -> memref<50xi32, #tpu.memory_space<vmem>>
        %dma_start3A_1165 = arith.constant 0 : i32
        %dma_start3A_1166 = arith.constant 0 : i32
        %dma_start3A_1167 = tpu.memref_slice %arg3[%dma_start3A_1165, %dma_start3A_1166] : memref<1000000x32xf32, #tpu.memory_space<hbm>> -> memref<1000000x32xf32, #tpu.memory_space<hbm>>
        tpu.enqueue_indirect_dma source(%dma_start3A_1167 : memref<1000000x32xf32, #tpu.memory_space<hbm>>) target(%dma_start3A_1161 : memref<50x32xf32, #tpu.memory_space<vmem>>) offsets(%dma_start3A_1164 : memref<50xi32, #tpu.memory_space<vmem>>) semaphore(%arg10 : memref<!tpu.dma_semaphore, #tpu.memory_space<semaphore_mem>>)
        %mul3A_1168 = arith.constant 4 : i32
        %mul3A_1169 = arith.muli %add3A_944, %mul3A_1168 : i32
        %add3A_1170 = arith.constant 3 : i32
        %add3A_1171 = arith.addi %mul3A_1169, %add3A_1170 : i32
        %dma_start3A_1172 = arith.constant 3 : i32
        %dma_start3A_1173 = arith.constant 3 : i32
        %dma_start3A_1174 = arith.constant 0 : i32
        %dma_start3A_1175 = arith.constant 0 : i32
        %dma_start3A_1176 = tpu.memref_slice %arg6[%dma_start3A_1172, %dma_start3A_1173, %dma_start3A_1174, %dma_start3A_1175] : memref<8x4x50x32xf32, #tpu.memory_space<vmem>> -> memref<1x1x50x32xf32, #tpu.memory_space<vmem>>
        %dma_start3A_1177 = tpu.memref_squeeze %dma_start3A_1176 : memref<1x1x50x32xf32, #tpu.memory_space<vmem>> -> memref<50x32xf32, #tpu.memory_space<vmem>>
        %dma_start3A_1178 = arith.constant 0 : i32
        %dma_start3A_1179 = tpu.memref_slice %arg5[%add3A_1171, %dma_start3A_1178] : memref<512x50xi32, #tpu.memory_space<vmem>> -> memref<1x50xi32, #tpu.memory_space<vmem>>
        %dma_start3A_1180 = tpu.memref_squeeze %dma_start3A_1179 : memref<1x50xi32, #tpu.memory_space<vmem>> -> memref<50xi32, #tpu.memory_space<vmem>>
        %dma_start3A_1181 = arith.constant 0 : i32
        %dma_start3A_1182 = arith.constant 0 : i32
        %dma_start3A_1183 = tpu.memref_slice %arg3[%dma_start3A_1181, %dma_start3A_1182] : memref<1000000x32xf32, #tpu.memory_space<hbm>> -> memref<1000000x32xf32, #tpu.memory_space<hbm>>
        tpu.enqueue_indirect_dma source(%dma_start3A_1183 : memref<1000000x32xf32, #tpu.memory_space<hbm>>) target(%dma_start3A_1177 : memref<50x32xf32, #tpu.memory_space<vmem>>) offsets(%dma_start3A_1180 : memref<50xi32, #tpu.memory_space<vmem>>) semaphore(%arg10 : memref<!tpu.dma_semaphore, #tpu.memory_space<semaphore_mem>>)
      } else {
      }
      %mul3A_950 = arith.constant 8 : i32
      %mul3A_951 = arith.muli %scan3A_454, %mul3A_950 : i32
      %add3A_952 = arith.constant 6 : i32
      %add3A_953 = arith.addi %mul3A_951, %add3A_952 : i32
      %dma_wait3A_954 = arith.constant 0 : i32
      %dma_wait3A_955 = arith.constant 6 : i32
      %dma_wait3A_956 = arith.constant 0 : i32
      %dma_wait3A_957 = arith.constant 0 : i32
      %dma_wait3A_958 = arith.constant 0 : i32
      %dma_wait3A_959 = tpu.memref_slice %arg6[%dma_wait3A_955, %dma_wait3A_956, %dma_wait3A_957, %dma_wait3A_958] : memref<8x4x50x32xf32, #tpu.memory_space<vmem>> -> memref<1x1x50x32xf32, #tpu.memory_space<vmem>>
      %dma_wait3A_960 = tpu.memref_squeeze %dma_wait3A_959 : memref<1x1x50x32xf32, #tpu.memory_space<vmem>> -> memref<50x32xf32, #tpu.memory_space<vmem>>
      %dma_wait3A_961 = arith.constant 0 : i32
      %dma_wait3A_962 = tpu.memref_slice %arg5[%dma_wait3A_954, %dma_wait3A_961] : memref<512x50xi32, #tpu.memory_space<vmem>> -> memref<1x50xi32, #tpu.memory_space<vmem>>
      %dma_wait3A_963 = tpu.memref_squeeze %dma_wait3A_962 : memref<1x50xi32, #tpu.memory_space<vmem>> -> memref<50xi32, #tpu.memory_space<vmem>>
      %dma_wait3A_964 = arith.constant 0 : i32
      %dma_wait3A_965 = arith.constant 0 : i32
      %dma_wait3A_966 = tpu.memref_slice %arg3[%dma_wait3A_964, %dma_wait3A_965] : memref<1000000x32xf32, #tpu.memory_space<hbm>> -> memref<1000000x32xf32, #tpu.memory_space<hbm>>
      tpu.wait_indirect_dma semaphore(%arg13 : memref<!tpu.dma_semaphore, #tpu.memory_space<semaphore_mem>>) src(%dma_wait3A_966 : memref<1000000x32xf32, #tpu.memory_space<hbm>>) dst(%dma_wait3A_960 : memref<50x32xf32, #tpu.memory_space<vmem>>)
      %dma_wait3A_967 = arith.constant 1 : i32
      %dma_wait3A_968 = arith.constant 6 : i32
      %dma_wait3A_969 = arith.constant 1 : i32
      %dma_wait3A_970 = arith.constant 0 : i32
      %dma_wait3A_971 = arith.constant 0 : i32
      %dma_wait3A_972 = tpu.memref_slice %arg6[%dma_wait3A_968, %dma_wait3A_969, %dma_wait3A_970, %dma_wait3A_971] : memref<8x4x50x32xf32, #tpu.memory_space<vmem>> -> memref<1x1x50x32xf32, #tpu.memory_space<vmem>>
      %dma_wait3A_973 = tpu.memref_squeeze %dma_wait3A_972 : memref<1x1x50x32xf32, #tpu.memory_space<vmem>> -> memref<50x32xf32, #tpu.memory_space<vmem>>
      %dma_wait3A_974 = arith.constant 0 : i32
      %dma_wait3A_975 = tpu.memref_slice %arg5[%dma_wait3A_967, %dma_wait3A_974] : memref<512x50xi32, #tpu.memory_space<vmem>> -> memref<1x50xi32, #tpu.memory_space<vmem>>
      %dma_wait3A_976 = tpu.memref_squeeze %dma_wait3A_975 : memref<1x50xi32, #tpu.memory_space<vmem>> -> memref<50xi32, #tpu.memory_space<vmem>>
      %dma_wait3A_977 = arith.constant 0 : i32
      %dma_wait3A_978 = arith.constant 0 : i32
      %dma_wait3A_979 = tpu.memref_slice %arg3[%dma_wait3A_977, %dma_wait3A_978] : memref<1000000x32xf32, #tpu.memory_space<hbm>> -> memref<1000000x32xf32, #tpu.memory_space<hbm>>
      tpu.wait_indirect_dma semaphore(%arg13 : memref<!tpu.dma_semaphore, #tpu.memory_space<semaphore_mem>>) src(%dma_wait3A_979 : memref<1000000x32xf32, #tpu.memory_space<hbm>>) dst(%dma_wait3A_973 : memref<50x32xf32, #tpu.memory_space<vmem>>)
      %dma_wait3A_980 = arith.constant 2 : i32
      %dma_wait3A_981 = arith.constant 6 : i32
      %dma_wait3A_982 = arith.constant 2 : i32
      %dma_wait3A_983 = arith.constant 0 : i32
      %dma_wait3A_984 = arith.constant 0 : i32
      %dma_wait3A_985 = tpu.memref_slice %arg6[%dma_wait3A_981, %dma_wait3A_982, %dma_wait3A_983, %dma_wait3A_984] : memref<8x4x50x32xf32, #tpu.memory_space<vmem>> -> memref<1x1x50x32xf32, #tpu.memory_space<vmem>>
      %dma_wait3A_986 = tpu.memref_squeeze %dma_wait3A_985 : memref<1x1x50x32xf32, #tpu.memory_space<vmem>> -> memref<50x32xf32, #tpu.memory_space<vmem>>
      %dma_wait3A_987 = arith.constant 0 : i32
      %dma_wait3A_988 = tpu.memref_slice %arg5[%dma_wait3A_980, %dma_wait3A_987] : memref<512x50xi32, #tpu.memory_space<vmem>> -> memref<1x50xi32, #tpu.memory_space<vmem>>
      %dma_wait3A_989 = tpu.memref_squeeze %dma_wait3A_988 : memref<1x50xi32, #tpu.memory_space<vmem>> -> memref<50xi32, #tpu.memory_space<vmem>>
      %dma_wait3A_990 = arith.constant 0 : i32
      %dma_wait3A_991 = arith.constant 0 : i32
      %dma_wait3A_992 = tpu.memref_slice %arg3[%dma_wait3A_990, %dma_wait3A_991] : memref<1000000x32xf32, #tpu.memory_space<hbm>> -> memref<1000000x32xf32, #tpu.memory_space<hbm>>
      tpu.wait_indirect_dma semaphore(%arg13 : memref<!tpu.dma_semaphore, #tpu.memory_space<semaphore_mem>>) src(%dma_wait3A_992 : memref<1000000x32xf32, #tpu.memory_space<hbm>>) dst(%dma_wait3A_986 : memref<50x32xf32, #tpu.memory_space<vmem>>)
      %dma_wait3A_993 = arith.constant 3 : i32
      %dma_wait3A_994 = arith.constant 6 : i32
      %dma_wait3A_995 = arith.constant 3 : i32
      %dma_wait3A_996 = arith.constant 0 : i32
      %dma_wait3A_997 = arith.constant 0 : i32
      %dma_wait3A_998 = tpu.memref_slice %arg6[%dma_wait3A_994, %dma_wait3A_995, %dma_wait3A_996, %dma_wait3A_997] : memref<8x4x50x32xf32, #tpu.memory_space<vmem>> -> memref<1x1x50x32xf32, #tpu.memory_space<vmem>>
      %dma_wait3A_999 = tpu.memref_squeeze %dma_wait3A_998 : memref<1x1x50x32xf32, #tpu.memory_space<vmem>> -> memref<50x32xf32, #tpu.memory_space<vmem>>
      %dma_wait3A_1000 = arith.constant 0 : i32
      %dma_wait3A_1001 = tpu.memref_slice %arg5[%dma_wait3A_993, %dma_wait3A_1000] : memref<512x50xi32, #tpu.memory_space<vmem>> -> memref<1x50xi32, #tpu.memory_space<vmem>>
      %dma_wait3A_1002 = tpu.memref_squeeze %dma_wait3A_1001 : memref<1x50xi32, #tpu.memory_space<vmem>> -> memref<50xi32, #tpu.memory_space<vmem>>
      %dma_wait3A_1003 = arith.constant 0 : i32
      %dma_wait3A_1004 = arith.constant 0 : i32
      %dma_wait3A_1005 = tpu.memref_slice %arg3[%dma_wait3A_1003, %dma_wait3A_1004] : memref<1000000x32xf32, #tpu.memory_space<hbm>> -> memref<1000000x32xf32, #tpu.memory_space<hbm>>
      tpu.wait_indirect_dma semaphore(%arg13 : memref<!tpu.dma_semaphore, #tpu.memory_space<semaphore_mem>>) src(%dma_wait3A_1005 : memref<1000000x32xf32, #tpu.memory_space<hbm>>) dst(%dma_wait3A_999 : memref<50x32xf32, #tpu.memory_space<vmem>>)
      %mul3A_1006 = arith.constant 4 : i32
      %mul3A_1007 = arith.muli %add3A_953, %mul3A_1006 : i32
      %add3A_1008 = arith.addi %mul3A_2, %mul3A_1007 : i32
      %dma_start3A_1009 = arith.constant 6 : i32
      %dma_start3A_1010 = arith.constant 0 : i32
      %dma_start3A_1011 = arith.constant 0 : i32
      %dma_start3A_1012 = arith.constant 0 : i32
      %dma_start3A_1013 = tpu.memref_slice %arg6[%dma_start3A_1009, %dma_start3A_1010, %dma_start3A_1011, %dma_start3A_1012] : memref<8x4x50x32xf32, #tpu.memory_space<vmem>> -> memref<1x4x50x32xf32, #tpu.memory_space<vmem>>
      %dma_start3A_1014 = tpu.memref_squeeze %dma_start3A_1013 : memref<1x4x50x32xf32, #tpu.memory_space<vmem>> -> memref<4x50x32xf32, #tpu.memory_space<vmem>>
      %dma_start3A_1015 = arith.constant 0 : i32
      %dma_start3A_1016 = arith.constant 0 : i32
      %dma_start3A_1017 = tpu.memref_slice %arg4[%add3A_1008, %dma_start3A_1015, %dma_start3A_1016] : memref<16384x56x128xf32, #tpu.memory_space<hbm>> -> memref<4x50x32xf32, #tpu.memory_space<hbm>>
      %dma_start3A_1018 = arith.constant 0 : i32
      %dma_start3A_1019 = arith.constant 0 : i32
      %dma_start3A_1020 = tpu.memref_slice %arg4[%add3A_1008, %dma_start3A_1018, %dma_start3A_1019] : memref<16384x56x128xf32, #tpu.memory_space<hbm>> -> memref<4x50x32xf32, #tpu.memory_space<hbm>>
      %dma_start3A_1021 = arith.constant 0 : i32
      %dma_start3A_1022 = arith.constant 0 : i32
      %dma_start3A_1023 = arith.constant 0 : i32
      %dma_start3A_1024 = tpu.memref_slice %arg6[%dma_start3A_1009, %dma_start3A_1021, %dma_start3A_1022, %dma_start3A_1023] : memref<8x4x50x32xf32, #tpu.memory_space<vmem>> -> memref<1x4x50x32xf32, #tpu.memory_space<vmem>>
      %dma_start3A_1025 = tpu.memref_squeeze %dma_start3A_1024 : memref<1x4x50x32xf32, #tpu.memory_space<vmem>> -> memref<4x50x32xf32, #tpu.memory_space<vmem>>
      tpu.enqueue_dma source(%dma_start3A_1025 : memref<4x50x32xf32, #tpu.memory_space<vmem>>) target(%dma_start3A_1020 : memref<4x50x32xf32, #tpu.memory_space<hbm>>) target_semaphore(%arg21 : memref<!tpu.dma_semaphore, #tpu.memory_space<semaphore_mem>>)
      %add3A_1026 = arith.constant 6 : i32
      %add3A_1027 = arith.addi %add3A_953, %add3A_1026 : i32
      %lt3A_1028 = arith.constant 128 : i32
      %lt3A_1029 = arith.cmpi slt, %add3A_1027, %lt3A_1028 : i32
      %convert_element_type3A_1030 = arith.extui %lt3A_1029 : i1 to i32
      %cond3A_1031 = arith.constant 0 : i32
      %cond3A_1032 = arith.cmpi ne, %convert_element_type3A_1030, %cond3A_1031 : i32
      scf.if %cond3A_1032 {
        %ge3A = arith.constant 8 : i32
        %ge3A_1116 = arith.cmpi sge, %add3A_1027, %ge3A : i32
        %convert_element_type3A_1117 = arith.extui %ge3A_1116 : i1 to i32
        %cond3A_1118 = arith.constant 0 : i32
        %cond3A_1119 = arith.cmpi ne, %convert_element_type3A_1117, %cond3A_1118 : i32
        scf.if %cond3A_1119 {
          %dma_wait3A_1184 = arith.constant 4 : i32
          %dma_wait3A_1185 = arith.constant 0 : i32
          %dma_wait3A_1186 = arith.constant 0 : i32
          %dma_wait3A_1187 = arith.constant 0 : i32
          %dma_wait3A_1188 = tpu.memref_slice %arg6[%dma_wait3A_1184, %dma_wait3A_1185, %dma_wait3A_1186, %dma_wait3A_1187] : memref<8x4x50x32xf32, #tpu.memory_space<vmem>> -> memref<1x4x50x32xf32, #tpu.memory_space<vmem>>
          %dma_wait3A_1189 = tpu.memref_squeeze %dma_wait3A_1188 : memref<1x4x50x32xf32, #tpu.memory_space<vmem>> -> memref<4x50x32xf32, #tpu.memory_space<vmem>>
          %dma_wait3A_1190 = arith.constant 0 : i32
          %dma_wait3A_1191 = arith.constant 0 : i32
          %dma_wait3A_1192 = tpu.memref_slice %arg4[%mul3A_2, %dma_wait3A_1190, %dma_wait3A_1191] : memref<16384x56x128xf32, #tpu.memory_space<hbm>> -> memref<4x50x32xf32, #tpu.memory_space<hbm>>
          %dma_wait3A_1193 = arith.constant 0 : i32
          %dma_wait3A_1194 = arith.constant 0 : i32
          %dma_wait3A_1195 = tpu.memref_slice %arg4[%mul3A_2, %dma_wait3A_1193, %dma_wait3A_1194] : memref<16384x56x128xf32, #tpu.memory_space<hbm>> -> memref<4x50x32xf32, #tpu.memory_space<hbm>>
          %dma_wait3A_1196 = arith.constant 0 : i32
          %dma_wait3A_1197 = arith.constant 0 : i32
          %dma_wait3A_1198 = arith.constant 0 : i32
          %dma_wait3A_1199 = tpu.memref_slice %arg6[%dma_wait3A_1184, %dma_wait3A_1196, %dma_wait3A_1197, %dma_wait3A_1198] : memref<8x4x50x32xf32, #tpu.memory_space<vmem>> -> memref<1x4x50x32xf32, #tpu.memory_space<vmem>>
          %dma_wait3A_1200 = tpu.memref_squeeze %dma_wait3A_1199 : memref<1x4x50x32xf32, #tpu.memory_space<vmem>> -> memref<4x50x32xf32, #tpu.memory_space<vmem>>
          tpu.wait_dma2 semaphore(%arg19 : memref<!tpu.dma_semaphore, #tpu.memory_space<semaphore_mem>>) src(%dma_wait3A_1200 : memref<4x50x32xf32, #tpu.memory_space<vmem>>) dst(%dma_wait3A_1195 : memref<4x50x32xf32, #tpu.memory_space<hbm>>)
        } else {
        }
        %mul3A_1120 = arith.constant 4 : i32
        %mul3A_1121 = arith.muli %add3A_1027, %mul3A_1120 : i32
        %add3A_1122 = arith.constant 0 : i32
        %add3A_1123 = arith.addi %mul3A_1121, %add3A_1122 : i32
        %dma_start3A_1124 = arith.constant 4 : i32
        %dma_start3A_1125 = arith.constant 0 : i32
        %dma_start3A_1126 = arith.constant 0 : i32
        %dma_start3A_1127 = arith.constant 0 : i32
        %dma_start3A_1128 = tpu.memref_slice %arg6[%dma_start3A_1124, %dma_start3A_1125, %dma_start3A_1126, %dma_start3A_1127] : memref<8x4x50x32xf32, #tpu.memory_space<vmem>> -> memref<1x1x50x32xf32, #tpu.memory_space<vmem>>
        %dma_start3A_1129 = tpu.memref_squeeze %dma_start3A_1128 : memref<1x1x50x32xf32, #tpu.memory_space<vmem>> -> memref<50x32xf32, #tpu.memory_space<vmem>>
        %dma_start3A_1130 = arith.constant 0 : i32
        %dma_start3A_1131 = tpu.memref_slice %arg5[%add3A_1123, %dma_start3A_1130] : memref<512x50xi32, #tpu.memory_space<vmem>> -> memref<1x50xi32, #tpu.memory_space<vmem>>
        %dma_start3A_1132 = tpu.memref_squeeze %dma_start3A_1131 : memref<1x50xi32, #tpu.memory_space<vmem>> -> memref<50xi32, #tpu.memory_space<vmem>>
        %dma_start3A_1133 = arith.constant 0 : i32
        %dma_start3A_1134 = arith.constant 0 : i32
        %dma_start3A_1135 = tpu.memref_slice %arg3[%dma_start3A_1133, %dma_start3A_1134] : memref<1000000x32xf32, #tpu.memory_space<hbm>> -> memref<1000000x32xf32, #tpu.memory_space<hbm>>
        tpu.enqueue_indirect_dma source(%dma_start3A_1135 : memref<1000000x32xf32, #tpu.memory_space<hbm>>) target(%dma_start3A_1129 : memref<50x32xf32, #tpu.memory_space<vmem>>) offsets(%dma_start3A_1132 : memref<50xi32, #tpu.memory_space<vmem>>) semaphore(%arg11 : memref<!tpu.dma_semaphore, #tpu.memory_space<semaphore_mem>>)
        %mul3A_1136 = arith.constant 4 : i32
        %mul3A_1137 = arith.muli %add3A_1027, %mul3A_1136 : i32
        %add3A_1138 = arith.constant 1 : i32
        %add3A_1139 = arith.addi %mul3A_1137, %add3A_1138 : i32
        %dma_start3A_1140 = arith.constant 4 : i32
        %dma_start3A_1141 = arith.constant 1 : i32
        %dma_start3A_1142 = arith.constant 0 : i32
        %dma_start3A_1143 = arith.constant 0 : i32
        %dma_start3A_1144 = tpu.memref_slice %arg6[%dma_start3A_1140, %dma_start3A_1141, %dma_start3A_1142, %dma_start3A_1143] : memref<8x4x50x32xf32, #tpu.memory_space<vmem>> -> memref<1x1x50x32xf32, #tpu.memory_space<vmem>>
        %dma_start3A_1145 = tpu.memref_squeeze %dma_start3A_1144 : memref<1x1x50x32xf32, #tpu.memory_space<vmem>> -> memref<50x32xf32, #tpu.memory_space<vmem>>
        %dma_start3A_1146 = arith.constant 0 : i32
        %dma_start3A_1147 = tpu.memref_slice %arg5[%add3A_1139, %dma_start3A_1146] : memref<512x50xi32, #tpu.memory_space<vmem>> -> memref<1x50xi32, #tpu.memory_space<vmem>>
        %dma_start3A_1148 = tpu.memref_squeeze %dma_start3A_1147 : memref<1x50xi32, #tpu.memory_space<vmem>> -> memref<50xi32, #tpu.memory_space<vmem>>
        %dma_start3A_1149 = arith.constant 0 : i32
        %dma_start3A_1150 = arith.constant 0 : i32
        %dma_start3A_1151 = tpu.memref_slice %arg3[%dma_start3A_1149, %dma_start3A_1150] : memref<1000000x32xf32, #tpu.memory_space<hbm>> -> memref<1000000x32xf32, #tpu.memory_space<hbm>>
        tpu.enqueue_indirect_dma source(%dma_start3A_1151 : memref<1000000x32xf32, #tpu.memory_space<hbm>>) target(%dma_start3A_1145 : memref<50x32xf32, #tpu.memory_space<vmem>>) offsets(%dma_start3A_1148 : memref<50xi32, #tpu.memory_space<vmem>>) semaphore(%arg11 : memref<!tpu.dma_semaphore, #tpu.memory_space<semaphore_mem>>)
        %mul3A_1152 = arith.constant 4 : i32
        %mul3A_1153 = arith.muli %add3A_1027, %mul3A_1152 : i32
        %add3A_1154 = arith.constant 2 : i32
        %add3A_1155 = arith.addi %mul3A_1153, %add3A_1154 : i32
        %dma_start3A_1156 = arith.constant 4 : i32
        %dma_start3A_1157 = arith.constant 2 : i32
        %dma_start3A_1158 = arith.constant 0 : i32
        %dma_start3A_1159 = arith.constant 0 : i32
        %dma_start3A_1160 = tpu.memref_slice %arg6[%dma_start3A_1156, %dma_start3A_1157, %dma_start3A_1158, %dma_start3A_1159] : memref<8x4x50x32xf32, #tpu.memory_space<vmem>> -> memref<1x1x50x32xf32, #tpu.memory_space<vmem>>
        %dma_start3A_1161 = tpu.memref_squeeze %dma_start3A_1160 : memref<1x1x50x32xf32, #tpu.memory_space<vmem>> -> memref<50x32xf32, #tpu.memory_space<vmem>>
        %dma_start3A_1162 = arith.constant 0 : i32
        %dma_start3A_1163 = tpu.memref_slice %arg5[%add3A_1155, %dma_start3A_1162] : memref<512x50xi32, #tpu.memory_space<vmem>> -> memref<1x50xi32, #tpu.memory_space<vmem>>
        %dma_start3A_1164 = tpu.memref_squeeze %dma_start3A_1163 : memref<1x50xi32, #tpu.memory_space<vmem>> -> memref<50xi32, #tpu.memory_space<vmem>>
        %dma_start3A_1165 = arith.constant 0 : i32
        %dma_start3A_1166 = arith.constant 0 : i32
        %dma_start3A_1167 = tpu.memref_slice %arg3[%dma_start3A_1165, %dma_start3A_1166] : memref<1000000x32xf32, #tpu.memory_space<hbm>> -> memref<1000000x32xf32, #tpu.memory_space<hbm>>
        tpu.enqueue_indirect_dma source(%dma_start3A_1167 : memref<1000000x32xf32, #tpu.memory_space<hbm>>) target(%dma_start3A_1161 : memref<50x32xf32, #tpu.memory_space<vmem>>) offsets(%dma_start3A_1164 : memref<50xi32, #tpu.memory_space<vmem>>) semaphore(%arg11 : memref<!tpu.dma_semaphore, #tpu.memory_space<semaphore_mem>>)
        %mul3A_1168 = arith.constant 4 : i32
        %mul3A_1169 = arith.muli %add3A_1027, %mul3A_1168 : i32
        %add3A_1170 = arith.constant 3 : i32
        %add3A_1171 = arith.addi %mul3A_1169, %add3A_1170 : i32
        %dma_start3A_1172 = arith.constant 4 : i32
        %dma_start3A_1173 = arith.constant 3 : i32
        %dma_start3A_1174 = arith.constant 0 : i32
        %dma_start3A_1175 = arith.constant 0 : i32
        %dma_start3A_1176 = tpu.memref_slice %arg6[%dma_start3A_1172, %dma_start3A_1173, %dma_start3A_1174, %dma_start3A_1175] : memref<8x4x50x32xf32, #tpu.memory_space<vmem>> -> memref<1x1x50x32xf32, #tpu.memory_space<vmem>>
        %dma_start3A_1177 = tpu.memref_squeeze %dma_start3A_1176 : memref<1x1x50x32xf32, #tpu.memory_space<vmem>> -> memref<50x32xf32, #tpu.memory_space<vmem>>
        %dma_start3A_1178 = arith.constant 0 : i32
        %dma_start3A_1179 = tpu.memref_slice %arg5[%add3A_1171, %dma_start3A_1178] : memref<512x50xi32, #tpu.memory_space<vmem>> -> memref<1x50xi32, #tpu.memory_space<vmem>>
        %dma_start3A_1180 = tpu.memref_squeeze %dma_start3A_1179 : memref<1x50xi32, #tpu.memory_space<vmem>> -> memref<50xi32, #tpu.memory_space<vmem>>
        %dma_start3A_1181 = arith.constant 0 : i32
        %dma_start3A_1182 = arith.constant 0 : i32
        %dma_start3A_1183 = tpu.memref_slice %arg3[%dma_start3A_1181, %dma_start3A_1182] : memref<1000000x32xf32, #tpu.memory_space<hbm>> -> memref<1000000x32xf32, #tpu.memory_space<hbm>>
        tpu.enqueue_indirect_dma source(%dma_start3A_1183 : memref<1000000x32xf32, #tpu.memory_space<hbm>>) target(%dma_start3A_1177 : memref<50x32xf32, #tpu.memory_space<vmem>>) offsets(%dma_start3A_1180 : memref<50xi32, #tpu.memory_space<vmem>>) semaphore(%arg11 : memref<!tpu.dma_semaphore, #tpu.memory_space<semaphore_mem>>)
      } else {
      }
      %mul3A_1033 = arith.constant 8 : i32
      %mul3A_1034 = arith.muli %scan3A_454, %mul3A_1033 : i32
      %add3A_1035 = arith.constant 7 : i32
      %add3A_1036 = arith.addi %mul3A_1034, %add3A_1035 : i32
      %dma_wait3A_1037 = arith.constant 0 : i32
      %dma_wait3A_1038 = arith.constant 7 : i32
      %dma_wait3A_1039 = arith.constant 0 : i32
      %dma_wait3A_1040 = arith.constant 0 : i32
      %dma_wait3A_1041 = arith.constant 0 : i32
      %dma_wait3A_1042 = tpu.memref_slice %arg6[%dma_wait3A_1038, %dma_wait3A_1039, %dma_wait3A_1040, %dma_wait3A_1041] : memref<8x4x50x32xf32, #tpu.memory_space<vmem>> -> memref<1x1x50x32xf32, #tpu.memory_space<vmem>>
      %dma_wait3A_1043 = tpu.memref_squeeze %dma_wait3A_1042 : memref<1x1x50x32xf32, #tpu.memory_space<vmem>> -> memref<50x32xf32, #tpu.memory_space<vmem>>
      %dma_wait3A_1044 = arith.constant 0 : i32
      %dma_wait3A_1045 = tpu.memref_slice %arg5[%dma_wait3A_1037, %dma_wait3A_1044] : memref<512x50xi32, #tpu.memory_space<vmem>> -> memref<1x50xi32, #tpu.memory_space<vmem>>
      %dma_wait3A_1046 = tpu.memref_squeeze %dma_wait3A_1045 : memref<1x50xi32, #tpu.memory_space<vmem>> -> memref<50xi32, #tpu.memory_space<vmem>>
      %dma_wait3A_1047 = arith.constant 0 : i32
      %dma_wait3A_1048 = arith.constant 0 : i32
      %dma_wait3A_1049 = tpu.memref_slice %arg3[%dma_wait3A_1047, %dma_wait3A_1048] : memref<1000000x32xf32, #tpu.memory_space<hbm>> -> memref<1000000x32xf32, #tpu.memory_space<hbm>>
      tpu.wait_indirect_dma semaphore(%arg14 : memref<!tpu.dma_semaphore, #tpu.memory_space<semaphore_mem>>) src(%dma_wait3A_1049 : memref<1000000x32xf32, #tpu.memory_space<hbm>>) dst(%dma_wait3A_1043 : memref<50x32xf32, #tpu.memory_space<vmem>>)
      %dma_wait3A_1050 = arith.constant 1 : i32
      %dma_wait3A_1051 = arith.constant 7 : i32
      %dma_wait3A_1052 = arith.constant 1 : i32
      %dma_wait3A_1053 = arith.constant 0 : i32
      %dma_wait3A_1054 = arith.constant 0 : i32
      %dma_wait3A_1055 = tpu.memref_slice %arg6[%dma_wait3A_1051, %dma_wait3A_1052, %dma_wait3A_1053, %dma_wait3A_1054] : memref<8x4x50x32xf32, #tpu.memory_space<vmem>> -> memref<1x1x50x32xf32, #tpu.memory_space<vmem>>
      %dma_wait3A_1056 = tpu.memref_squeeze %dma_wait3A_1055 : memref<1x1x50x32xf32, #tpu.memory_space<vmem>> -> memref<50x32xf32, #tpu.memory_space<vmem>>
      %dma_wait3A_1057 = arith.constant 0 : i32
      %dma_wait3A_1058 = tpu.memref_slice %arg5[%dma_wait3A_1050, %dma_wait3A_1057] : memref<512x50xi32, #tpu.memory_space<vmem>> -> memref<1x50xi32, #tpu.memory_space<vmem>>
      %dma_wait3A_1059 = tpu.memref_squeeze %dma_wait3A_1058 : memref<1x50xi32, #tpu.memory_space<vmem>> -> memref<50xi32, #tpu.memory_space<vmem>>
      %dma_wait3A_1060 = arith.constant 0 : i32
      %dma_wait3A_1061 = arith.constant 0 : i32
      %dma_wait3A_1062 = tpu.memref_slice %arg3[%dma_wait3A_1060, %dma_wait3A_1061] : memref<1000000x32xf32, #tpu.memory_space<hbm>> -> memref<1000000x32xf32, #tpu.memory_space<hbm>>
      tpu.wait_indirect_dma semaphore(%arg14 : memref<!tpu.dma_semaphore, #tpu.memory_space<semaphore_mem>>) src(%dma_wait3A_1062 : memref<1000000x32xf32, #tpu.memory_space<hbm>>) dst(%dma_wait3A_1056 : memref<50x32xf32, #tpu.memory_space<vmem>>)
      %dma_wait3A_1063 = arith.constant 2 : i32
      %dma_wait3A_1064 = arith.constant 7 : i32
      %dma_wait3A_1065 = arith.constant 2 : i32
      %dma_wait3A_1066 = arith.constant 0 : i32
      %dma_wait3A_1067 = arith.constant 0 : i32
      %dma_wait3A_1068 = tpu.memref_slice %arg6[%dma_wait3A_1064, %dma_wait3A_1065, %dma_wait3A_1066, %dma_wait3A_1067] : memref<8x4x50x32xf32, #tpu.memory_space<vmem>> -> memref<1x1x50x32xf32, #tpu.memory_space<vmem>>
      %dma_wait3A_1069 = tpu.memref_squeeze %dma_wait3A_1068 : memref<1x1x50x32xf32, #tpu.memory_space<vmem>> -> memref<50x32xf32, #tpu.memory_space<vmem>>
      %dma_wait3A_1070 = arith.constant 0 : i32
      %dma_wait3A_1071 = tpu.memref_slice %arg5[%dma_wait3A_1063, %dma_wait3A_1070] : memref<512x50xi32, #tpu.memory_space<vmem>> -> memref<1x50xi32, #tpu.memory_space<vmem>>
      %dma_wait3A_1072 = tpu.memref_squeeze %dma_wait3A_1071 : memref<1x50xi32, #tpu.memory_space<vmem>> -> memref<50xi32, #tpu.memory_space<vmem>>
      %dma_wait3A_1073 = arith.constant 0 : i32
      %dma_wait3A_1074 = arith.constant 0 : i32
      %dma_wait3A_1075 = tpu.memref_slice %arg3[%dma_wait3A_1073, %dma_wait3A_1074] : memref<1000000x32xf32, #tpu.memory_space<hbm>> -> memref<1000000x32xf32, #tpu.memory_space<hbm>>
      tpu.wait_indirect_dma semaphore(%arg14 : memref<!tpu.dma_semaphore, #tpu.memory_space<semaphore_mem>>) src(%dma_wait3A_1075 : memref<1000000x32xf32, #tpu.memory_space<hbm>>) dst(%dma_wait3A_1069 : memref<50x32xf32, #tpu.memory_space<vmem>>)
      %dma_wait3A_1076 = arith.constant 3 : i32
      %dma_wait3A_1077 = arith.constant 7 : i32
      %dma_wait3A_1078 = arith.constant 3 : i32
      %dma_wait3A_1079 = arith.constant 0 : i32
      %dma_wait3A_1080 = arith.constant 0 : i32
      %dma_wait3A_1081 = tpu.memref_slice %arg6[%dma_wait3A_1077, %dma_wait3A_1078, %dma_wait3A_1079, %dma_wait3A_1080] : memref<8x4x50x32xf32, #tpu.memory_space<vmem>> -> memref<1x1x50x32xf32, #tpu.memory_space<vmem>>
      %dma_wait3A_1082 = tpu.memref_squeeze %dma_wait3A_1081 : memref<1x1x50x32xf32, #tpu.memory_space<vmem>> -> memref<50x32xf32, #tpu.memory_space<vmem>>
      %dma_wait3A_1083 = arith.constant 0 : i32
      %dma_wait3A_1084 = tpu.memref_slice %arg5[%dma_wait3A_1076, %dma_wait3A_1083] : memref<512x50xi32, #tpu.memory_space<vmem>> -> memref<1x50xi32, #tpu.memory_space<vmem>>
      %dma_wait3A_1085 = tpu.memref_squeeze %dma_wait3A_1084 : memref<1x50xi32, #tpu.memory_space<vmem>> -> memref<50xi32, #tpu.memory_space<vmem>>
      %dma_wait3A_1086 = arith.constant 0 : i32
      %dma_wait3A_1087 = arith.constant 0 : i32
      %dma_wait3A_1088 = tpu.memref_slice %arg3[%dma_wait3A_1086, %dma_wait3A_1087] : memref<1000000x32xf32, #tpu.memory_space<hbm>> -> memref<1000000x32xf32, #tpu.memory_space<hbm>>
      tpu.wait_indirect_dma semaphore(%arg14 : memref<!tpu.dma_semaphore, #tpu.memory_space<semaphore_mem>>) src(%dma_wait3A_1088 : memref<1000000x32xf32, #tpu.memory_space<hbm>>) dst(%dma_wait3A_1082 : memref<50x32xf32, #tpu.memory_space<vmem>>)
      %mul3A_1089 = arith.constant 4 : i32
      %mul3A_1090 = arith.muli %add3A_1036, %mul3A_1089 : i32
      %add3A_1091 = arith.addi %mul3A_2, %mul3A_1090 : i32
      %dma_start3A_1092 = arith.constant 7 : i32
      %dma_start3A_1093 = arith.constant 0 : i32
      %dma_start3A_1094 = arith.constant 0 : i32
      %dma_start3A_1095 = arith.constant 0 : i32
      %dma_start3A_1096 = tpu.memref_slice %arg6[%dma_start3A_1092, %dma_start3A_1093, %dma_start3A_1094, %dma_start3A_1095] : memref<8x4x50x32xf32, #tpu.memory_space<vmem>> -> memref<1x4x50x32xf32, #tpu.memory_space<vmem>>
      %dma_start3A_1097 = tpu.memref_squeeze %dma_start3A_1096 : memref<1x4x50x32xf32, #tpu.memory_space<vmem>> -> memref<4x50x32xf32, #tpu.memory_space<vmem>>
      %dma_start3A_1098 = arith.constant 0 : i32
      %dma_start3A_1099 = arith.constant 0 : i32
      %dma_start3A_1100 = tpu.memref_slice %arg4[%add3A_1091, %dma_start3A_1098, %dma_start3A_1099] : memref<16384x56x128xf32, #tpu.memory_space<hbm>> -> memref<4x50x32xf32, #tpu.memory_space<hbm>>
      %dma_start3A_1101 = arith.constant 0 : i32
      %dma_start3A_1102 = arith.constant 0 : i32
      %dma_start3A_1103 = tpu.memref_slice %arg4[%add3A_1091, %dma_start3A_1101, %dma_start3A_1102] : memref<16384x56x128xf32, #tpu.memory_space<hbm>> -> memref<4x50x32xf32, #tpu.memory_space<hbm>>
      %dma_start3A_1104 = arith.constant 0 : i32
      %dma_start3A_1105 = arith.constant 0 : i32
      %dma_start3A_1106 = arith.constant 0 : i32
      %dma_start3A_1107 = tpu.memref_slice %arg6[%dma_start3A_1092, %dma_start3A_1104, %dma_start3A_1105, %dma_start3A_1106] : memref<8x4x50x32xf32, #tpu.memory_space<vmem>> -> memref<1x4x50x32xf32, #tpu.memory_space<vmem>>
      %dma_start3A_1108 = tpu.memref_squeeze %dma_start3A_1107 : memref<1x4x50x32xf32, #tpu.memory_space<vmem>> -> memref<4x50x32xf32, #tpu.memory_space<vmem>>
      tpu.enqueue_dma source(%dma_start3A_1108 : memref<4x50x32xf32, #tpu.memory_space<vmem>>) target(%dma_start3A_1103 : memref<4x50x32xf32, #tpu.memory_space<hbm>>) target_semaphore(%arg22 : memref<!tpu.dma_semaphore, #tpu.memory_space<semaphore_mem>>)
      %add3A_1109 = arith.constant 6 : i32
      %add3A_1110 = arith.addi %add3A_1036, %add3A_1109 : i32
      %lt3A_1111 = arith.constant 128 : i32
      %lt3A_1112 = arith.cmpi slt, %add3A_1110, %lt3A_1111 : i32
      %convert_element_type3A_1113 = arith.extui %lt3A_1112 : i1 to i32
      %cond3A_1114 = arith.constant 0 : i32
      %cond3A_1115 = arith.cmpi ne, %convert_element_type3A_1113, %cond3A_1114 : i32
      scf.if %cond3A_1115 {
        %ge3A = arith.constant 8 : i32
        %ge3A_1116 = arith.cmpi sge, %add3A_1110, %ge3A : i32
        %convert_element_type3A_1117 = arith.extui %ge3A_1116 : i1 to i32
        %cond3A_1118 = arith.constant 0 : i32
        %cond3A_1119 = arith.cmpi ne, %convert_element_type3A_1117, %cond3A_1118 : i32
        scf.if %cond3A_1119 {
          %dma_wait3A_1184 = arith.constant 5 : i32
          %dma_wait3A_1185 = arith.constant 0 : i32
          %dma_wait3A_1186 = arith.constant 0 : i32
          %dma_wait3A_1187 = arith.constant 0 : i32
          %dma_wait3A_1188 = tpu.memref_slice %arg6[%dma_wait3A_1184, %dma_wait3A_1185, %dma_wait3A_1186, %dma_wait3A_1187] : memref<8x4x50x32xf32, #tpu.memory_space<vmem>> -> memref<1x4x50x32xf32, #tpu.memory_space<vmem>>
          %dma_wait3A_1189 = tpu.memref_squeeze %dma_wait3A_1188 : memref<1x4x50x32xf32, #tpu.memory_space<vmem>> -> memref<4x50x32xf32, #tpu.memory_space<vmem>>
          %dma_wait3A_1190 = arith.constant 0 : i32
          %dma_wait3A_1191 = arith.constant 0 : i32
          %dma_wait3A_1192 = tpu.memref_slice %arg4[%mul3A_2, %dma_wait3A_1190, %dma_wait3A_1191] : memref<16384x56x128xf32, #tpu.memory_space<hbm>> -> memref<4x50x32xf32, #tpu.memory_space<hbm>>
          %dma_wait3A_1193 = arith.constant 0 : i32
          %dma_wait3A_1194 = arith.constant 0 : i32
          %dma_wait3A_1195 = tpu.memref_slice %arg4[%mul3A_2, %dma_wait3A_1193, %dma_wait3A_1194] : memref<16384x56x128xf32, #tpu.memory_space<hbm>> -> memref<4x50x32xf32, #tpu.memory_space<hbm>>
          %dma_wait3A_1196 = arith.constant 0 : i32
          %dma_wait3A_1197 = arith.constant 0 : i32
          %dma_wait3A_1198 = arith.constant 0 : i32
          %dma_wait3A_1199 = tpu.memref_slice %arg6[%dma_wait3A_1184, %dma_wait3A_1196, %dma_wait3A_1197, %dma_wait3A_1198] : memref<8x4x50x32xf32, #tpu.memory_space<vmem>> -> memref<1x4x50x32xf32, #tpu.memory_space<vmem>>
          %dma_wait3A_1200 = tpu.memref_squeeze %dma_wait3A_1199 : memref<1x4x50x32xf32, #tpu.memory_space<vmem>> -> memref<4x50x32xf32, #tpu.memory_space<vmem>>
          tpu.wait_dma2 semaphore(%arg20 : memref<!tpu.dma_semaphore, #tpu.memory_space<semaphore_mem>>) src(%dma_wait3A_1200 : memref<4x50x32xf32, #tpu.memory_space<vmem>>) dst(%dma_wait3A_1195 : memref<4x50x32xf32, #tpu.memory_space<hbm>>)
        } else {
        }
        %mul3A_1120 = arith.constant 4 : i32
        %mul3A_1121 = arith.muli %add3A_1110, %mul3A_1120 : i32
        %add3A_1122 = arith.constant 0 : i32
        %add3A_1123 = arith.addi %mul3A_1121, %add3A_1122 : i32
        %dma_start3A_1124 = arith.constant 5 : i32
        %dma_start3A_1125 = arith.constant 0 : i32
        %dma_start3A_1126 = arith.constant 0 : i32
        %dma_start3A_1127 = arith.constant 0 : i32
        %dma_start3A_1128 = tpu.memref_slice %arg6[%dma_start3A_1124, %dma_start3A_1125, %dma_start3A_1126, %dma_start3A_1127] : memref<8x4x50x32xf32, #tpu.memory_space<vmem>> -> memref<1x1x50x32xf32, #tpu.memory_space<vmem>>
        %dma_start3A_1129 = tpu.memref_squeeze %dma_start3A_1128 : memref<1x1x50x32xf32, #tpu.memory_space<vmem>> -> memref<50x32xf32, #tpu.memory_space<vmem>>
        %dma_start3A_1130 = arith.constant 0 : i32
        %dma_start3A_1131 = tpu.memref_slice %arg5[%add3A_1123, %dma_start3A_1130] : memref<512x50xi32, #tpu.memory_space<vmem>> -> memref<1x50xi32, #tpu.memory_space<vmem>>
        %dma_start3A_1132 = tpu.memref_squeeze %dma_start3A_1131 : memref<1x50xi32, #tpu.memory_space<vmem>> -> memref<50xi32, #tpu.memory_space<vmem>>
        %dma_start3A_1133 = arith.constant 0 : i32
        %dma_start3A_1134 = arith.constant 0 : i32
        %dma_start3A_1135 = tpu.memref_slice %arg3[%dma_start3A_1133, %dma_start3A_1134] : memref<1000000x32xf32, #tpu.memory_space<hbm>> -> memref<1000000x32xf32, #tpu.memory_space<hbm>>
        tpu.enqueue_indirect_dma source(%dma_start3A_1135 : memref<1000000x32xf32, #tpu.memory_space<hbm>>) target(%dma_start3A_1129 : memref<50x32xf32, #tpu.memory_space<vmem>>) offsets(%dma_start3A_1132 : memref<50xi32, #tpu.memory_space<vmem>>) semaphore(%arg12 : memref<!tpu.dma_semaphore, #tpu.memory_space<semaphore_mem>>)
        %mul3A_1136 = arith.constant 4 : i32
        %mul3A_1137 = arith.muli %add3A_1110, %mul3A_1136 : i32
        %add3A_1138 = arith.constant 1 : i32
        %add3A_1139 = arith.addi %mul3A_1137, %add3A_1138 : i32
        %dma_start3A_1140 = arith.constant 5 : i32
        %dma_start3A_1141 = arith.constant 1 : i32
        %dma_start3A_1142 = arith.constant 0 : i32
        %dma_start3A_1143 = arith.constant 0 : i32
        %dma_start3A_1144 = tpu.memref_slice %arg6[%dma_start3A_1140, %dma_start3A_1141, %dma_start3A_1142, %dma_start3A_1143] : memref<8x4x50x32xf32, #tpu.memory_space<vmem>> -> memref<1x1x50x32xf32, #tpu.memory_space<vmem>>
        %dma_start3A_1145 = tpu.memref_squeeze %dma_start3A_1144 : memref<1x1x50x32xf32, #tpu.memory_space<vmem>> -> memref<50x32xf32, #tpu.memory_space<vmem>>
        %dma_start3A_1146 = arith.constant 0 : i32
        %dma_start3A_1147 = tpu.memref_slice %arg5[%add3A_1139, %dma_start3A_1146] : memref<512x50xi32, #tpu.memory_space<vmem>> -> memref<1x50xi32, #tpu.memory_space<vmem>>
        %dma_start3A_1148 = tpu.memref_squeeze %dma_start3A_1147 : memref<1x50xi32, #tpu.memory_space<vmem>> -> memref<50xi32, #tpu.memory_space<vmem>>
        %dma_start3A_1149 = arith.constant 0 : i32
        %dma_start3A_1150 = arith.constant 0 : i32
        %dma_start3A_1151 = tpu.memref_slice %arg3[%dma_start3A_1149, %dma_start3A_1150] : memref<1000000x32xf32, #tpu.memory_space<hbm>> -> memref<1000000x32xf32, #tpu.memory_space<hbm>>
        tpu.enqueue_indirect_dma source(%dma_start3A_1151 : memref<1000000x32xf32, #tpu.memory_space<hbm>>) target(%dma_start3A_1145 : memref<50x32xf32, #tpu.memory_space<vmem>>) offsets(%dma_start3A_1148 : memref<50xi32, #tpu.memory_space<vmem>>) semaphore(%arg12 : memref<!tpu.dma_semaphore, #tpu.memory_space<semaphore_mem>>)
        %mul3A_1152 = arith.constant 4 : i32
        %mul3A_1153 = arith.muli %add3A_1110, %mul3A_1152 : i32
        %add3A_1154 = arith.constant 2 : i32
        %add3A_1155 = arith.addi %mul3A_1153, %add3A_1154 : i32
        %dma_start3A_1156 = arith.constant 5 : i32
        %dma_start3A_1157 = arith.constant 2 : i32
        %dma_start3A_1158 = arith.constant 0 : i32
        %dma_start3A_1159 = arith.constant 0 : i32
        %dma_start3A_1160 = tpu.memref_slice %arg6[%dma_start3A_1156, %dma_start3A_1157, %dma_start3A_1158, %dma_start3A_1159] : memref<8x4x50x32xf32, #tpu.memory_space<vmem>> -> memref<1x1x50x32xf32, #tpu.memory_space<vmem>>
        %dma_start3A_1161 = tpu.memref_squeeze %dma_start3A_1160 : memref<1x1x50x32xf32, #tpu.memory_space<vmem>> -> memref<50x32xf32, #tpu.memory_space<vmem>>
        %dma_start3A_1162 = arith.constant 0 : i32
        %dma_start3A_1163 = tpu.memref_slice %arg5[%add3A_1155, %dma_start3A_1162] : memref<512x50xi32, #tpu.memory_space<vmem>> -> memref<1x50xi32, #tpu.memory_space<vmem>>
        %dma_start3A_1164 = tpu.memref_squeeze %dma_start3A_1163 : memref<1x50xi32, #tpu.memory_space<vmem>> -> memref<50xi32, #tpu.memory_space<vmem>>
        %dma_start3A_1165 = arith.constant 0 : i32
        %dma_start3A_1166 = arith.constant 0 : i32
        %dma_start3A_1167 = tpu.memref_slice %arg3[%dma_start3A_1165, %dma_start3A_1166] : memref<1000000x32xf32, #tpu.memory_space<hbm>> -> memref<1000000x32xf32, #tpu.memory_space<hbm>>
        tpu.enqueue_indirect_dma source(%dma_start3A_1167 : memref<1000000x32xf32, #tpu.memory_space<hbm>>) target(%dma_start3A_1161 : memref<50x32xf32, #tpu.memory_space<vmem>>) offsets(%dma_start3A_1164 : memref<50xi32, #tpu.memory_space<vmem>>) semaphore(%arg12 : memref<!tpu.dma_semaphore, #tpu.memory_space<semaphore_mem>>)
        %mul3A_1168 = arith.constant 4 : i32
        %mul3A_1169 = arith.muli %add3A_1110, %mul3A_1168 : i32
        %add3A_1170 = arith.constant 3 : i32
        %add3A_1171 = arith.addi %mul3A_1169, %add3A_1170 : i32
        %dma_start3A_1172 = arith.constant 5 : i32
        %dma_start3A_1173 = arith.constant 3 : i32
        %dma_start3A_1174 = arith.constant 0 : i32
        %dma_start3A_1175 = arith.constant 0 : i32
        %dma_start3A_1176 = tpu.memref_slice %arg6[%dma_start3A_1172, %dma_start3A_1173, %dma_start3A_1174, %dma_start3A_1175] : memref<8x4x50x32xf32, #tpu.memory_space<vmem>> -> memref<1x1x50x32xf32, #tpu.memory_space<vmem>>
        %dma_start3A_1177 = tpu.memref_squeeze %dma_start3A_1176 : memref<1x1x50x32xf32, #tpu.memory_space<vmem>> -> memref<50x32xf32, #tpu.memory_space<vmem>>
        %dma_start3A_1178 = arith.constant 0 : i32
        %dma_start3A_1179 = tpu.memref_slice %arg5[%add3A_1171, %dma_start3A_1178] : memref<512x50xi32, #tpu.memory_space<vmem>> -> memref<1x50xi32, #tpu.memory_space<vmem>>
        %dma_start3A_1180 = tpu.memref_squeeze %dma_start3A_1179 : memref<1x50xi32, #tpu.memory_space<vmem>> -> memref<50xi32, #tpu.memory_space<vmem>>
        %dma_start3A_1181 = arith.constant 0 : i32
        %dma_start3A_1182 = arith.constant 0 : i32
        %dma_start3A_1183 = tpu.memref_slice %arg3[%dma_start3A_1181, %dma_start3A_1182] : memref<1000000x32xf32, #tpu.memory_space<hbm>> -> memref<1000000x32xf32, #tpu.memory_space<hbm>>
        tpu.enqueue_indirect_dma source(%dma_start3A_1183 : memref<1000000x32xf32, #tpu.memory_space<hbm>>) target(%dma_start3A_1177 : memref<50x32xf32, #tpu.memory_space<vmem>>) offsets(%dma_start3A_1180 : memref<50xi32, #tpu.memory_space<vmem>>) semaphore(%arg12 : memref<!tpu.dma_semaphore, #tpu.memory_space<semaphore_mem>>)
      } else {
      }
    }
    %scan3A_318 = arith.constant 16 : i32
    %dma_wait3A = arith.constant 0 : i32
    %dma_wait3A_319 = arith.constant 0 : i32
    %dma_wait3A_320 = arith.constant 0 : i32
    %dma_wait3A_321 = arith.constant 0 : i32
    %dma_wait3A_322 = tpu.memref_slice %arg6[%dma_wait3A, %dma_wait3A_319, %dma_wait3A_320, %dma_wait3A_321] : memref<8x4x50x32xf32, #tpu.memory_space<vmem>> -> memref<1x4x50x32xf32, #tpu.memory_space<vmem>>
    %dma_wait3A_323 = tpu.memref_squeeze %dma_wait3A_322 : memref<1x4x50x32xf32, #tpu.memory_space<vmem>> -> memref<4x50x32xf32, #tpu.memory_space<vmem>>
    %dma_wait3A_324 = arith.constant 0 : i32
    %dma_wait3A_325 = arith.constant 0 : i32
    %dma_wait3A_326 = tpu.memref_slice %arg4[%mul3A_2, %dma_wait3A_324, %dma_wait3A_325] : memref<16384x56x128xf32, #tpu.memory_space<hbm>> -> memref<4x50x32xf32, #tpu.memory_space<hbm>>
    %dma_wait3A_327 = arith.constant 0 : i32
    %dma_wait3A_328 = arith.constant 0 : i32
    %dma_wait3A_329 = tpu.memref_slice %arg4[%mul3A_2, %dma_wait3A_327, %dma_wait3A_328] : memref<16384x56x128xf32, #tpu.memory_space<hbm>> -> memref<4x50x32xf32, #tpu.memory_space<hbm>>
    %dma_wait3A_330 = arith.constant 0 : i32
    %dma_wait3A_331 = arith.constant 0 : i32
    %dma_wait3A_332 = arith.constant 0 : i32
    %dma_wait3A_333 = tpu.memref_slice %arg6[%dma_wait3A, %dma_wait3A_330, %dma_wait3A_331, %dma_wait3A_332] : memref<8x4x50x32xf32, #tpu.memory_space<vmem>> -> memref<1x4x50x32xf32, #tpu.memory_space<vmem>>
    %dma_wait3A_334 = tpu.memref_squeeze %dma_wait3A_333 : memref<1x4x50x32xf32, #tpu.memory_space<vmem>> -> memref<4x50x32xf32, #tpu.memory_space<vmem>>
    tpu.wait_dma2 semaphore(%arg15 : memref<!tpu.dma_semaphore, #tpu.memory_space<semaphore_mem>>) src(%dma_wait3A_334 : memref<4x50x32xf32, #tpu.memory_space<vmem>>) dst(%dma_wait3A_329 : memref<4x50x32xf32, #tpu.memory_space<hbm>>)
    %dma_wait3A_335 = arith.constant 1 : i32
    %dma_wait3A_336 = arith.constant 0 : i32
    %dma_wait3A_337 = arith.constant 0 : i32
    %dma_wait3A_338 = arith.constant 0 : i32
    %dma_wait3A_339 = tpu.memref_slice %arg6[%dma_wait3A_335, %dma_wait3A_336, %dma_wait3A_337, %dma_wait3A_338] : memref<8x4x50x32xf32, #tpu.memory_space<vmem>> -> memref<1x4x50x32xf32, #tpu.memory_space<vmem>>
    %dma_wait3A_340 = tpu.memref_squeeze %dma_wait3A_339 : memref<1x4x50x32xf32, #tpu.memory_space<vmem>> -> memref<4x50x32xf32, #tpu.memory_space<vmem>>
    %dma_wait3A_341 = arith.constant 0 : i32
    %dma_wait3A_342 = arith.constant 0 : i32
    %dma_wait3A_343 = tpu.memref_slice %arg4[%mul3A_2, %dma_wait3A_341, %dma_wait3A_342] : memref<16384x56x128xf32, #tpu.memory_space<hbm>> -> memref<4x50x32xf32, #tpu.memory_space<hbm>>
    %dma_wait3A_344 = arith.constant 0 : i32
    %dma_wait3A_345 = arith.constant 0 : i32
    %dma_wait3A_346 = tpu.memref_slice %arg4[%mul3A_2, %dma_wait3A_344, %dma_wait3A_345] : memref<16384x56x128xf32, #tpu.memory_space<hbm>> -> memref<4x50x32xf32, #tpu.memory_space<hbm>>
    %dma_wait3A_347 = arith.constant 0 : i32
    %dma_wait3A_348 = arith.constant 0 : i32
    %dma_wait3A_349 = arith.constant 0 : i32
    %dma_wait3A_350 = tpu.memref_slice %arg6[%dma_wait3A_335, %dma_wait3A_347, %dma_wait3A_348, %dma_wait3A_349] : memref<8x4x50x32xf32, #tpu.memory_space<vmem>> -> memref<1x4x50x32xf32, #tpu.memory_space<vmem>>
    %dma_wait3A_351 = tpu.memref_squeeze %dma_wait3A_350 : memref<1x4x50x32xf32, #tpu.memory_space<vmem>> -> memref<4x50x32xf32, #tpu.memory_space<vmem>>
    tpu.wait_dma2 semaphore(%arg16 : memref<!tpu.dma_semaphore, #tpu.memory_space<semaphore_mem>>) src(%dma_wait3A_351 : memref<4x50x32xf32, #tpu.memory_space<vmem>>) dst(%dma_wait3A_346 : memref<4x50x32xf32, #tpu.memory_space<hbm>>)
    %dma_wait3A_352 = arith.constant 2 : i32
    %dma_wait3A_353 = arith.constant 0 : i32
    %dma_wait3A_354 = arith.constant 0 : i32
    %dma_wait3A_355 = arith.constant 0 : i32
    %dma_wait3A_356 = tpu.memref_slice %arg6[%dma_wait3A_352, %dma_wait3A_353, %dma_wait3A_354, %dma_wait3A_355] : memref<8x4x50x32xf32, #tpu.memory_space<vmem>> -> memref<1x4x50x32xf32, #tpu.memory_space<vmem>>
    %dma_wait3A_357 = tpu.memref_squeeze %dma_wait3A_356 : memref<1x4x50x32xf32, #tpu.memory_space<vmem>> -> memref<4x50x32xf32, #tpu.memory_space<vmem>>
    %dma_wait3A_358 = arith.constant 0 : i32
    %dma_wait3A_359 = arith.constant 0 : i32
    %dma_wait3A_360 = tpu.memref_slice %arg4[%mul3A_2, %dma_wait3A_358, %dma_wait3A_359] : memref<16384x56x128xf32, #tpu.memory_space<hbm>> -> memref<4x50x32xf32, #tpu.memory_space<hbm>>
    %dma_wait3A_361 = arith.constant 0 : i32
    %dma_wait3A_362 = arith.constant 0 : i32
    %dma_wait3A_363 = tpu.memref_slice %arg4[%mul3A_2, %dma_wait3A_361, %dma_wait3A_362] : memref<16384x56x128xf32, #tpu.memory_space<hbm>> -> memref<4x50x32xf32, #tpu.memory_space<hbm>>
    %dma_wait3A_364 = arith.constant 0 : i32
    %dma_wait3A_365 = arith.constant 0 : i32
    %dma_wait3A_366 = arith.constant 0 : i32
    %dma_wait3A_367 = tpu.memref_slice %arg6[%dma_wait3A_352, %dma_wait3A_364, %dma_wait3A_365, %dma_wait3A_366] : memref<8x4x50x32xf32, #tpu.memory_space<vmem>> -> memref<1x4x50x32xf32, #tpu.memory_space<vmem>>
    %dma_wait3A_368 = tpu.memref_squeeze %dma_wait3A_367 : memref<1x4x50x32xf32, #tpu.memory_space<vmem>> -> memref<4x50x32xf32, #tpu.memory_space<vmem>>
    tpu.wait_dma2 semaphore(%arg17 : memref<!tpu.dma_semaphore, #tpu.memory_space<semaphore_mem>>) src(%dma_wait3A_368 : memref<4x50x32xf32, #tpu.memory_space<vmem>>) dst(%dma_wait3A_363 : memref<4x50x32xf32, #tpu.memory_space<hbm>>)
    %dma_wait3A_369 = arith.constant 3 : i32
    %dma_wait3A_370 = arith.constant 0 : i32
    %dma_wait3A_371 = arith.constant 0 : i32
    %dma_wait3A_372 = arith.constant 0 : i32
    %dma_wait3A_373 = tpu.memref_slice %arg6[%dma_wait3A_369, %dma_wait3A_370, %dma_wait3A_371, %dma_wait3A_372] : memref<8x4x50x32xf32, #tpu.memory_space<vmem>> -> memref<1x4x50x32xf32, #tpu.memory_space<vmem>>
    %dma_wait3A_374 = tpu.memref_squeeze %dma_wait3A_373 : memref<1x4x50x32xf32, #tpu.memory_space<vmem>> -> memref<4x50x32xf32, #tpu.memory_space<vmem>>
    %dma_wait3A_375 = arith.constant 0 : i32
    %dma_wait3A_376 = arith.constant 0 : i32
    %dma_wait3A_377 = tpu.memref_slice %arg4[%mul3A_2, %dma_wait3A_375, %dma_wait3A_376] : memref<16384x56x128xf32, #tpu.memory_space<hbm>> -> memref<4x50x32xf32, #tpu.memory_space<hbm>>
    %dma_wait3A_378 = arith.constant 0 : i32
    %dma_wait3A_379 = arith.constant 0 : i32
    %dma_wait3A_380 = tpu.memref_slice %arg4[%mul3A_2, %dma_wait3A_378, %dma_wait3A_379] : memref<16384x56x128xf32, #tpu.memory_space<hbm>> -> memref<4x50x32xf32, #tpu.memory_space<hbm>>
    %dma_wait3A_381 = arith.constant 0 : i32
    %dma_wait3A_382 = arith.constant 0 : i32
    %dma_wait3A_383 = arith.constant 0 : i32
    %dma_wait3A_384 = tpu.memref_slice %arg6[%dma_wait3A_369, %dma_wait3A_381, %dma_wait3A_382, %dma_wait3A_383] : memref<8x4x50x32xf32, #tpu.memory_space<vmem>> -> memref<1x4x50x32xf32, #tpu.memory_space<vmem>>
    %dma_wait3A_385 = tpu.memref_squeeze %dma_wait3A_384 : memref<1x4x50x32xf32, #tpu.memory_space<vmem>> -> memref<4x50x32xf32, #tpu.memory_space<vmem>>
    tpu.wait_dma2 semaphore(%arg18 : memref<!tpu.dma_semaphore, #tpu.memory_space<semaphore_mem>>) src(%dma_wait3A_385 : memref<4x50x32xf32, #tpu.memory_space<vmem>>) dst(%dma_wait3A_380 : memref<4x50x32xf32, #tpu.memory_space<hbm>>)
    %dma_wait3A_386 = arith.constant 4 : i32
    %dma_wait3A_387 = arith.constant 0 : i32
    %dma_wait3A_388 = arith.constant 0 : i32
    %dma_wait3A_389 = arith.constant 0 : i32
    %dma_wait3A_390 = tpu.memref_slice %arg6[%dma_wait3A_386, %dma_wait3A_387, %dma_wait3A_388, %dma_wait3A_389] : memref<8x4x50x32xf32, #tpu.memory_space<vmem>> -> memref<1x4x50x32xf32, #tpu.memory_space<vmem>>
    %dma_wait3A_391 = tpu.memref_squeeze %dma_wait3A_390 : memref<1x4x50x32xf32, #tpu.memory_space<vmem>> -> memref<4x50x32xf32, #tpu.memory_space<vmem>>
    %dma_wait3A_392 = arith.constant 0 : i32
    %dma_wait3A_393 = arith.constant 0 : i32
    %dma_wait3A_394 = tpu.memref_slice %arg4[%mul3A_2, %dma_wait3A_392, %dma_wait3A_393] : memref<16384x56x128xf32, #tpu.memory_space<hbm>> -> memref<4x50x32xf32, #tpu.memory_space<hbm>>
    %dma_wait3A_395 = arith.constant 0 : i32
    %dma_wait3A_396 = arith.constant 0 : i32
    %dma_wait3A_397 = tpu.memref_slice %arg4[%mul3A_2, %dma_wait3A_395, %dma_wait3A_396] : memref<16384x56x128xf32, #tpu.memory_space<hbm>> -> memref<4x50x32xf32, #tpu.memory_space<hbm>>
    %dma_wait3A_398 = arith.constant 0 : i32
    %dma_wait3A_399 = arith.constant 0 : i32
    %dma_wait3A_400 = arith.constant 0 : i32
    %dma_wait3A_401 = tpu.memref_slice %arg6[%dma_wait3A_386, %dma_wait3A_398, %dma_wait3A_399, %dma_wait3A_400] : memref<8x4x50x32xf32, #tpu.memory_space<vmem>> -> memref<1x4x50x32xf32, #tpu.memory_space<vmem>>
    %dma_wait3A_402 = tpu.memref_squeeze %dma_wait3A_401 : memref<1x4x50x32xf32, #tpu.memory_space<vmem>> -> memref<4x50x32xf32, #tpu.memory_space<vmem>>
    tpu.wait_dma2 semaphore(%arg19 : memref<!tpu.dma_semaphore, #tpu.memory_space<semaphore_mem>>) src(%dma_wait3A_402 : memref<4x50x32xf32, #tpu.memory_space<vmem>>) dst(%dma_wait3A_397 : memref<4x50x32xf32, #tpu.memory_space<hbm>>)
    %dma_wait3A_403 = arith.constant 5 : i32
    %dma_wait3A_404 = arith.constant 0 : i32
    %dma_wait3A_405 = arith.constant 0 : i32
    %dma_wait3A_406 = arith.constant 0 : i32
    %dma_wait3A_407 = tpu.memref_slice %arg6[%dma_wait3A_403, %dma_wait3A_404, %dma_wait3A_405, %dma_wait3A_406] : memref<8x4x50x32xf32, #tpu.memory_space<vmem>> -> memref<1x4x50x32xf32, #tpu.memory_space<vmem>>
    %dma_wait3A_408 = tpu.memref_squeeze %dma_wait3A_407 : memref<1x4x50x32xf32, #tpu.memory_space<vmem>> -> memref<4x50x32xf32, #tpu.memory_space<vmem>>
    %dma_wait3A_409 = arith.constant 0 : i32
    %dma_wait3A_410 = arith.constant 0 : i32
    %dma_wait3A_411 = tpu.memref_slice %arg4[%mul3A_2, %dma_wait3A_409, %dma_wait3A_410] : memref<16384x56x128xf32, #tpu.memory_space<hbm>> -> memref<4x50x32xf32, #tpu.memory_space<hbm>>
    %dma_wait3A_412 = arith.constant 0 : i32
    %dma_wait3A_413 = arith.constant 0 : i32
    %dma_wait3A_414 = tpu.memref_slice %arg4[%mul3A_2, %dma_wait3A_412, %dma_wait3A_413] : memref<16384x56x128xf32, #tpu.memory_space<hbm>> -> memref<4x50x32xf32, #tpu.memory_space<hbm>>
    %dma_wait3A_415 = arith.constant 0 : i32
    %dma_wait3A_416 = arith.constant 0 : i32
    %dma_wait3A_417 = arith.constant 0 : i32
    %dma_wait3A_418 = tpu.memref_slice %arg6[%dma_wait3A_403, %dma_wait3A_415, %dma_wait3A_416, %dma_wait3A_417] : memref<8x4x50x32xf32, #tpu.memory_space<vmem>> -> memref<1x4x50x32xf32, #tpu.memory_space<vmem>>
    %dma_wait3A_419 = tpu.memref_squeeze %dma_wait3A_418 : memref<1x4x50x32xf32, #tpu.memory_space<vmem>> -> memref<4x50x32xf32, #tpu.memory_space<vmem>>
    tpu.wait_dma2 semaphore(%arg20 : memref<!tpu.dma_semaphore, #tpu.memory_space<semaphore_mem>>) src(%dma_wait3A_419 : memref<4x50x32xf32, #tpu.memory_space<vmem>>) dst(%dma_wait3A_414 : memref<4x50x32xf32, #tpu.memory_space<hbm>>)
    %dma_wait3A_420 = arith.constant 6 : i32
    %dma_wait3A_421 = arith.constant 0 : i32
    %dma_wait3A_422 = arith.constant 0 : i32
    %dma_wait3A_423 = arith.constant 0 : i32
    %dma_wait3A_424 = tpu.memref_slice %arg6[%dma_wait3A_420, %dma_wait3A_421, %dma_wait3A_422, %dma_wait3A_423] : memref<8x4x50x32xf32, #tpu.memory_space<vmem>> -> memref<1x4x50x32xf32, #tpu.memory_space<vmem>>
    %dma_wait3A_425 = tpu.memref_squeeze %dma_wait3A_424 : memref<1x4x50x32xf32, #tpu.memory_space<vmem>> -> memref<4x50x32xf32, #tpu.memory_space<vmem>>
    %dma_wait3A_426 = arith.constant 0 : i32
    %dma_wait3A_427 = arith.constant 0 : i32
    %dma_wait3A_428 = tpu.memref_slice %arg4[%mul3A_2, %dma_wait3A_426, %dma_wait3A_427] : memref<16384x56x128xf32, #tpu.memory_space<hbm>> -> memref<4x50x32xf32, #tpu.memory_space<hbm>>
    %dma_wait3A_429 = arith.constant 0 : i32
    %dma_wait3A_430 = arith.constant 0 : i32
    %dma_wait3A_431 = tpu.memref_slice %arg4[%mul3A_2, %dma_wait3A_429, %dma_wait3A_430] : memref<16384x56x128xf32, #tpu.memory_space<hbm>> -> memref<4x50x32xf32, #tpu.memory_space<hbm>>
    %dma_wait3A_432 = arith.constant 0 : i32
    %dma_wait3A_433 = arith.constant 0 : i32
    %dma_wait3A_434 = arith.constant 0 : i32
    %dma_wait3A_435 = tpu.memref_slice %arg6[%dma_wait3A_420, %dma_wait3A_432, %dma_wait3A_433, %dma_wait3A_434] : memref<8x4x50x32xf32, #tpu.memory_space<vmem>> -> memref<1x4x50x32xf32, #tpu.memory_space<vmem>>
    %dma_wait3A_436 = tpu.memref_squeeze %dma_wait3A_435 : memref<1x4x50x32xf32, #tpu.memory_space<vmem>> -> memref<4x50x32xf32, #tpu.memory_space<vmem>>
    tpu.wait_dma2 semaphore(%arg21 : memref<!tpu.dma_semaphore, #tpu.memory_space<semaphore_mem>>) src(%dma_wait3A_436 : memref<4x50x32xf32, #tpu.memory_space<vmem>>) dst(%dma_wait3A_431 : memref<4x50x32xf32, #tpu.memory_space<hbm>>)
    %dma_wait3A_437 = arith.constant 7 : i32
    %dma_wait3A_438 = arith.constant 0 : i32
    %dma_wait3A_439 = arith.constant 0 : i32
    %dma_wait3A_440 = arith.constant 0 : i32
    %dma_wait3A_441 = tpu.memref_slice %arg6[%dma_wait3A_437, %dma_wait3A_438, %dma_wait3A_439, %dma_wait3A_440] : memref<8x4x50x32xf32, #tpu.memory_space<vmem>> -> memref<1x4x50x32xf32, #tpu.memory_space<vmem>>
    %dma_wait3A_442 = tpu.memref_squeeze %dma_wait3A_441 : memref<1x4x50x32xf32, #tpu.memory_space<vmem>> -> memref<4x50x32xf32, #tpu.memory_space<vmem>>
    %dma_wait3A_443 = arith.constant 0 : i32
    %dma_wait3A_444 = arith.constant 0 : i32
    %dma_wait3A_445 = tpu.memref_slice %arg4[%mul3A_2, %dma_wait3A_443, %dma_wait3A_444] : memref<16384x56x128xf32, #tpu.memory_space<hbm>> -> memref<4x50x32xf32, #tpu.memory_space<hbm>>
    %dma_wait3A_446 = arith.constant 0 : i32
    %dma_wait3A_447 = arith.constant 0 : i32
    %dma_wait3A_448 = tpu.memref_slice %arg4[%mul3A_2, %dma_wait3A_446, %dma_wait3A_447] : memref<16384x56x128xf32, #tpu.memory_space<hbm>> -> memref<4x50x32xf32, #tpu.memory_space<hbm>>
    %dma_wait3A_449 = arith.constant 0 : i32
    %dma_wait3A_450 = arith.constant 0 : i32
    %dma_wait3A_451 = arith.constant 0 : i32
    %dma_wait3A_452 = tpu.memref_slice %arg6[%dma_wait3A_437, %dma_wait3A_449, %dma_wait3A_450, %dma_wait3A_451] : memref<8x4x50x32xf32, #tpu.memory_space<vmem>> -> memref<1x4x50x32xf32, #tpu.memory_space<vmem>>
    %dma_wait3A_453 = tpu.memref_squeeze %dma_wait3A_452 : memref<1x4x50x32xf32, #tpu.memory_space<vmem>> -> memref<4x50x32xf32, #tpu.memory_space<vmem>>
    tpu.wait_dma2 semaphore(%arg22 : memref<!tpu.dma_semaphore, #tpu.memory_space<semaphore_mem>>) src(%dma_wait3A_453 : memref<4x50x32xf32, #tpu.memory_space<vmem>>) dst(%dma_wait3A_448 : memref<4x50x32xf32, #tpu.memory_space<hbm>>)
    return
  }
}

</mosaic_0001>

<sc_bundles>
// kernel: _gather.3.cloned.1.call-start
scs
__scs_entry_jumppad:
0x0: {  	(pc) =	sbr.rel $0x88, $3  }
0x1: {  	(tag) =	ssettag $0x0;
	lr =	simm.s32 $0x1  }
0x2: {  	[smem:$0x3F9F] =	sst lr;
	_ =	strace $0xD0000000  }
0x3: {  	_ = 	snop  }
0x4: {  	_ = 	snop  }
0x5: {  	_ = 	snop  }
0x6: {  	_ = 	snop  }
0x7: {  	_ = 	snop  }
__scs_overlays_trampoline_lowered:
0x8: {  	[smem:$0x3FAE] =	sst s0  }
0x9: {  	[smem:$0x3FAF] =	sst s1  }
0xa: {  	[smem:$0x3FB0] =	sst s2  }
0xb: {  	[smem:$0x3FB1] =	sst s3  }
0xc: {  	[smem:$0x3FB2] =	sst s4  }
0xd: {  	[smem:$0x3FB3] =	sst s5  }
0xe: {  	[smem:$0x3FB4] =	sst s6  }
0xf: {  	[smem:$0x3FB5] =	sst s7  }
0x10: {  	[smem:$0x3FB6] =	sst s8  }
0x11: {  	[smem:$0x3FB7] =	sst s9;
	s0 =	simm.s32 @!p0 $0x0  }
0x12: {  	s1 =	sld [smem:$0x3F9D];
	s0 =	simm.s32 @p0 $0x1  }
0x13: {  	[smem:$0x3FB8] =	sst s0;
	s0 =	simm.s32 @!p1 $0x0  }
0x14: {  	s2 =	sld [smem:$0x3F9C];
	s0 =	simm.s32 @p1 $0x1  }
0x15: {  	[smem:$0x3FB9] =	sst s0;
	s0 =	simm.s32 @!p2 $0x0  }
0x16: {  	s3 =	sld [smem:$0x3FDB];
	s0 =	simm.s32 @p2 $0x1  }
0x17: {  	s4 =	simm.s32 $0x1BF5;
	[smem:$0x3FBB] =	sst s0  }
0x18: {  	s0 =	sld [smem:$0x3F9E];
	_ =	swait.ge [sflag:s4], $0x0  }
0x19: {  	s7 =	sld [smem:$0x3F9F]  }
0x1a: {  	s8 =	sadd.s32 $0xFFFFE003, lr  }
0x1b: {  	s9 =	sadd.s32 $0xFFFFFEF7, lr;
	s5 =	simm.s32 $0xFFFFFFFF;
	p2 =	slt.u32 s8, $0xFFFFF086  }
0x1c: {  	p1 =	slt.u32 s9, $0xF7A;
	s5 =	simm.s32 @!p2 $0x0  }
0x1d: {  	s5 =	simm.s32 @p1 $0x1;
	p0 =	seq.s32 s7, s2  }
0x1e: {  	s7 =	smul.u32 @!p0 $0xF7A, s2;
	p2 =	seq.s32 @!p0 s5, $0x0  }
0x1f: {  	s9 =	smul.u32 $0xF7A, s1;
	s8 =	simm.s32 @!p0 $0x1BF5;
	p2 =	por !p2, p0  }
0x20: {  	[sflag:s8] =	ssyncset.s32 @!p0 $0xFFFFF086;
	s6 =	sadd.s32 @!p0 s3, s7;
	s7 =	simm.s32 @!p0 $0x108  }
0x21: {  	s3 =	sadd.s32 s3, s9;
	s6 =	sadd.s32 @!p0 $0x88, s6;
	s7 =	simm.s32 @p2 $0x1082  }
0x22: {  	[simem:s7], [sflag:s8] =	dma.local @!p0 [hbm:s6], $0xF7A  }
0x23: {  	s9 =	sor.u32 $0xD0000000, s2;
	s6 =	simm.s32 $0x108;
	_ =	swait.ge @!p0 [sflag:s8], $0x0  }
0x24: {  	s3 =	sadd.s32 $0x88, s3;
	s6 =	simm.s32 @!p1 $0x1082;
	[sflag:s4] =	ssyncset.s32 $0xFFFFF086  }
0x25: {  	[simem:s6], [sflag:s4] =	dma.local [hbm:s3], $0xF7A  }
0x26: {  	[smem:$0x3F9F] =	sst s1;
	(tag) =	ssettag s2;
	_ =	strace s9  }
0x27: {  	s1 =	sld [smem:$0x3FAF]  }
0x28: {  	s2 =	sld [smem:$0x3FB0]  }
0x29: {  	s4 =	sld [smem:$0x3FB2]  }
0x2a: {  	p0 =	seq.s32 s5, $0x0;
	s5 =	sld [smem:$0x3FB3]  }
0x2b: {  	s6 =	sld [smem:$0x3FB4]  }
0x2c: {  	s7 =	sld [smem:$0x3FB5]  }
0x2d: {  	s3 =	simm.s32 $0x108;
	s8 =	sld [smem:$0x3FB6]  }
0x2e: {  	s3 =	simm.s32 @!p0 $0x1082;
	s9 =	sld [smem:$0x3FB7]  }
0x2f: {  	lr =	sadd.s32 s0, s3;
	s0 =	sld [smem:$0x3FAE]  }
0x30: {  	s3 =	sld [smem:$0x3FB1]  }
0x31: {  	[smem:$0x3FBA] =	sst s10  }
0x32: {  	s10 =	sld [smem:$0x3FB8];
	_ =	sdelay $0x3  }
0x33: {  	p0 =	seq.s32 s10, $0x1;
	s10 =	sld [smem:$0x3FBA];
	_ =	sdelay $0x3  }
0x34: {  	[smem:$0x3FBA] =	sst s10  }
0x35: {  	s10 =	sld [smem:$0x3FB9];
	_ =	sdelay $0x3  }
0x36: {  	p1 =	seq.s32 s10, $0x1;
	s10 =	sld [smem:$0x3FBA];
	_ =	sdelay $0x3  }
0x37: {  	[smem:$0x3FBA] =	sst s10  }
0x38: {  	s10 =	sld [smem:$0x3FBB]  }
0x39: {  	_ = 	snop;
	(pc) =	sbr.ind lr, $3  }
0x3a: {  	_ = 	snop  }
0x3b: {  	_ = 	snop  }
0x3c: {  	p2 =	seq.s32 s10, $0x1;
	s10 =	sld [smem:$0x3FBA]  }
0x3d: {  	_ =	shalt  }
0x3e: {  	_ =	shalt  }
0x3f: {  	_ =	shalt  }
0x40: {  	_ =	shalt  }
0x41: {  	_ =	shalt  }
0x42: {  	_ =	shalt  }
0x43: {  	_ =	shalt  }
0x44: {  	_ =	shalt  }
0x45: {  	_ =	shalt  }
0x46: {  	_ =	shalt  }
0x47: {  	_ =	shalt  }
0x48: {  	_ =	shalt  }
0x49: {  	_ =	shalt  }
0x4a: {  	_ =	shalt  }
0x4b: {  	_ =	shalt  }
0x4c: {  	_ =	shalt  }
0x4d: {  	_ =	shalt  }
0x4e: {  	_ =	shalt  }
0x4f: {  	_ =	shalt  }
0x50: {  	_ =	shalt  }
0x51: {  	_ =	shalt  }
0x52: {  	_ =	shalt  }
0x53: {  	_ =	shalt  }
0x54: {  	_ =	shalt  }
0x55: {  	_ =	shalt  }
0x56: {  	_ =	shalt  }
0x57: {  	_ =	shalt  }
0x58: {  	_ =	shalt  }
0x59: {  	_ =	shalt  }
0x5a: {  	_ =	shalt  }
0x5b: {  	_ =	shalt  }
0x5c: {  	_ =	shalt  }
0x5d: {  	_ =	shalt  }
0x5e: {  	_ =	shalt  }
0x5f: {  	_ =	shalt  }
0x60: {  	_ =	shalt  }
0x61: {  	_ =	shalt  }
0x62: {  	_ =	shalt  }
0x63: {  	_ =	shalt  }
0x64: {  	_ =	shalt  }
0x65: {  	_ =	shalt  }
0x66: {  	_ =	shalt  }
0x67: {  	_ =	shalt  }
0x68: {  	_ =	shalt  }
0x69: {  	_ =	shalt  }
0x6a: {  	_ =	shalt  }
0x6b: {  	_ =	shalt  }
0x6c: {  	_ =	shalt  }
0x6d: {  	_ =	shalt  }
0x6e: {  	_ =	shalt  }
0x6f: {  	_ =	shalt  }
0x70: {  	_ =	shalt  }
0x71: {  	_ =	shalt  }
0x72: {  	_ =	shalt  }
0x73: {  	_ =	shalt  }
0x74: {  	_ =	shalt  }
0x75: {  	_ =	shalt  }
0x76: {  	_ =	shalt  }
0x77: {  	_ =	shalt  }
0x78: {  	_ =	shalt  }
0x79: {  	_ =	shalt  }
0x7a: {  	_ =	shalt  }
0x7b: {  	_ =	shalt  }
0x7c: {  	_ =	shalt  }
0x7d: {  	_ =	shalt  }
0x7e: {  	_ =	shalt  }
0x7f: {  	_ =	shalt  }
0x80: {  	_ =	shalt  }
0x81: {  	_ =	shalt  }
0x82: {  	_ =	shalt  }
0x83: {  	_ =	shalt  }
0x84: {  	_ =	shalt  }
0x85: {  	_ =	shalt  }
0x86: {  	_ =	shalt  }
0x87: {  	_ =	shalt  }
.Lfunc_end0:
.L_simem_size_0:
called_computation.1_lowered:
.L_overlay_start_0:
0x88: {  	s2 =	sld [smem:$0x3FD9]  }
0x89: {  	s3 =	sld [smem:$0x3FFE];
	_ =	sdelay $0x1  }
0x8a: {  	s1 =	srdreg.scid  }
0x8b: {  	s0 =	sand.u32 $0x1, s1  }
0x8c: {  	s17 =	sshll.u32 s0, $0xA;
	s2 =	sadd.s32 s3, s2  }
0x8d: {  	s2 =	sadd.s32 s2, s17  }
0x8e: {  	[smem:$0x3FC6] =	sst s2  }
0x8f: {  	_ = 	snop  }
0x90: {  	s2 =	sld [smem:$0x3FD0];
	(tm) =	ssettm $0x1  }
0x91: {  	s18 =	sld [smem:$0x3FFB];
	_ =	sdelay $0x3  }
0x92: {  	_ =	strace s18  }
0x93: {  	s3 =	sld [smem:$0x3FFC];
	_ =	sdelay $0x3  }
0x94: {  	_ =	strace s3  }
0x95: {  	s3 =	sld [smem:$0x3FFD];
	_ =	sdelay $0x3  }
0x96: {  	_ =	strace s3  }
0x97: {  	_ =	strace $0x8FFFFFFF  }
0x98: {  	s19 =	sld [smem:$0x3FDB];
	_ =	sdelay $0x1  }
0x99: {  	s4 =	simm.s32 $_scs_section_size  }
0x9a: {  	s5 =	simm.s32 $_size__tile_overlayer_lowered;
	s6 =	simm.s32 $_tile_overlayer_lowered  }
0x9b: {  	s22 =	simm.s32 $0x1BFF;
	s21 =	sshll.u32 s6, $0x1;
	s3 =	sadd.s32 s4, s19  }
0x9c: {  	s7 =	simm.s32 $0x0;
	s20 =	sshll.u32 s5, $0x1;
	s5 =	sadd.s32 s21, s3  }
0x9d: {  	[timem:s7], [sflag:s22] =	dma.local [hbm:s5], s20  }
0x9e: {  	_ =	swait.ge [sflag:s22], s20  }
0x9f: {  	s4 =	ssub.s32 $0x0, s20;
	[sflag:s22] =	ssyncset.done $0x0  }
0xa0: {  	[sflag:s22] =	ssyncadd.s32 s4;
	_ =	sdelay $0x1  }
0xa1: {  	s23 =	simm.s32 $0x1B8B  }
0xa2: {  	_ =	swait.ge [sflag:s23], $0x1  }
0xa3: {  	[sflag:s23] =	ssyncset.done $0x0  }
0xa4: {  	s25 =	simm.s32 $0x1B8E;
	s24 =	sld [smem:$0x3FFE];
	[sflag:s23] =	ssyncadd.s32 $0xFFFFFFFF  }
0xa5: {  	s26 =	simm.s32 $execute0_lowered;
	[smem:$0x3FD2] =	sst s25  }
0xa6: {  	s5 =	sshll.u32 s26, $0x1;
	_ =	strace $0x80000046;
	[dreg:$0x1] =	wrdreg $0xFFFFFFFF  }
0xa7: {  	s28 =	simm.s32 $_size_execute0_lowered;
	s3 =	sadd.s32 s3, s5;
	[dreg:$0x0] =	wrdreg $0x0  }
0xa8: {  	s5 =	sshll.u32 s28, $0x1;
	[dreg:$0x2] =	wrdreg s3  }
0xa9: {  	[dreg:$0x3] =	wrdreg s5  }
0xaa: {  	[dreg:$0x4] =	wrdreg $0xC0  }
0xab: {  	_ =	task [dreg:s7], $0x5FFFF  }
0xac: {  	[dreg:$0x1] =	wrdreg $0xFFFFFFFF  }
0xad: {  	[dreg:$0x0] =	wrdreg $0x60  }
0xae: {  	[dreg:$0x2] =	wrdreg s2  }
0xaf: {  	[dreg:$0x3] =	wrdreg s24  }
0xb0: {  	[dreg:$0x4] =	wrdreg $0x9  }
0xb1: {  	_ =	task.clear_ibuf [dreg:s7], $0x5FFFF;
	_ =	strace $0x90000046  }
0xb2: {  	s29 =	simm.s32 $0x9;
	_ =	strace $0x80000048  }
0xb3: {  	_ =	swait.ge [sflag:s29], $0x1  }
0xb4: {  	[sflag:s29] =	ssyncadd.s32 $0xFFFFFFFF  }
0xb5: {  	_ =	strace $0x90000048  }
0xb6: {  	_ =	sfence  }
0xb7: {  	s30 =	sld [smem:$0x0];
	_ =	sdelay $0x2  }
0xb8: {  	s31 =	sshll.u32 s1, $0xD;
	s1 =	sshrl.u32 s1, $0x2  }
0xb9: {  	s3 =	sand.u32 $0x4000, s31;
	s1 =	sadd.s32 s1, s30  }
0xba: {  	s0 =	sor.u32 s3, s0;
	s1 =	sshll.u32 s1, $0x11  }
0xbb: {  	s0 =	sor.u32 s1, s0  }
0xbc: {  	s0 =	sadd.s32 $0x8F2B, s0  }
0xbd: {  	[sflag:s0] =	ssyncadd.remote.s32 $0x1  }
0xbe: {  	_ =	sfence.sel $0xFFFF  }
0xbf: {  	[dreg:$0x0] =	wrdreg $0xFFFFFFFF;
	(pc) =	sbr.abs _section_cstart, $3  }
0xc0: {  	[dreg:$0x1] =	wrdreg $0xFFFFFFFF  }
0xc1: {  	_ =	task.clear_ibuf [dreg:s7], $0x2FFFF;
	_ =	strace $0x9FFFFFFF  }
0xc2: {  	(tm) =	ssettm $0x7FFFFFFF  }
0xc3: {  	_ =	shalt  }
tec
execute0_lowered:
.L_overlay_start_1:
0x0: {  	(tag) =	ssettag $0x1  }
0x1: {  	s0 =	rddreg [dreg:$0x0]  }
0x2: {  	s1 =	srdreg.scid;
	s2 =	rddreg [dreg:$0x1]  }
0x3: {  	s5 =	stileid.u32;
	s6 =	simm.s32 $0x0;
	s8 =	simm.s32 $0x32  }
0x4: {  	s16 =	simm.s32 $0xED00;
	s20 =	simm.s32 $0xF980;
	s13 =	simm.s32 $0x2  }
0x5: {  	s23 =	simm.s32 $0x3;
	s28 =	simm.s32 $0x5;
	s30 =	simm.s32 $0x6  }
0x6: {  	s10 =	simm.s32 $0x8;
	s14 =	simm.s32 $0xE;
	s7 =	simm.s32 $0x0  }
0x7: {  	s24 =	simm.s32 $0xF980;
	s9 =	simm.s32 $0x10C40;
	s11 =	simm.s32 $0x11280  }
0x8: {  	s15 =	simm.s32 $0x118C0;
	s17 =	simm.s32 $0x11F00;
	s19 =	simm.s32 $0x12540  }
0x9: {  	s21 =	simm.s32 $0x12B80;
	s1 =	sand.u32 $0x1, s1;
	s3 =	sshll.u32 s5, $0xA  }
0xa: {  	s5 =	smul.u32 $0xE0000, s5;
	[smem:$0x7FF] =	sst s6;
	s6 =	simm.s32 $0xFFC0  }
0xb: {  	s4 =	sshll.u32 s1, $0x9;
	_ =	strace $0x80000047;
	s25 =	ssub.s32 $0x2, s1  }
0xc: {  	s1 =	smul.u32 $0x70000, s1;
	s3 =	sor.u32 s4, s3;
	s26 =	sshrl.u32 s25, $0x1  }
0xd: {  	s4 =	smul.u32 $0x7, s3;
	s3 =	sadd.s32 $0xF42E00, s2;
	s2 =	sadd.s32 s5, s2  }
.Ltmp0:
0xe: {  	s5 =	ssub.s32 s25, s26;
	s25 =	simm.s32 $0x4;
	(pc) =	sbr.rel .LBB2_1-.Ltmp0, $4  }
0xf: {  	s29 =	sadd.s32 s1, s2;
	s31 =	smax.u32 s5, $0x1;
	s1 =	simm.s32 $0xF340  }
0x10: {  	s2 =	simm.s32 $0x1;
	s0 =	sadd.s32 s0, s4;
	[dreg:$0x4] =	wrdreg s31  }
0x11: {  	s5 =	simm.s32 $0x80;
	[dreg:$0x3] =	wrdreg s0;
	s0 =	sadd.s32 $0xA00, s29  }
0x12: {  	s4 =	simm.s32 $0x20;
	[dreg:$0x5] =	wrdreg s0;
	s0 =	simm.s32 $0x7  }
.LBB2_4:
0x13: {  	s1 =	simm.s32 $0x9  }
0x14: {  	_ =	swait.ge [sflag:s1], $0x1900  }
0x15: {  	[sflag:s1] =	ssyncset.done $0x0  }
0x16: {  	s18 =	simm.s32 $0xA;
	[sflag:s1] =	ssyncadd.s32 $0xFFFFE700  }
0x17: {  	_ =	swait.ge [sflag:s18], $0x1900  }
0x18: {  	[sflag:s18] =	ssyncset.done $0x0  }
0x19: {  	s20 =	simm.s32 $0xB;
	[sflag:s18] =	ssyncadd.s32 $0xFFFFE700  }
0x1a: {  	_ =	swait.ge [sflag:s20], $0x1900  }
0x1b: {  	[sflag:s20] =	ssyncset.done $0x0  }
0x1c: {  	s22 =	simm.s32 $0xC;
	[sflag:s20] =	ssyncadd.s32 $0xFFFFE700  }
0x1d: {  	_ =	swait.ge [sflag:s22], $0x1900  }
0x1e: {  	[sflag:s22] =	ssyncset.done $0x0  }
0x1f: {  	s26 =	simm.s32 $0xD;
	[sflag:s22] =	ssyncadd.s32 $0xFFFFE700  }
0x20: {  	_ =	swait.ge [sflag:s26], $0x1900  }
0x21: {  	[sflag:s26] =	ssyncset.done $0x0  }
0x22: {  	[sflag:s26] =	ssyncadd.s32 $0xFFFFE700  }
0x23: {  	_ =	swait.ge [sflag:s14], $0x1900  }
0x24: {  	[sflag:s14] =	ssyncset.done $0x0  }
0x25: {  	s29 =	simm.s32 $0xF;
	[sflag:s14] =	ssyncadd.s32 $0xFFFFE700  }
0x26: {  	_ =	swait.ge [sflag:s29], $0x1900  }
0x27: {  	[sflag:s29] =	ssyncset.done $0x0  }
0x28: {  	s31 =	simm.s32 $0x10;
	[sflag:s29] =	ssyncadd.s32 $0xFFFFE700  }
0x29: {  	_ =	swait.ge [sflag:s31], $0x1900  }
0x2a: {  	s7 =	rddreg [dreg:$0x6]  }
0x2b: {  	s12 =	rddreg [dreg:$0x4];
	s7 =	sadd.s32 $0x1, s7  }
0x2c: {  	p0 =	sne.s32 s7, s12  }
.Ltmp1:
0x2d: {  	_ = 	snop;
	(pc) =	sbr.rel @!p0 .LBB2_5-.Ltmp1, $3  }
0x2e: {  	_ =	sdelay $0x1  }
0x2f: {  	s16 =	simm.s32 $0xED00;
	s6 =	simm.s32 $0xFFC0;
	[sflag:s31] =	ssyncset.done $0x0  }
0x30: {  	s1 =	simm.s32 $0xF340;
	s20 =	simm.s32 $0xF980;
	[sflag:s31] =	ssyncadd.s32 $0xFFFFE700  }
.LBB2_1:
0x31: {  	[dreg:$0x6] =	wrdreg s7  }
0x32: {  	s12 =	simm.s32 $0x0;
	s18 =	rddreg [dreg:$0x3];
	s26 =	simm.s32 $0x11  }
0x33: {  	[tilespmem:s12], [sflag:$0x11] =	stream.linear.gather [hbm4b:s18+s12], $0x7000, $0x38;
	[tilespmem:$0x13800] =	vst v63  }
0x34: {  	_ =	swait.ge [sflag:s26], $0x7000  }
0x35: {  	[sflag:s26] =	ssyncset.done $0x0  }
0x36: {  	s29 =	simm.s32 $0x7000;
	[sflag:s26] =	ssyncadd.s32 $0xFFFF9000  }
0x37: {  	[tilespmem:s29], [sflag:$0x1] =	stream.indirect.gather [hbm4b:s3+s8], $0x20, s12, s8, $0xb8;
	[tilespmem:$0x13800] =	vst v63  }
0x38: {  	s31 =	simm.s32 $0x38;
	s7 =	simm.s32 $0x7640  }
0x39: {  	[tilespmem:s7], [sflag:$0x1] =	stream.indirect.gather [hbm4b:s3+s8], $0x20, s31, s8, $0xb8;
	[tilespmem:$0x13800] =	vst v63  }
0x3a: {  	s22 =	simm.s32 $0x7C80;
	s18 =	simm.s32 $0x70  }
0x3b: {  	[tilespmem:s22], [sflag:$0x1] =	stream.indirect.gather [hbm4b:s3+s8], $0x20, s18, s8, $0xb8;
	[tilespmem:$0x13800] =	vst v63  }
0x3c: {  	s26 =	simm.s32 $0xA8;
	s29 =	simm.s32 $0x82C0  }
0x3d: {  	[tilespmem:s29], [sflag:$0x1] =	stream.indirect.gather [hbm4b:s3+s8], $0x20, s26, s8, $0xb8;
	[tilespmem:$0x13800] =	vst v63  }
0x3e: {  	s31 =	simm.s32 $0xE0;
	s7 =	simm.s32 $0x8900  }
0x3f: {  	[tilespmem:s7], [sflag:$0x2] =	stream.indirect.gather [hbm4b:s3+s8], $0x20, s31, s8, $0xb8;
	[tilespmem:$0x13800] =	vst v63  }
0x40: {  	s18 =	simm.s32 $0x118;
	s22 =	simm.s32 $0x8F40  }
0x41: {  	[tilespmem:s22], [sflag:$0x2] =	stream.indirect.gather [hbm4b:s3+s8], $0x20, s18, s8, $0xb8;
	[tilespmem:$0x13800] =	vst v63  }
0x42: {  	s26 =	simm.s32 $0x150;
	s29 =	simm.s32 $0x9580  }
0x43: {  	[tilespmem:s29], [sflag:$0x2] =	stream.indirect.gather [hbm4b:s3+s8], $0x20, s26, s8, $0xb8;
	[tilespmem:$0x13800] =	vst v63  }
0x44: {  	s31 =	simm.s32 $0x188;
	s7 =	simm.s32 $0x9BC0  }
0x45: {  	[tilespmem:s7], [sflag:$0x2] =	stream.indirect.gather [hbm4b:s3+s8], $0x20, s31, s8, $0xb8;
	[tilespmem:$0x13800] =	vst v63  }
0x46: {  	s18 =	simm.s32 $0x1C0;
	s22 =	simm.s32 $0xA200  }
0x47: {  	[tilespmem:s22], [sflag:$0x3] =	stream.indirect.gather [hbm4b:s3+s8], $0x20, s18, s8, $0xb8;
	[tilespmem:$0x13800] =	vst v63  }
0x48: {  	s26 =	simm.s32 $0x1F8;
	s29 =	simm.s32 $0xA840  }
0x49: {  	[tilespmem:s29], [sflag:$0x3] =	stream.indirect.gather [hbm4b:s3+s8], $0x20, s26, s8, $0xb8;
	[tilespmem:$0x13800] =	vst v63  }
0x4a: {  	s31 =	simm.s32 $0x230;
	s7 =	simm.s32 $0xAE80  }
0x4b: {  	[tilespmem:s7], [sflag:$0x3] =	stream.indirect.gather [hbm4b:s3+s8], $0x20, s31, s8, $0xb8;
	[tilespmem:$0x13800] =	vst v63  }
0x4c: {  	s18 =	simm.s32 $0x268;
	s22 =	simm.s32 $0xB4C0  }
0x4d: {  	[tilespmem:s22], [sflag:$0x3] =	stream.indirect.gather [hbm4b:s3+s8], $0x20, s18, s8, $0xb8;
	[tilespmem:$0x13800] =	vst v63  }
0x4e: {  	s26 =	simm.s32 $0x2A0;
	s29 =	simm.s32 $0xBB00  }
0x4f: {  	[tilespmem:s29], [sflag:$0x4] =	stream.indirect.gather [hbm4b:s3+s8], $0x20, s26, s8, $0xb8;
	[tilespmem:$0x13800] =	vst v63  }
0x50: {  	s31 =	simm.s32 $0x2D8;
	s7 =	simm.s32 $0xC140  }
0x51: {  	[tilespmem:s7], [sflag:$0x4] =	stream.indirect.gather [hbm4b:s3+s8], $0x20, s31, s8, $0xb8;
	[tilespmem:$0x13800] =	vst v63  }
0x52: {  	s18 =	simm.s32 $0x310;
	s22 =	simm.s32 $0xC780  }
0x53: {  	[tilespmem:s22], [sflag:$0x4] =	stream.indirect.gather [hbm4b:s3+s8], $0x20, s18, s8, $0xb8;
	[tilespmem:$0x13800] =	vst v63  }
0x54: {  	s26 =	simm.s32 $0x348;
	s29 =	simm.s32 $0xCDC0  }
0x55: {  	[tilespmem:s29], [sflag:$0x4] =	stream.indirect.gather [hbm4b:s3+s8], $0x20, s26, s8, $0xb8;
	[tilespmem:$0x13800] =	vst v63  }
0x56: {  	s31 =	simm.s32 $0x380;
	s7 =	simm.s32 $0xD400  }
0x57: {  	[tilespmem:s7], [sflag:$0x5] =	stream.indirect.gather [hbm4b:s3+s8], $0x20, s31, s8, $0xb8;
	[tilespmem:$0x13800] =	vst v63  }
0x58: {  	s18 =	simm.s32 $0x3B8;
	s22 =	simm.s32 $0xDA40  }
0x59: {  	[tilespmem:s22], [sflag:$0x5] =	stream.indirect.gather [hbm4b:s3+s8], $0x20, s18, s8, $0xb8;
	[tilespmem:$0x13800] =	vst v63  }
0x5a: {  	s26 =	simm.s32 $0x3F0;
	s29 =	simm.s32 $0xE080  }
0x5b: {  	[tilespmem:s29], [sflag:$0x5] =	stream.indirect.gather [hbm4b:s3+s8], $0x20, s26, s8, $0xb8;
	[tilespmem:$0x13800] =	vst v63  }
0x5c: {  	s31 =	simm.s32 $0x428;
	s7 =	simm.s32 $0xE6C0  }
0x5d: {  	[tilespmem:s7], [sflag:$0x5] =	stream.indirect.gather [hbm4b:s3+s8], $0x20, s31, s8, $0xb8;
	[tilespmem:$0x13800] =	vst v63  }
0x5e: {  	s22 =	simm.s32 $0x460  }
0x5f: {  	[tilespmem:s16], [sflag:$0x6] =	stream.indirect.gather [hbm4b:s3+s8], $0x20, s22, s8, $0xb8;
	[tilespmem:$0x13800] =	vst v63  }
0x60: {  	s26 =	simm.s32 $0x498  }
0x61: {  	[tilespmem:s1], [sflag:$0x6] =	stream.indirect.gather [hbm4b:s3+s8], $0x20, s26, s8, $0xb8;
	[tilespmem:$0x13800] =	vst v63  }
0x62: {  	s18 =	rddreg [dreg:$0x5];
	s29 =	simm.s32 $0x4D0;
	s31 =	simm.s32 $0x508  }
0x63: {  	[tilespmem:s20], [sflag:$0x6] =	stream.indirect.gather [hbm4b:s3+s8], $0x20, s29, s8, $0xb8;
	[tilespmem:$0x13800] =	vst v63  }
0x64: {  	s22 =	simm.s32 $0x0;
	s16 =	simm.s32 $0xED00;
	s1 =	simm.s32 $0xF340  }
0x65: {  	[tilespmem:s6], [sflag:$0x6] =	stream.indirect.gather [hbm4b:s3+s8], $0x20, s31, s8, $0xb8;
	[tilespmem:$0x13800] =	vst v63  }
.LBB2_2:
0x66: {  	_ =	swait.ge [sflag:s2], $0x640  }
0x67: {  	[sflag:s2] =	ssyncset.done $0x0  }
0x68: {  	[sflag:s2] =	ssyncadd.s32 $0xFFFFF9C0  }
0x69: {  	_ =	swait.ge [sflag:s2], $0x640  }
0x6a: {  	[sflag:s2] =	ssyncset.done $0x0  }
0x6b: {  	[sflag:s2] =	ssyncadd.s32 $0xFFFFF9C0  }
0x6c: {  	_ =	swait.ge [sflag:s2], $0x640  }
0x6d: {  	[sflag:s2] =	ssyncset.done $0x0  }
0x6e: {  	[sflag:s2] =	ssyncadd.s32 $0xFFFFF9C0  }
0x6f: {  	_ =	swait.ge [sflag:s2], $0x640  }
0x70: {  	[sflag:s2] =	ssyncset.done $0x0  }
0x71: {  	s12 =	simm.s32 $0x7000;
	[sflag:s2] =	ssyncadd.s32 $0xFFFFF9C0  }
0x72: {  	[hbm4b:s18+s4] =	stream.strided.scatter [tilespmem:s12], [sflag:$0x9], $0x640, s5, s4, $0x38;
	[tilespmem:$0x13800] =	vst v63  }
0x73: {  	s26 =	sadd.s32 $0x380, s18;
	s20 =	simm.s32 $0x7640  }
0x74: {  	[hbm4b:s26+s4] =	stream.strided.scatter [tilespmem:s20], [sflag:$0x9], $0x640, s5, s4, $0x38;
	[tilespmem:$0x13800] =	vst v63  }
0x75: {  	s29 =	sadd.s32 $0x700, s18;
	s31 =	simm.s32 $0x7C80;
	p0 =	seq.s32 s22, $0x0  }
0x76: {  	[hbm4b:s29+s4] =	stream.strided.scatter [tilespmem:s31], [sflag:$0x9], $0x640, s5, s4, $0x38;
	[tilespmem:$0x13800] =	vst v63  }
0x77: {  	s6 =	sadd.s32 $0xA80, s18;
	s7 =	simm.s32 $0x82C0;
	s12 =	simm.s32 @!p0 $0xF  }
0x78: {  	[hbm4b:s6+s4] =	stream.strided.scatter [tilespmem:s7], [sflag:$0x9], $0x640, s5, s4, $0x38;
	[tilespmem:$0x13800] =	vst v63  }
0x79: {  	_ =	swait.ge @!p0 [sflag:s12], $0x1900  }
0x7a: {  	s26 =	sshra.s32 s22, $0x2;
	[sflag:s12] =	ssyncset.done @!p0 $0x0  }
0x7b: {  	s20 =	sadd.s32 $0x540, s26;
	s7 =	simm.s32 $0x10600;
	[sflag:s12] =	ssyncadd.s32 @!p0 $0xFFFFE700  }
0x7c: {  	[tilespmem:s7], [sflag:$0x7] =	stream.indirect.gather [hbm4b:s3+s8], $0x20, s20, s8, $0xb8;
	[tilespmem:$0x13800] =	vst v63  }
0x7d: {  	s29 =	sadd.s32 $0x578, s26  }
0x7e: {  	[tilespmem:s9], [sflag:$0x7] =	stream.indirect.gather [hbm4b:s3+s8], $0x20, s29, s8, $0xb8;
	[tilespmem:$0x13800] =	vst v63  }
0x7f: {  	s31 =	sadd.s32 $0x5B0, s26  }
0x80: {  	[tilespmem:s11], [sflag:$0x7] =	stream.indirect.gather [hbm4b:s3+s8], $0x20, s31, s8, $0xb8;
	[tilespmem:$0x13800] =	vst v63  }
0x81: {  	s6 =	sadd.s32 $0x5E8, s26  }
0x82: {  	[tilespmem:s15], [sflag:$0x7] =	stream.indirect.gather [hbm4b:s3+s8], $0x20, s6, s8, $0xb8;
	[tilespmem:$0x13800] =	vst v63  }
0x83: {  	_ =	swait.ge [sflag:s13], $0x640  }
0x84: {  	[sflag:s13] =	ssyncset.done $0x0  }
0x85: {  	[sflag:s13] =	ssyncadd.s32 $0xFFFFF9C0  }
0x86: {  	_ =	swait.ge [sflag:s13], $0x640  }
0x87: {  	[sflag:s13] =	ssyncset.done $0x0  }
0x88: {  	[sflag:s13] =	ssyncadd.s32 $0xFFFFF9C0  }
0x89: {  	_ =	swait.ge [sflag:s13], $0x640  }
0x8a: {  	[sflag:s13] =	ssyncset.done $0x0  }
0x8b: {  	[sflag:s13] =	ssyncadd.s32 $0xFFFFF9C0  }
0x8c: {  	_ =	swait.ge [sflag:s13], $0x640  }
0x8d: {  	[sflag:s13] =	ssyncset.done $0x0  }
0x8e: {  	s20 =	sadd.s32 $0xE00, s18;
	s29 =	simm.s32 $0x8900;
	[sflag:s13] =	ssyncadd.s32 $0xFFFFF9C0  }
0x8f: {  	[hbm4b:s20+s4] =	stream.strided.scatter [tilespmem:s29], [sflag:$0xA], $0x640, s5, s4, $0x38;
	[tilespmem:$0x13800] =	vst v63  }
0x90: {  	s31 =	sadd.s32 $0x1180, s18;
	s6 =	simm.s32 $0x8F40  }
0x91: {  	[hbm4b:s31+s4] =	stream.strided.scatter [tilespmem:s6], [sflag:$0xA], $0x640, s5, s4, $0x38;
	[tilespmem:$0x13800] =	vst v63  }
0x92: {  	s20 =	sadd.s32 $0x1500, s18;
	s29 =	simm.s32 $0x9580  }
0x93: {  	[hbm4b:s20+s4] =	stream.strided.scatter [tilespmem:s29], [sflag:$0xA], $0x640, s5, s4, $0x38;
	[tilespmem:$0x13800] =	vst v63  }
0x94: {  	s12 =	simm.s32 @!p0 $0x10;
	s31 =	sadd.s32 $0x1880, s18;
	s6 =	simm.s32 $0x9BC0  }
0x95: {  	[hbm4b:s31+s4] =	stream.strided.scatter [tilespmem:s6], [sflag:$0xA], $0x640, s5, s4, $0x38;
	[tilespmem:$0x13800] =	vst v63  }
0x96: {  	_ =	swait.ge @!p0 [sflag:s12], $0x1900  }
0x97: {  	[sflag:s12] =	ssyncset.done @!p0 $0x0  }
0x98: {  	s29 =	sadd.s32 $0x620, s26;
	[sflag:s12] =	ssyncadd.s32 @!p0 $0xFFFFE700  }
0x99: {  	[tilespmem:s17], [sflag:$0x8] =	stream.indirect.gather [hbm4b:s3+s8], $0x20, s29, s8, $0xb8;
	[tilespmem:$0x13800] =	vst v63  }
0x9a: {  	s31 =	sadd.s32 $0x658, s26  }
0x9b: {  	[tilespmem:s19], [sflag:$0x8] =	stream.indirect.gather [hbm4b:s3+s8], $0x20, s31, s8, $0xb8;
	[tilespmem:$0x13800] =	vst v63  }
0x9c: {  	s6 =	sadd.s32 $0x690, s26  }
0x9d: {  	[tilespmem:s21], [sflag:$0x8] =	stream.indirect.gather [hbm4b:s3+s8], $0x20, s6, s8, $0xb8;
	[tilespmem:$0x13800] =	vst v63  }
0x9e: {  	s20 =	sadd.s32 $0x6C8, s26;
	s6 =	simm.s32 $0x131C0  }
0x9f: {  	[tilespmem:s6], [sflag:$0x8] =	stream.indirect.gather [hbm4b:s3+s8], $0x20, s20, s8, $0xb8;
	[tilespmem:$0x13800] =	vst v63  }
0xa0: {  	_ =	swait.ge [sflag:s23], $0x640  }
0xa1: {  	[sflag:s23] =	ssyncset.done $0x0  }
0xa2: {  	[sflag:s23] =	ssyncadd.s32 $0xFFFFF9C0  }
0xa3: {  	_ =	swait.ge [sflag:s23], $0x640  }
0xa4: {  	[sflag:s23] =	ssyncset.done $0x0  }
0xa5: {  	[sflag:s23] =	ssyncadd.s32 $0xFFFFF9C0  }
0xa6: {  	_ =	swait.ge [sflag:s23], $0x640  }
0xa7: {  	[sflag:s23] =	ssyncset.done $0x0  }
0xa8: {  	[sflag:s23] =	ssyncadd.s32 $0xFFFFF9C0  }
0xa9: {  	_ =	swait.ge [sflag:s23], $0x640  }
0xaa: {  	[sflag:s23] =	ssyncset.done $0x0  }
0xab: {  	s29 =	sadd.s32 $0x1C00, s18;
	s31 =	simm.s32 $0xA200;
	[sflag:s23] =	ssyncadd.s32 $0xFFFFF9C0  }
0xac: {  	[hbm4b:s29+s4] =	stream.strided.scatter [tilespmem:s31], [sflag:$0xB], $0x640, s5, s4, $0x38;
	[tilespmem:$0x13800] =	vst v63  }
0xad: {  	s29 =	sadd.s32 $0x1F80, s18;
	s31 =	simm.s32 $0xA840  }
0xae: {  	[hbm4b:s29+s4] =	stream.strided.scatter [tilespmem:s31], [sflag:$0xB], $0x640, s5, s4, $0x38;
	[tilespmem:$0x13800] =	vst v63  }
0xaf: {  	p0 =	seq.s32 s22, $0x1A400;
	s29 =	sadd.s32 $0x2300, s18;
	s31 =	simm.s32 $0xAE80  }
0xb0: {  	[hbm4b:s29+s4] =	stream.strided.scatter [tilespmem:s31], [sflag:$0xB], $0x640, s5, s4, $0x38;
	[tilespmem:$0x13800] =	vst v63  }
0xb1: {  	s12 =	simm.s32 @!p0 $0x9;
	s29 =	sadd.s32 $0x2680, s18;
	s31 =	simm.s32 $0xB4C0  }
0xb2: {  	[hbm4b:s29+s4] =	stream.strided.scatter [tilespmem:s31], [sflag:$0xB], $0x640, s5, s4, $0x38;
	[tilespmem:$0x13800] =	vst v63  }
0xb3: {  	_ =	swait.ge @!p0 [sflag:s12], $0x1900  }
0xb4: {  	s31 =	sshra.s32 @!p0 s22, $0x2;
	s29 =	simm.s32 @!p0 $0x7000;
	[sflag:s12] =	ssyncset.done @!p0 $0x0  }
0xb5: {  	s20 =	sadd.s32 @!p0 $0x700, s31;
	[sflag:s12] =	ssyncadd.s32 @!p0 $0xFFFFE700;
	s12 =	simm.s32 @!p0 $0x32  }
0xb6: {  	[tilespmem:s29], [sflag:$0x1] =	stream.indirect.gather @!p0 [hbm4b:s3+s12], $0x20, s20, s12, $0xb8;
	[tilespmem:$0x13800] =	vst v63  }
0xb7: {  	s20 =	sadd.s32 @!p0 $0x738, s31;
	s29 =	simm.s32 @!p0 $0x7640  }
0xb8: {  	[tilespmem:s29], [sflag:$0x1] =	stream.indirect.gather @!p0 [hbm4b:s3+s12], $0x20, s20, s12, $0xb8;
	[tilespmem:$0x13800] =	vst v63  }
0xb9: {  	s20 =	sadd.s32 @!p0 $0x770, s31;
	s29 =	simm.s32 @!p0 $0x7C80  }
0xba: {  	[tilespmem:s29], [sflag:$0x1] =	stream.indirect.gather @!p0 [hbm4b:s3+s12], $0x20, s20, s12, $0xb8;
	[tilespmem:$0x13800] =	vst v63  }
0xbb: {  	s20 =	sadd.s32 @!p0 $0x7A8, s31;
	s29 =	simm.s32 @!p0 $0x82C0  }
0xbc: {  	[tilespmem:s29], [sflag:$0x1] =	stream.indirect.gather @!p0 [hbm4b:s3+s12], $0x20, s20, s12, $0xb8;
	[tilespmem:$0x13800] =	vst v63  }
0xbd: {  	_ =	swait.ge [sflag:s25], $0x640  }
0xbe: {  	[sflag:s25] =	ssyncset.done $0x0  }
0xbf: {  	[sflag:s25] =	ssyncadd.s32 $0xFFFFF9C0  }
0xc0: {  	_ =	swait.ge [sflag:s25], $0x640  }
0xc1: {  	[sflag:s25] =	ssyncset.done $0x0  }
0xc2: {  	[sflag:s25] =	ssyncadd.s32 $0xFFFFF9C0  }
0xc3: {  	_ =	swait.ge [sflag:s25], $0x640  }
0xc4: {  	[sflag:s25] =	ssyncset.done $0x0  }
0xc5: {  	[sflag:s25] =	ssyncadd.s32 $0xFFFFF9C0  }
0xc6: {  	_ =	swait.ge [sflag:s25], $0x640  }
0xc7: {  	[sflag:s25] =	ssyncset.done $0x0  }
0xc8: {  	s20 =	sadd.s32 $0x2A00, s18;
	s29 =	simm.s32 $0xBB00;
	[sflag:s25] =	ssyncadd.s32 $0xFFFFF9C0  }
0xc9: {  	[hbm4b:s20+s4] =	stream.strided.scatter [tilespmem:s29], [sflag:$0xC], $0x640, s5, s4, $0x38;
	[tilespmem:$0x13800] =	vst v63  }
0xca: {  	s20 =	sadd.s32 $0x2D80, s18;
	s29 =	simm.s32 $0xC140  }
0xcb: {  	[hbm4b:s20+s4] =	stream.strided.scatter [tilespmem:s29], [sflag:$0xC], $0x640, s5, s4, $0x38;
	[tilespmem:$0x13800] =	vst v63  }
0xcc: {  	s20 =	sadd.s32 $0x3100, s18;
	s29 =	simm.s32 $0xC780  }
0xcd: {  	[hbm4b:s20+s4] =	stream.strided.scatter [tilespmem:s29], [sflag:$0xC], $0x640, s5, s4, $0x38;
	[tilespmem:$0x13800] =	vst v63  }
0xce: {  	s20 =	sadd.s32 $0x3480, s18;
	s29 =	simm.s32 $0xCDC0  }
0xcf: {  	[hbm4b:s20+s4] =	stream.strided.scatter [tilespmem:s29], [sflag:$0xC], $0x640, s5, s4, $0x38;
	[tilespmem:$0x13800] =	vst v63  }
0xd0: {  	s20 =	simm.s32 @!p0 $0xA  }
0xd1: {  	_ =	swait.ge @!p0 [sflag:s20], $0x1900  }
0xd2: {  	[sflag:s20] =	ssyncset.done @!p0 $0x0  }
0xd3: {  	s29 =	simm.s32 @!p0 $0x8900;
	[sflag:s20] =	ssyncadd.s32 @!p0 $0xFFFFE700;
	s20 =	sadd.s32 @!p0 $0x7E0, s31  }
0xd4: {  	[tilespmem:s29], [sflag:$0x2] =	stream.indirect.gather @!p0 [hbm4b:s3+s12], $0x20, s20, s12, $0xb8;
	[tilespmem:$0x13800] =	vst v63  }
0xd5: {  	s20 =	sadd.s32 @!p0 $0x818, s31;
	s29 =	simm.s32 @!p0 $0x8F40  }
0xd6: {  	[tilespmem:s29], [sflag:$0x2] =	stream.indirect.gather @!p0 [hbm4b:s3+s12], $0x20, s20, s12, $0xb8;
	[tilespmem:$0x13800] =	vst v63  }
0xd7: {  	s20 =	sadd.s32 @!p0 $0x850, s31;
	s29 =	simm.s32 @!p0 $0x9580  }
0xd8: {  	[tilespmem:s29], [sflag:$0x2] =	stream.indirect.gather @!p0 [hbm4b:s3+s12], $0x20, s20, s12, $0xb8;
	[tilespmem:$0x13800] =	vst v63  }
0xd9: {  	s20 =	sadd.s32 @!p0 $0x888, s31;
	s29 =	simm.s32 @!p0 $0x9BC0  }
0xda: {  	[tilespmem:s29], [sflag:$0x2] =	stream.indirect.gather @!p0 [hbm4b:s3+s12], $0x20, s20, s12, $0xb8;
	[tilespmem:$0x13800] =	vst v63  }
0xdb: {  	_ =	swait.ge [sflag:s28], $0x640  }
0xdc: {  	[sflag:s28] =	ssyncset.done $0x0  }
0xdd: {  	[sflag:s28] =	ssyncadd.s32 $0xFFFFF9C0  }
0xde: {  	_ =	swait.ge [sflag:s28], $0x640  }
0xdf: {  	[sflag:s28] =	ssyncset.done $0x0  }
0xe0: {  	[sflag:s28] =	ssyncadd.s32 $0xFFFFF9C0  }
0xe1: {  	_ =	swait.ge [sflag:s28], $0x640  }
0xe2: {  	[sflag:s28] =	ssyncset.done $0x0  }
0xe3: {  	[sflag:s28] =	ssyncadd.s32 $0xFFFFF9C0  }
0xe4: {  	_ =	swait.ge [sflag:s28], $0x640  }
0xe5: {  	[sflag:s28] =	ssyncset.done $0x0  }
0xe6: {  	s20 =	sadd.s32 $0x3800, s18;
	s29 =	simm.s32 $0xD400;
	[sflag:s28] =	ssyncadd.s32 $0xFFFFF9C0  }
0xe7: {  	[hbm4b:s20+s4] =	stream.strided.scatter [tilespmem:s29], [sflag:$0xD], $0x640, s5, s4, $0x38;
	[tilespmem:$0x13800] =	vst v63  }
0xe8: {  	s20 =	sadd.s32 $0x3B80, s18;
	s29 =	simm.s32 $0xDA40  }
0xe9: {  	[hbm4b:s20+s4] =	stream.strided.scatter [tilespmem:s29], [sflag:$0xD], $0x640, s5, s4, $0x38;
	[tilespmem:$0x13800] =	vst v63  }
0xea: {  	s20 =	sadd.s32 $0x3F00, s18;
	s29 =	simm.s32 $0xE080  }
0xeb: {  	[hbm4b:s20+s4] =	stream.strided.scatter [tilespmem:s29], [sflag:$0xD], $0x640, s5, s4, $0x38;
	[tilespmem:$0x13800] =	vst v63  }
0xec: {  	s20 =	sadd.s32 $0x4280, s18;
	s29 =	simm.s32 $0xE6C0  }
0xed: {  	[hbm4b:s20+s4] =	stream.strided.scatter [tilespmem:s29], [sflag:$0xD], $0x640, s5, s4, $0x38;
	[tilespmem:$0x13800] =	vst v63  }
0xee: {  	s20 =	simm.s32 @!p0 $0xB  }
0xef: {  	_ =	swait.ge @!p0 [sflag:s20], $0x1900  }
0xf0: {  	[sflag:s20] =	ssyncset.done @!p0 $0x0  }
0xf1: {  	s29 =	simm.s32 @!p0 $0xA200;
	[sflag:s20] =	ssyncadd.s32 @!p0 $0xFFFFE700;
	s20 =	sadd.s32 @!p0 $0x8C0, s31  }
0xf2: {  	[tilespmem:s29], [sflag:$0x3] =	stream.indirect.gather @!p0 [hbm4b:s3+s12], $0x20, s20, s12, $0xb8;
	[tilespmem:$0x13800] =	vst v63  }
0xf3: {  	s20 =	sadd.s32 @!p0 $0x8F8, s31;
	s29 =	simm.s32 @!p0 $0xA840  }
0xf4: {  	[tilespmem:s29], [sflag:$0x3] =	stream.indirect.gather @!p0 [hbm4b:s3+s12], $0x20, s20, s12, $0xb8;
	[tilespmem:$0x13800] =	vst v63  }
0xf5: {  	s20 =	sadd.s32 @!p0 $0x930, s31;
	s29 =	simm.s32 @!p0 $0xAE80  }
0xf6: {  	[tilespmem:s29], [sflag:$0x3] =	stream.indirect.gather @!p0 [hbm4b:s3+s12], $0x20, s20, s12, $0xb8;
	[tilespmem:$0x13800] =	vst v63  }
0xf7: {  	s20 =	sadd.s32 @!p0 $0x968, s31;
	s29 =	simm.s32 @!p0 $0xB4C0  }
0xf8: {  	[tilespmem:s29], [sflag:$0x3] =	stream.indirect.gather @!p0 [hbm4b:s3+s12], $0x20, s20, s12, $0xb8;
	[tilespmem:$0x13800] =	vst v63  }
0xf9: {  	_ =	swait.ge [sflag:s30], $0x640  }
0xfa: {  	[sflag:s30] =	ssyncset.done $0x0  }
0xfb: {  	[sflag:s30] =	ssyncadd.s32 $0xFFFFF9C0  }
0xfc: {  	_ =	swait.ge [sflag:s30], $0x640  }
0xfd: {  	[sflag:s30] =	ssyncset.done $0x0  }
0xfe: {  	[sflag:s30] =	ssyncadd.s32 $0xFFFFF9C0  }
0xff: {  	_ =	swait.ge [sflag:s30], $0x640  }
0x100: {  	[sflag:s30] =	ssyncset.done $0x0  }
0x101: {  	[sflag:s30] =	ssyncadd.s32 $0xFFFFF9C0  }
0x102: {  	_ =	swait.ge [sflag:s30], $0x640  }
0x103: {  	[sflag:s30] =	ssyncset.done $0x0  }
0x104: {  	s29 =	sadd.s32 $0x4600, s18;
	[sflag:s30] =	ssyncadd.s32 $0xFFFFF9C0  }
0x105: {  	[hbm4b:s29+s4] =	stream.strided.scatter [tilespmem:s16], [sflag:$0xE], $0x640, s5, s4, $0x38;
	[tilespmem:$0x13800] =	vst v63  }
0x106: {  	s29 =	sadd.s32 $0x4980, s18  }
0x107: {  	[hbm4b:s29+s4] =	stream.strided.scatter [tilespmem:s1], [sflag:$0xE], $0x640, s5, s4, $0x38;
	[tilespmem:$0x13800] =	vst v63  }
0x108: {  	s29 =	sadd.s32 $0x4D00, s18  }
0x109: {  	[hbm4b:s29+s4] =	stream.strided.scatter [tilespmem:s24], [sflag:$0xE], $0x640, s5, s4, $0x38;
	[tilespmem:$0x13800] =	vst v63  }
0x10a: {  	s20 =	sadd.s32 $0x5080, s18;
	s29 =	simm.s32 $0xFFC0  }
0x10b: {  	[hbm4b:s20+s4] =	stream.strided.scatter [tilespmem:s29], [sflag:$0xE], $0x640, s5, s4, $0x38;
	[tilespmem:$0x13800] =	vst v63  }
0x10c: {  	s20 =	simm.s32 @!p0 $0xC  }
0x10d: {  	_ =	swait.ge @!p0 [sflag:s20], $0x1900  }
0x10e: {  	[sflag:s20] =	ssyncset.done @!p0 $0x0  }
0x10f: {  	s29 =	simm.s32 @!p0 $0xBB00;
	[sflag:s20] =	ssyncadd.s32 @!p0 $0xFFFFE700;
	s20 =	sadd.s32 @!p0 $0x9A0, s31  }
0x110: {  	[tilespmem:s29], [sflag:$0x4] =	stream.indirect.gather @!p0 [hbm4b:s3+s12], $0x20, s20, s12, $0xb8;
	[tilespmem:$0x13800] =	vst v63  }
0x111: {  	s20 =	sadd.s32 @!p0 $0x9D8, s31;
	s29 =	simm.s32 @!p0 $0xC140  }
0x112: {  	[tilespmem:s29], [sflag:$0x4] =	stream.indirect.gather @!p0 [hbm4b:s3+s12], $0x20, s20, s12, $0xb8;
	[tilespmem:$0x13800] =	vst v63  }
0x113: {  	s20 =	sadd.s32 @!p0 $0xA10, s31;
	s29 =	simm.s32 @!p0 $0xC780  }
0x114: {  	[tilespmem:s29], [sflag:$0x4] =	stream.indirect.gather @!p0 [hbm4b:s3+s12], $0x20, s20, s12, $0xb8;
	[tilespmem:$0x13800] =	vst v63  }
0x115: {  	s20 =	sadd.s32 @!p0 $0xA48, s31;
	s29 =	simm.s32 @!p0 $0xCDC0  }
0x116: {  	[tilespmem:s29], [sflag:$0x4] =	stream.indirect.gather @!p0 [hbm4b:s3+s12], $0x20, s20, s12, $0xb8;
	[tilespmem:$0x13800] =	vst v63  }
0x117: {  	_ =	swait.ge [sflag:s0], $0x640  }
0x118: {  	[sflag:s0] =	ssyncset.done $0x0  }
0x119: {  	[sflag:s0] =	ssyncadd.s32 $0xFFFFF9C0  }
0x11a: {  	_ =	swait.ge [sflag:s0], $0x640  }
0x11b: {  	[sflag:s0] =	ssyncset.done $0x0  }
0x11c: {  	[sflag:s0] =	ssyncadd.s32 $0xFFFFF9C0  }
0x11d: {  	_ =	swait.ge [sflag:s0], $0x640  }
0x11e: {  	[sflag:s0] =	ssyncset.done $0x0  }
0x11f: {  	[sflag:s0] =	ssyncadd.s32 $0xFFFFF9C0  }
0x120: {  	_ =	swait.ge [sflag:s0], $0x640  }
0x121: {  	[sflag:s0] =	ssyncset.done $0x0  }
0x122: {  	s29 =	sadd.s32 $0x5400, s18;
	[sflag:s0] =	ssyncadd.s32 $0xFFFFF9C0  }
0x123: {  	[hbm4b:s29+s4] =	stream.strided.scatter [tilespmem:s7], [sflag:$0xF], $0x640, s5, s4, $0x38;
	[tilespmem:$0x13800] =	vst v63  }
0x124: {  	s29 =	sadd.s32 $0x5780, s18  }
0x125: {  	[hbm4b:s29+s4] =	stream.strided.scatter [tilespmem:s9], [sflag:$0xF], $0x640, s5, s4, $0x38;
	[tilespmem:$0x13800] =	vst v63  }
0x126: {  	s7 =	sadd.s32 $0x5B00, s18  }
0x127: {  	[hbm4b:s7+s4] =	stream.strided.scatter [tilespmem:s11], [sflag:$0xF], $0x640, s5, s4, $0x38;
	[tilespmem:$0x13800] =	vst v63  }
0x128: {  	s20 =	simm.s32 @!p0 $0xD;
	s29 =	sadd.s32 $0x5E80, s18  }
0x129: {  	[hbm4b:s29+s4] =	stream.strided.scatter [tilespmem:s15], [sflag:$0xF], $0x640, s5, s4, $0x38;
	[tilespmem:$0x13800] =	vst v63  }
0x12a: {  	_ =	swait.ge @!p0 [sflag:s20], $0x1900  }
0x12b: {  	[sflag:s20] =	ssyncset.done @!p0 $0x0  }
0x12c: {  	s29 =	simm.s32 @!p0 $0xD400;
	[sflag:s20] =	ssyncadd.s32 @!p0 $0xFFFFE700;
	s20 =	sadd.s32 @!p0 $0xA80, s31  }
0x12d: {  	[tilespmem:s29], [sflag:$0x5] =	stream.indirect.gather @!p0 [hbm4b:s3+s12], $0x20, s20, s12, $0xb8;
	[tilespmem:$0x13800] =	vst v63  }
0x12e: {  	s20 =	sadd.s32 @!p0 $0xAB8, s31;
	s29 =	simm.s32 @!p0 $0xDA40  }
0x12f: {  	[tilespmem:s29], [sflag:$0x5] =	stream.indirect.gather @!p0 [hbm4b:s3+s12], $0x20, s20, s12, $0xb8;
	[tilespmem:$0x13800] =	vst v63  }
0x130: {  	s20 =	sadd.s32 @!p0 $0xAF0, s31;
	s29 =	simm.s32 @!p0 $0xE080  }
0x131: {  	[tilespmem:s29], [sflag:$0x5] =	stream.indirect.gather @!p0 [hbm4b:s3+s12], $0x20, s20, s12, $0xb8;
	[tilespmem:$0x13800] =	vst v63  }
0x132: {  	s20 =	sadd.s32 @!p0 $0xB28, s31;
	s29 =	simm.s32 @!p0 $0xE6C0  }
0x133: {  	[tilespmem:s29], [sflag:$0x5] =	stream.indirect.gather @!p0 [hbm4b:s3+s12], $0x20, s20, s12, $0xb8;
	[tilespmem:$0x13800] =	vst v63  }
0x134: {  	_ =	swait.ge [sflag:s10], $0x640  }
0x135: {  	[sflag:s10] =	ssyncset.done $0x0  }
0x136: {  	[sflag:s10] =	ssyncadd.s32 $0xFFFFF9C0  }
0x137: {  	_ =	swait.ge [sflag:s10], $0x640  }
0x138: {  	[sflag:s10] =	ssyncset.done $0x0  }
0x139: {  	[sflag:s10] =	ssyncadd.s32 $0xFFFFF9C0  }
0x13a: {  	_ =	swait.ge [sflag:s10], $0x640  }
0x13b: {  	[sflag:s10] =	ssyncset.done $0x0  }
0x13c: {  	[sflag:s10] =	ssyncadd.s32 $0xFFFFF9C0  }
0x13d: {  	_ =	swait.ge [sflag:s10], $0x640  }
0x13e: {  	[sflag:s10] =	ssyncset.done $0x0  }
0x13f: {  	s7 =	sadd.s32 $0x6200, s18;
	[sflag:s10] =	ssyncadd.s32 $0xFFFFF9C0  }
0x140: {  	[hbm4b:s7+s4] =	stream.strided.scatter [tilespmem:s17], [sflag:$0x10], $0x640, s5, s4, $0x38;
	[tilespmem:$0x13800] =	vst v63  }
0x141: {  	s20 =	sadd.s32 $0x6580, s18  }
0x142: {  	[hbm4b:s20+s4] =	stream.strided.scatter [tilespmem:s19], [sflag:$0x10], $0x640, s5, s4, $0x38;
	[tilespmem:$0x13800] =	vst v63  }
.Ltmp2:
0x143: {  	_ = 	snop;
	(pc) =	sbr.rel @p0 .LBB2_4-.Ltmp2, $4  }
0x144: {  	s29 =	sadd.s32 $0x6900, s18  }
0x145: {  	[hbm4b:s29+s4] =	stream.strided.scatter [tilespmem:s21], [sflag:$0x10], $0x640, s5, s4, $0x38;
	[tilespmem:$0x13800] =	vst v63  }
0x146: {  	s31 =	sadd.s32 $0x6C80, s18  }
0x147: {  	[hbm4b:s31+s4] =	stream.strided.scatter [tilespmem:s6], [sflag:$0x10], $0x640, s5, s4, $0x38;
	[tilespmem:$0x13800] =	vst v63  }
0x148: {  	_ =	swait.ge [sflag:s14], $0x1900  }
0x149: {  	[sflag:s14] =	ssyncset.done $0x0  }
0x14a: {  	s12 =	sadd.s32 $0xB60, s26;
	[sflag:s14] =	ssyncadd.s32 $0xFFFFE700  }
0x14b: {  	[tilespmem:s16], [sflag:$0x6] =	stream.indirect.gather [hbm4b:s3+s8], $0x20, s12, s8, $0xb8;
	[tilespmem:$0x13800] =	vst v63  }
0x14c: {  	s20 =	sadd.s32 $0xB98, s26  }
0x14d: {  	[tilespmem:s1], [sflag:$0x6] =	stream.indirect.gather [hbm4b:s3+s8], $0x20, s20, s8, $0xb8;
	[tilespmem:$0x13800] =	vst v63  }
.Ltmp3:
0x14e: {  	_ = 	snop;
	(pc) =	sbr.rel .LBB2_2-.Ltmp3, $4  }
0x14f: {  	s29 =	sadd.s32 $0xBD0, s26;
	s31 =	sadd.s32 $0xC08, s26  }
0x150: {  	[tilespmem:s24], [sflag:$0x6] =	stream.indirect.gather [hbm4b:s3+s8], $0x20, s29, s8, $0xb8;
	[tilespmem:$0x13800] =	vst v63  }
0x151: {  	s6 =	simm.s32 $0xFFC0;
	s22 =	sadd.s32 $0x1C00, s22;
	s18 =	sadd.s32 $0x7000, s18  }
0x152: {  	[tilespmem:s6], [sflag:$0x6] =	stream.indirect.gather [hbm4b:s3+s8], $0x20, s31, s8, $0xb8;
	[tilespmem:$0x13800] =	vst v63  }
.LBB2_5:
0x153: {  	_ =	sfence.sel $0x180000  }
0x154: {  	[bflag:$0x0] =	sbarrier.arrive $0xFFFF  }
0x155: {  	_ =	strace $0x90000047  }
0x156: {  	s0 =	stileid.u32;
	[bflag:$0x2] =	sbarrier.arrive $0xFFFF  }
0x157: {  	p0 =	sne.s32 s0, $0x0;
	s0 =	rddreg [dreg:$0x2]  }
0x158: {  	s0 =	sadd.s32 @!p0 $0x100000, s0  }
0x159: {  	[sflag:s0] =	ssyncadd.tile.s32 @!p0 $0x1;
	_ =	shalt  }
.Lfunc_end2:
_tile_overlayer_lowered:
.L_overlay_start_2:
0x15a: {  	(tag) =	ssettag $0x2  }
0x15b: {  	s0 =	rddreg [dreg:$0x0];
	s2 =	stileid.u32  }
0x15c: {  	s1 =	rddreg [dreg:$0x1];
	p0 =	sne.s32 s2, $0x0  }
0x15d: {  	s3 =	rddreg [dreg:$0x2];
	[bflag:$0x3] =	sbarrier.arrive $0xFFFF;
	s2 =	simm.s32 @!p0 $0x1C11  }
0x15e: {  	[timem:s3], [sflag:s2] =	dma.local @!p0 [hbm:s0], s1  }
0x15f: {  	s0 =	simm.s32 @!p0 $0x11  }
0x160: {  	_ =	swait.ge @!p0 [sflag:s0], s1  }
0x161: {  	s1 =	ssub.s32 @!p0 $0x0, s1;
	[sflag:s0] =	ssyncset.done @!p0 $0x0  }
0x162: {  	[sflag:s0] =	ssyncadd.s32 @!p0 s1  }
0x163: {  	[bflag:$0x3] =	sbarrier.arrive $0xFFFF  }
0x164: {  	_ =	shalt  }

// kernel: sparse-core-data-format-call.cloned.1.call-start
scs
called_computation_lowered:
.L_overlay_start_0:
0x0: {  	s2 =	sld [smem:$0x3FD9]  }
0x1: {  	s3 =	sld [smem:$0x3FFE];
	_ =	sdelay $0x1  }
0x2: {  	s1 =	srdreg.scid  }
0x3: {  	s0 =	sand.u32 $0x1, s1  }
0x4: {  	s18 =	sshll.u32 s0, $0xA;
	s2 =	sadd.s32 s3, s2  }
0x5: {  	s2 =	sadd.s32 s2, s18  }
0x6: {  	[smem:$0x3FC6] =	sst s2  }
0x7: {  	_ = 	snop  }
0x8: {  	s2 =	sld [smem:$0x3FD0];
	(tm) =	ssettm $0x1  }
0x9: {  	s19 =	sld [smem:$0x3FFB];
	_ =	sdelay $0x3  }
0xa: {  	_ =	strace s19  }
0xb: {  	s3 =	sld [smem:$0x3FFC];
	_ =	sdelay $0x3  }
0xc: {  	_ =	strace s3  }
0xd: {  	s3 =	sld [smem:$0x3FFD];
	_ =	sdelay $0x3  }
0xe: {  	_ =	strace s3  }
0xf: {  	_ =	strace $0x8FFFFFFF  }
0x10: {  	s20 =	sld [smem:$0x3FDB];
	_ =	sdelay $0x1  }
0x11: {  	s4 =	simm.s32 $_scs_section_size  }
0x12: {  	s5 =	simm.s32 $_size__tile_overlayer_lowered;
	s6 =	simm.s32 $_tile_overlayer_lowered  }
0x13: {  	s23 =	simm.s32 $0x1BFF;
	s22 =	sshll.u32 s6, $0x1;
	s3 =	sadd.s32 s4, s20  }
0x14: {  	s7 =	simm.s32 $0x0;
	s21 =	sshll.u32 s5, $0x1;
	s5 =	sadd.s32 s22, s3  }
0x15: {  	[timem:s7], [sflag:s23] =	dma.local [hbm:s5], s21  }
0x16: {  	_ =	swait.ge [sflag:s23], s21  }
0x17: {  	s4 =	ssub.s32 $0x0, s21;
	[sflag:s23] =	ssyncset.done $0x0  }
0x18: {  	[sflag:s23] =	ssyncadd.s32 s4;
	_ =	sdelay $0x1  }
0x19: {  	s24 =	simm.s32 $0x1B8B  }
0x1a: {  	_ =	swait.ge [sflag:s24], $0x1  }
0x1b: {  	[sflag:s24] =	ssyncset.done $0x0  }
0x1c: {  	s26 =	simm.s32 $0x1B8E;
	s25 =	sld [smem:$0x3FFE];
	[sflag:s24] =	ssyncadd.s32 $0xFFFFFFFF  }
0x1d: {  	s27 =	simm.s32 $execute0_lowered;
	[smem:$0x3FD2] =	sst s26  }
0x1e: {  	s5 =	sshll.u32 s27, $0x1;
	_ =	strace $0x80000049;
	[dreg:$0x1] =	wrdreg $0xFFFFFFFF  }
0x1f: {  	s28 =	simm.s32 $_size_execute0_lowered;
	s3 =	sadd.s32 s3, s5;
	[dreg:$0x0] =	wrdreg $0x0  }
0x20: {  	s5 =	sshll.u32 s28, $0x1;
	[dreg:$0x2] =	wrdreg s3  }
0x21: {  	[dreg:$0x3] =	wrdreg s5  }
0x22: {  	[dreg:$0x4] =	wrdreg $0xC0  }
0x23: {  	_ =	task [dreg:s7], $0x5FFFF  }
0x24: {  	[dreg:$0x1] =	wrdreg $0xFFFFFFFF  }
0x25: {  	[dreg:$0x0] =	wrdreg $0x60  }
0x26: {  	[dreg:$0x2] =	wrdreg s25  }
0x27: {  	[dreg:$0x3] =	wrdreg s2  }
0x28: {  	[dreg:$0x4] =	wrdreg $0x9  }
0x29: {  	_ =	task.clear_ibuf [dreg:s7], $0x5FFFF;
	_ =	strace $0x90000049  }
0x2a: {  	s29 =	simm.s32 $0x9;
	_ =	strace $0x8000004B  }
0x2b: {  	_ =	swait.ge [sflag:s29], $0x1  }
0x2c: {  	[sflag:s29] =	ssyncadd.s32 $0xFFFFFFFF  }
0x2d: {  	_ =	strace $0x9000004B  }
0x2e: {  	_ =	sfence  }
0x2f: {  	s30 =	sld [smem:$0x0];
	_ =	sdelay $0x2  }
0x30: {  	s31 =	sshll.u32 s1, $0xD;
	s1 =	sshrl.u32 s1, $0x2  }
0x31: {  	s3 =	sand.u32 $0x4000, s31;
	s1 =	sadd.s32 s1, s30  }
0x32: {  	s0 =	sor.u32 s3, s0;
	s1 =	sshll.u32 s1, $0x11  }
0x33: {  	s0 =	sor.u32 s1, s0  }
0x34: {  	s0 =	sadd.s32 $0x8F2B, s0  }
0x35: {  	[sflag:s0] =	ssyncadd.remote.s32 $0x1  }
0x36: {  	_ =	sfence.sel $0xFFFF  }
0x37: {  	[dreg:$0x0] =	wrdreg $0xFFFFFFFF;
	(pc) =	sbr.abs _section_cstart, $3  }
0x38: {  	[dreg:$0x1] =	wrdreg $0xFFFFFFFF  }
0x39: {  	_ =	task.clear_ibuf [dreg:s7], $0x2FFFF;
	_ =	strace $0x9FFFFFFF  }
0x3a: {  	(tm) =	ssettm $0x7FFFFFFF  }
0x3b: {  	_ =	shalt  }
tec
execute0_lowered:
.L_overlay_start_1:
0x0: {  	(tag) =	ssettag $0x1  }
0x1: {  	s0 =	srdreg.scid  }
0x2: {  	s1 =	sshll.u32 s0, $0x4  }
0x3: {  	s0 =	stileid.u32;
	s1 =	sand.u32 $0x10, s1  }
0x4: {  	s1 =	sor.u32 s0, s1  }
0x5: {  	s6 =	rddreg [dreg:$0x0];
	s4 =	simm.s32 $0x1;
	s2 =	sshll.u32 s1, $0x7  }
0x6: {  	s7 =	simm.s32 $0x2;
	s12 =	simm.s32 $0x0;
	s1 =	ssub.s32 $0x4000, s2  }
0x7: {  	s8 =	simm.s32 $0x20000;
	s13 =	simm.s32 $0x0;
	s3 =	sand.u32 $0xF80, s1  }
0x8: {  	s9 =	simm.s32 $0x0;
	s5 =	sshrl.u32 s1, $0xC;
	p0 =	sne.s32 s3, $0x0  }
.Ltmp0:
0x9: {  	s1 =	rddreg [dreg:$0x2];
	s4 =	simm.s32 @!p0 $0x0;
	(pc) =	sbr.rel .LBB1_1-.Ltmp0, $4  }
0xa: {  	s11 =	simm.s32 $0x0;
	s3 =	rddreg [dreg:$0x1];
	s5 =	sadd.s32 s4, s5  }
0xb: {  	_ =	strace $0x8000004A;
	s4 =	simm.s32 $0x1;
	s5 =	smul.u32 $0x32, s5  }
0xc: {  	s6 =	sadd.s32 $0xA00, s6;
	s10 =	smov.u32 s2;
	[sflag:s4] =	ssyncpa.u1 $0x0  }
0xd: {  	p0 =	por $0x0, $0x0;
	[sflag:s7] =	ssyncpa.u1 $0x0;
	s7 =	sor.u32 $0x1, s5  }
.LBB1_4:
0xe: {  	s16 =	sshll.u32 s13, $0x3;
	s17 =	sand.u32 $0x78, s13  }
0xf: {  	s30 =	sand.u32 $0xF800, s13;
	s12 =	sshll.u32 s12, $0x10;
	s16 =	sand.u32 $0x3C00, s16  }
0x10: {  	s31 =	sand.u32 $0x7, s13;
	s16 =	sor.u32 s17, s16;
	s17 =	sadd.s32 s3, s30  }
0x11: {  	s13 =	sshll.u32 s31, $0x12;
	s16 =	sshrl.u32 s16, $0x3;
	s12 =	sadd.s32 s12, s17  }
0x12: {  	[tilespmem:s15+$0x0 ss:$0x81] =	vst.msk $0xffff, v0;
	s13 =	sor.u32 $0x400, s13;
	s12 =	sadd.s32 s16, s12  }
0x13: {  	[hbm4b:s12+s13] =	stream.strided.scatter [tilespmem:s14], [sflag:$0x2], $0x1000, s8, s13, $0x20;
	[tilespmem:$0x4040] =	vst v63  }
.LBB1_5:
0x14: {  	s14 =	sadd.s32 $0x1, s9  }
0x15: {  	s12 =	sadd.s32 $0x1000, s10;
	s16 =	smov.u32 s10;
	p2 =	sgt.s32 s14, $0x31  }
0x16: {  	s16 =	smov.u32 @p2 s12  }
0x17: {  	s14 =	simm.s32 @p2 $0x0;
	p2 =	sgt.s32 s16, $0x3FFF  }
0x18: {  	s16 =	smov.u32 @p2 s2;
	p2 =	sne.s32 s11, s7  }
.Ltmp1:
0x19: {  	p1 =	slt.u32 s11, $0x2;
	(pc) =	sbr.rel @!p2 .LBB1_6-.Ltmp1, $4  }
0x1a: {  	s15 =	simm.s32 @!p1 $0x2  }
0x1b: {  	s13 =	smov.u32 s10;
	p0 =	por !p0, !p0;
	_ =	swait.ge @!p1 [sflag:s15], $0x1000  }
0x1c: {  	s12 =	smov.u32 s9;
	[sflag:s15] =	ssyncset.done @!p1 $0x0;
	s9 =	smov.u32 s14  }
0x1d: {  	s11 =	sadd.s32 $0x1, s11;
	[sflag:s15] =	ssyncadd.s32 @!p1 $0xFFFFF000;
	s10 =	smov.u32 s16  }
.LBB1_1:
0x1e: {  	p1 =	sge.u32 s11, s5  }
0x1f: {  	s14 =	sand.u32 @!p1 $0x1FFFFFF, s9  }
0x20: {  	s15 =	smulhi.u32 @!p1 $0x4924925, s14;
	_ =	sdelay $0x1  }
0x21: {  	s15 =	smul.u32 @!p1 $0x38, s15  }
0x22: {  	s16 =	sxor.u32 @!p1 $0xFFFFFFFF, s11;
	s17 =	smul.u32 @!p1 $0x380, s10  }
0x23: {  	s31 =	sadd.s32 $0xFFFFFFFF, s11;
	s16 =	sshll.u32 @!p1 s16, $0xC;
	s14 =	ssub.s32 @!p1 s14, s15  }
0x24: {  	s15 =	sand.u32 @!p1 $0x1000, s16;
	s16 =	sadd.s32 @!p1 s6, s17;
	s14 =	sshll.u32 @!p1 s14, $0x4  }
0x25: {  	s17 =	simm.s32 @!p1 $0x1C00;
	s14 =	sadd.s32 @!p1 s14, s16;
	s16 =	simm.s32 @!p1 $0x20  }
0x26: {  	[tilespmem:s15], [sflag:$0x1] =	stream.strided.gather @!p1 [hbm4b:s14+s16], $0x1000, s17, s16, $0x38;
	[tilespmem:$0x4040] =	vst v63  }
0x27: {  	p1 =	sge.u32 s31, s5  }
.Ltmp2:
0x28: {  	_ = 	snop;
	(pc) =	sbr.rel @p1 .LBB1_5-.Ltmp2, $1  }
0x29: {  	_ =	sdelay $0x3  }
0x2a: {  	s14 =	simm.s32 $0x1  }
0x2b: {  	_ =	swait.ge [sflag:s4], $0x1000;
	s14 =	simm.s32 @!p0 $0x0  }
0x2c: {  	[sflag:s4] =	ssyncset.done $0x0;
	s15 =	sshll.u32 s14, $0xC  }
0x2d: {  	[sflag:s4] =	ssyncadd.s32 $0xFFFFF000;
	s18 =	sor.u32 $0x10, s15  }
0x2e: {  	s14 =	smul.u32 $0x4080, s14;
	v1 =	vld [tilespmem:s18+$0x0]  }
0x2f: {  	s30 =	sand.u32 $0x1, s11;
	v0 =	vld [tilespmem:s18+$0xFFFFFFF0]  }
0x30: {  	s15 =	smul.u32 $0x4080, s30;
	s14 =	sshrl.u32 s14, $0x2  }
0x31: {  	s16 =	sor.u32 $0x2000, s14  }
0x32: {  	s31 =	sshrl.u32 s15, $0x2;
	s15 =	sadd.s32 $0x0, s16  }
0x33: {  	s17 =	simm.s32 $0x4;
	s18 =	sadd.s32 $0x20, s18;
	s14 =	sor.u32 $0x2000, s31;
	[tilespmem:s15+$0x810 ss:$0x81] =	vst.msk $0xffff, v1  }
.LBB1_3:
0x34: {  	v1 =	vld [tilespmem:s18+$0x0];
	p1 =	sne.s32 s17, $0x1FC;
	[tilespmem:s15+$0x0 ss:$0x81] =	vst.msk $0xffff, v0;
	s15 =	smov.u32 s17;
	s17 =	sadd.s32 $0x4, s17  }
.Ltmp3:
0x35: {  	v0 =	vld [tilespmem:s18+$0xFFFFFFF0];
	(pc) =	sbr.rel @p1 .LBB1_3-.Ltmp3, $4  }
0x36: {  	_ = 	snop  }
0x37: {  	s15 =	sshra.s32 s15, $0x2  }
0x38: {  	s15 =	sadd.s32 s15, s16  }
0x39: {  	s18 =	sadd.s32 $0x20, s18;
	[tilespmem:s15+$0x810 ss:$0x81] =	vst.msk $0xffff, v1  }
.Ltmp4:
0x3a: {  	_ = 	snop;
	(pc) =	sbr.rel .LBB1_4-.Ltmp4, $1  }
0x3b: {  	_ =	sdelay $0x3  }
.LBB1_6:
0x3c: {  	_ =	sfence.sel $0x180000  }
0x3d: {  	s2 =	simm.s32 $0x1;
	[bflag:$0x0] =	sbarrier.arrive $0xFFFF  }
0x3e: {  	s31 =	simm.s32 $0x2;
	[sflag:s2] =	ssyncpa.u1 $0x1  }
0x3f: {  	[sflag:s31] =	ssyncpa.u1 $0x1  }
0x40: {  	p0 =	sne.s32 s0, $0x0;
	_ =	strace $0x9000004A  }
0x41: {  	s0 =	sadd.s32 @!p0 $0x100000, s1;
	[bflag:$0x2] =	sbarrier.arrive $0xFFFF  }
0x42: {  	[sflag:s0] =	ssyncadd.tile.s32 @!p0 $0x1;
	_ =	shalt  }
.Lfunc_end1:
_tile_overlayer_lowered:
.L_overlay_start_2:
0x43: {  	(tag) =	ssettag $0x2  }
0x44: {  	s0 =	rddreg [dreg:$0x0];
	s2 =	stileid.u32  }
0x45: {  	s1 =	rddreg [dreg:$0x1];
	p0 =	sne.s32 s2, $0x0  }
0x46: {  	s3 =	rddreg [dreg:$0x2];
	[bflag:$0x3] =	sbarrier.arrive $0xFFFF;
	s2 =	simm.s32 @!p0 $0x1C01  }
0x47: {  	[timem:s3], [sflag:s2] =	dma.local @!p0 [hbm:s0], s1  }
0x48: {  	s0 =	simm.s32 @!p0 $0x1  }
0x49: {  	_ =	swait.ge @!p0 [sflag:s0], s1  }
0x4a: {  	s1 =	ssub.s32 @!p0 $0x0, s1;
	[sflag:s0] =	ssyncset.done @!p0 $0x0  }
0x4b: {  	[sflag:s0] =	ssyncadd.s32 @!p0 s1  }
0x4c: {  	[bflag:$0x3] =	sbarrier.arrive $0xFFFF  }
0x4d: {  	_ =	shalt  }

</sc_bundles>
